<compile_context>
chip_gen: v7x
topology: tpu7x:2x2x1
jax: 0.10.2.dev20260603
libtpu: 0.0.44.dev20260713+nightly
codegen_flags: <defaults>
</compile_context>

<pallas_src>
import jax
import jax.numpy as jnp
from jax import lax
from jax.experimental import pallas as pl
from jax.experimental.pallas import tpu as pltpu
from jax.experimental.pallas import tpu_sc as plsc

N = 10000
E = 320000
D_IN = 128
D_H = 128
D_OUT = 40
D2P = 64
D2G = 128
BN_EPS = 1e-5

NC = 2
NS = 16
NW = NC * NS
EPW = E // NW
CH = 80
NCHUNK = EPW // CH
NQUAD = 31
RINIT = 640
NFULL = 8
NLAST = 5
TAIL0 = 15 * RINIT
TAILN = N - TAIL0

_MESH = plsc.VectorSubcoreMesh(core_axis_name="c", subcore_axis_name="s")


def _ring_edge_loop(x_h, src_h, dst_h, base, rows, isx, idx, isem, gsem,
                    scatter, drain):

    def start_idx(c, k):
        off = base + c * CH
        pltpu.async_copy(src_h.at[pl.ds(off, CH)], isx[k], isem[k])
        pltpu.async_copy(dst_h.at[pl.ds(off, CH)], idx[k], isem[k])

    def start_gather(c, k):
        off = base + c * CH
        pltpu.make_async_copy(src_h.at[pl.ds(off, CH)], isx[k], isem[k]).wait()
        pltpu.make_async_copy(dst_h.at[pl.ds(off, CH)], idx[k], isem[k]).wait()
        pltpu.async_copy(x_h.at[isx[k]], rows[k], gsem[k])

    def finish(c, k):
        pltpu.make_async_copy(x_h.at[isx[k]], rows[k], gsem[k]).wait()
        scatter(k)

    for k in range(4):
        start_idx(k, k)
        start_gather(k, k)

    def ring(j, carry):
        c0 = 4 * j
        finish(c0, 0)
        drain(0)

        @pl.when(c0 + 4 < NCHUNK)
        def _():
            start_idx(c0 + 4, 0)

        finish(c0 + 1, 1)

        @pl.when(c0 + 4 < NCHUNK)
        def _():
            start_gather(c0 + 4, 0)

        drain(1)

        @pl.when(c0 + 5 < NCHUNK)
        def _():
            start_idx(c0 + 5, 1)

        finish(c0 + 2, 2)

        @pl.when(c0 + 5 < NCHUNK)
        def _():
            start_gather(c0 + 5, 1)

        drain(2)

        @pl.when(c0 + 6 < NCHUNK)
        def _():
            start_idx(c0 + 6, 2)

        finish(c0 + 3, 3)

        @pl.when(c0 + 6 < NCHUNK)
        def _():
            start_gather(c0 + 6, 2)

        drain(3)

        @pl.when(c0 + 7 < NCHUNK)
        def _():
            start_idx(c0 + 7, 3)
            start_gather(c0 + 7, 3)

        return carry

    lax.fori_loop(0, NQUAD, ring, 0)
    finish(NCHUNK - 1, 0)
    drain(0)


def _sc_agg1_body(x_h, src_h, dst_h, z128_h, z1_h, ones_h, aggp_h, cntp_h,
                  is0, is1, is2, is3, id0, id1, id2, id3,
                  rows0, rows1, rows2, rows3,
                  onesv, cvec, i0, i1, i2, i3, g0, g1, g2, g3,
                  s0, s1, s2, s3, agg_sh, cnt_sh):
    c = lax.axis_index("c")
    s = lax.axis_index("s")
    wid = s * NC + c
    nck = jnp.where(s == NS - 1, NLAST, NFULL)

    pltpu.sync_copy(z128_h.at[pl.ds(0, CH)], rows0)
    pltpu.sync_copy(ones_h, onesv)
    pltpu.sync_copy(z1_h.at[pl.ds(0, RINIT)], cvec)

    def zinit(i, carry):
        r = s * RINIT + i * CH
        pltpu.sync_copy(rows0, agg_sh.at[pl.ds(r, CH)])
        return carry

    lax.fori_loop(0, nck, zinit, 0)

    r0 = s * RINIT

    @pl.when(s < NS - 1)
    def _():
        pltpu.sync_copy(cvec, cnt_sh.at[pl.ds(r0, RINIT)])

    @pl.when(s == NS - 1)
    def _():
        pltpu.sync_copy(cvec.at[pl.ds(0, TAILN)], cnt_sh.at[pl.ds(TAIL0, TAILN)])

    plsc.subcore_barrier()

    rows = [rows0, rows1, rows2, rows3]
    isx = [is0, is1, is2, is3]
    idx = [id0, id1, id2, id3]
    isem = [i0, i1, i2, i3]
    gsem = [g0, g1, g2, g3]
    ssem = [s0, s1, s2, s3]

    def scatter(k):
        pltpu.async_copy(rows[k], agg_sh.at[idx[k]], ssem[k], add=True)
        pltpu.async_copy(onesv, cnt_sh.at[idx[k]], ssem[k], add=True)

    def drain(k):
        pltpu.make_async_copy(rows[k], agg_sh.at[idx[k]], ssem[k]).wait()
        pltpu.make_async_copy(onesv, cnt_sh.at[idx[k]], ssem[k]).wait()

    _ring_edge_loop(x_h, src_h, dst_h, wid * EPW, rows, isx, idx, isem,
                    gsem, scatter, drain)
    plsc.subcore_barrier()

    def copyout(i, carry):
        r = s * RINIT + i * CH
        pltpu.sync_copy(agg_sh.at[pl.ds(r, CH)], rows0)
        pltpu.sync_copy(rows0, aggp_h.at[c, pl.ds(r, CH)])
        return carry

    lax.fori_loop(0, nck, copyout, 0)

    @pl.when(s < NS - 1)
    def _():
        pltpu.sync_copy(cnt_sh.at[pl.ds(r0, RINIT)], cvec)
        pltpu.sync_copy(cvec, cntp_h.at[pl.ds(c * N + r0, RINIT)])

    @pl.when(s == NS - 1)
    def _():
        pltpu.sync_copy(cnt_sh.at[pl.ds(TAIL0, TAILN)], cvec.at[pl.ds(0, TAILN)])
        pltpu.sync_copy(cvec.at[pl.ds(0, TAILN)],
                        cntp_h.at[pl.ds(c * N + TAIL0, TAILN)])


def _sc_agg2_body(x_h, src_h, dst_h, z128_h, aggp_h,
                  is0, is1, is2, is3, id0, id1, id2, id3,
                  rows0, rows1, rows2, rows3,
                  i0, i1, i2, i3, g0, g1, g2, g3, s0, s1, s2, s3, agg_sh):
    c = lax.axis_index("c")
    s = lax.axis_index("s")
    wid = s * NC + c
    nck = jnp.where(s == NS - 1, NLAST, NFULL)

    pltpu.sync_copy(z128_h.at[pl.ds(0, CH)], rows0)

    def zinit(i, carry):
        r = s * RINIT + i * CH
        pltpu.sync_copy(rows0, agg_sh.at[pl.ds(r, CH)])
        return carry

    lax.fori_loop(0, nck, zinit, 0)
    plsc.subcore_barrier()

    rows = [rows0, rows1, rows2, rows3]
    isx = [is0, is1, is2, is3]
    idx = [id0, id1, id2, id3]
    isem = [i0, i1, i2, i3]
    gsem = [g0, g1, g2, g3]
    ssem = [s0, s1, s2, s3]

    def scatter(k):
        pltpu.async_copy(rows[k], agg_sh.at[idx[k]], ssem[k], add=True)

    def drain(k):
        pltpu.make_async_copy(rows[k], agg_sh.at[idx[k]], ssem[k]).wait()

    _ring_edge_loop(x_h, src_h, dst_h, wid * EPW, rows, isx, idx, isem,
                    gsem, scatter, drain)
    plsc.subcore_barrier()

    def copyout(i, carry):
        r = s * RINIT + i * CH
        pltpu.sync_copy(agg_sh.at[pl.ds(r, CH)], rows0)
        pltpu.sync_copy(rows0, aggp_h.at[c, pl.ds(r, CH)])
        return carry

    lax.fori_loop(0, nck, copyout, 0)


_sc_agg1 = pl.kernel(
    _sc_agg1_body,
    mesh=_MESH,
    out_type=[
        jax.ShapeDtypeStruct((NC, N, D_IN), jnp.float32),
        jax.ShapeDtypeStruct((NC * N,), jnp.float32),
    ],
    scratch_types=(
        [pltpu.VMEM((CH,), jnp.int32)] * 8
        + [pltpu.VMEM((CH, D_IN), jnp.float32)] * 4
        + [pltpu.VMEM((CH,), jnp.float32),
           pltpu.VMEM((RINIT,), jnp.float32)]
        + [pltpu.SemaphoreType.DMA] * 12
        + [pltpu.VMEM_SHARED((N, D_IN), jnp.float32),
           pltpu.VMEM_SHARED((N,), jnp.float32)]
    ),
)

_sc_agg2 = pl.kernel(
    _sc_agg2_body,
    mesh=_MESH,
    out_type=jax.ShapeDtypeStruct((NC, N, D2G), jnp.float32),
    scratch_types=(
        [pltpu.VMEM((CH,), jnp.int32)] * 8
        + [pltpu.VMEM((CH, D2G), jnp.float32)] * 4
        + [pltpu.SemaphoreType.DMA] * 12
        + [pltpu.VMEM_SHARED((N, D2G), jnp.float32)]
    ),
)


def _dense1_body(x_r, aggp_r, cnt_r, w1l_r, w1r_r, b1_r, scale_r, beta_r,
                 w2l_r, w2r_r, b2_r, y2_r, hr_r):
    agg = aggp_r[0] + aggp_r[1]
    mean = agg / jnp.maximum(cnt_r[...], 1.0)
    h = (jnp.dot(mean, w1l_r[...], preferred_element_type=jnp.float32)
         + jnp.dot(x_r[...], w1r_r[...], preferred_element_type=jnp.float32)
         + b1_r[...])
    h = h * scale_r[...] + beta_r[...]
    h = jnp.maximum(h, 0.0)
    y2_r[...] = jnp.dot(h, w2l_r[...], preferred_element_type=jnp.float32)
    hr_r[...] = (jnp.dot(h, w2r_r[...], preferred_element_type=jnp.float32)
                 + b2_r[...])


def _dense2_body(aggp_r, cnt_r, hr_r, out_r):
    agg = aggp_r[0, :, :D2P] + aggp_r[1, :, :D2P]
    logits = agg / jnp.maximum(cnt_r[...], 1.0) + hr_r[...]
    col = lax.broadcasted_iota(jnp.int32, logits.shape, 1)
    valid = col < D_OUT
    neg = jnp.float32(-3.0e38)
    masked = jnp.where(valid, logits, neg)
    m = jnp.max(masked, axis=-1, keepdims=True)
    e = jnp.where(valid, jnp.exp(logits - m), 0.0)
    lse = jnp.log(jnp.sum(e, axis=-1, keepdims=True))
    out_r[...] = (logits - m - lse)[:, :D_OUT]


_BR = 2000


def _dense1_call(x, aggp, cnt, w1l, w1r, b1, scale, beta, w2l, w2r, b2):
    grid = (N // _BR,)
    row = lambda i: (i, 0)
    fixed2 = lambda i: (0, 0)
    return pl.pallas_call(
        _dense1_body,
        grid=grid,
        in_specs=[
            pl.BlockSpec((_BR, D_IN), row),
            pl.BlockSpec((NC, _BR, D_IN), lambda i: (0, i, 0)),
            pl.BlockSpec((_BR, 1), row),
            pl.BlockSpec((D_IN, D_H), fixed2),
            pl.BlockSpec((D_IN, D_H), fixed2),
            pl.BlockSpec((1, D_H), fixed2),
            pl.BlockSpec((1, D_H), fixed2),
            pl.BlockSpec((1, D_H), fixed2),
            pl.BlockSpec((D_H, D2G), fixed2),
            pl.BlockSpec((D_H, D2P), fixed2),
            pl.BlockSpec((1, D2P), fixed2),
        ],
        out_specs=[
            pl.BlockSpec((_BR, D2G), row),
            pl.BlockSpec((_BR, D2P), row),
        ],
        out_shape=[
            jax.ShapeDtypeStruct((N, D2G), jnp.float32),
            jax.ShapeDtypeStruct((N, D2P), jnp.float32),
        ],
    )(x, aggp, cnt, w1l, w1r, b1, scale, beta, w2l, w2r, b2)


def _dense2_call(aggp, cnt, hr):
    grid = (N // _BR,)
    row = lambda i: (i, 0)
    return pl.pallas_call(
        _dense2_body,
        grid=grid,
        in_specs=[
            pl.BlockSpec((NC, _BR, D2G), lambda i: (0, i, 0)),
            pl.BlockSpec((_BR, 1), row),
            pl.BlockSpec((_BR, D2P), row),
        ],
        out_specs=pl.BlockSpec((_BR, D_OUT), row),
        out_shape=jax.ShapeDtypeStruct((N, D_OUT), jnp.float32),
    )(aggp, cnt, hr)


def kernel(x, edge_index, W1l, W1r, b1, gamma1, beta1, W2l, W2r, b2):
    src = edge_index[0]
    dst = edge_index[1]
    z128 = jnp.zeros((N, D_IN), jnp.float32)
    z1 = jnp.zeros((N,), jnp.float32)
    ones1 = jnp.ones((CH,), jnp.float32)

    aggp, cntp = _sc_agg1(x, src, dst, z128, z1, ones1)
    cnt2 = cntp.reshape(NC, N)
    cnt = (cnt2[0] + cnt2[1]).reshape(N, 1)

    scale = (gamma1 / jnp.sqrt(1.0 + BN_EPS)).reshape(1, D_H)
    w2l_pad = jnp.zeros((D_H, D2G), jnp.float32).at[:, :D_OUT].set(W2l)
    w2r_pad = jnp.zeros((D_H, D2P), jnp.float32).at[:, :D_OUT].set(W2r)
    b2_pad = jnp.zeros((1, D2P), jnp.float32).at[0, :D_OUT].set(b2)

    y2, hr = _dense1_call(x, aggp, cnt, W1l, W1r, b1.reshape(1, D_H),
                          scale, beta1.reshape(1, D_H), w2l_pad, w2r_pad,
                          b2_pad)

    agg2p = _sc_agg2(y2, src, dst, z128)

    return _dense2_call(agg2p, cnt, hr)

# --- scband reference (transcript-rebuilt; emitter-appended) ---
"""Pipeline reference for scband-sage-20255065768599 (READ-ONLY COPY).

The authoritative reference and input builder live on the scoring server;
editing this copy changes nothing except your own understanding.
"""

import jax, jax.numpy as jnp
import numpy as np

N = 10000
E = 320000
D_IN = 128
D_H = 128
D_OUT = 40
BN_EPS = 1e-5


def _sage_conv(x, src, dst, Wl, Wr, b):
    # PyG SAGEConv (mean aggregation, root_weight=True):
    # out = mean_{j in N(i)} x_j @ Wl + x_i @ Wr + b
    n = x.shape[0]
    msgs = x[src]  # gather, memory-bound
    agg = jax.ops.segment_sum(msgs, dst, num_segments=n)
    cnt = jax.ops.segment_sum(jnp.ones((src.shape[0], 1), jnp.float32), dst, num_segments=n)
    mean = agg / jnp.clip(cnt, 1.0, None)
    return mean @ Wl + x @ Wr + b


def setup_inputs(seed: int = 0) -> dict:
    key = jax.random.key(seed)
    ks = jax.random.split(key, 12)
    x = jax.random.normal(ks[0], (N, D_IN), dtype=jnp.float32)
    edge_index = jax.random.randint(ks[1], (2, E), 0, N, dtype=jnp.int32)
    s1 = 1.0 / np.sqrt(D_IN)
    s2 = 1.0 / np.sqrt(D_H)
    W1l = jax.random.uniform(ks[2], (D_IN, D_H), jnp.float32, -s1, s1)
    W1r = jax.random.uniform(ks[3], (D_IN, D_H), jnp.float32, -s1, s1)
    b1 = jnp.zeros((D_H,), jnp.float32)
    gamma1 = jnp.ones((D_H,), jnp.float32)
    beta1 = jnp.zeros((D_H,), jnp.float32)
    W2l = jax.random.uniform(ks[4], (D_H, D_OUT), jnp.float32, -s2, s2)
    W2r = jax.random.uniform(ks[5], (D_H, D_OUT), jnp.float32, -s2, s2)
    b2 = jnp.zeros((D_OUT,), jnp.float32)
    return {"x": x, "edge_index": edge_index, "W1l": W1l, "W1r": W1r, "b1": b1,
            "gamma1": gamma1, "beta1": beta1, "W2l": W2l, "W2r": W2r, "b2": b2}


def reference(x, edge_index, W1l, W1r, b1, gamma1, beta1, W2l, W2r, b2):
    # Eval-mode semantics: BatchNorm1d uses running stats (mean=0, var=1 at init),
    # dropout is identity.
    src = edge_index[0]
    dst = edge_index[1]
    h = _sage_conv(x, src, dst, W1l, W1r, b1)
    h = (h / jnp.sqrt(1.0 + BN_EPS)) * gamma1 + beta1  # BN with running mean=0, var=1
    h = jax.nn.relu(h)
    h = _sage_conv(h, src, dst, W2l, W2r, b2)
    return jax.nn.log_softmax(h, axis=-1)

if __name__ == "__main__":
    import jax
    _d = setup_inputs()
    print(jax.jit(kernel)(*tuple(_d.values())))

</pallas_src>

<mosaic_0001>
#map = affine_map<(d0, d1) -> (0, 0)>
#map1 = affine_map<(d0, d1) -> (0)>
#map2 = affine_map<(d0, d1) -> (0, 0, 0)>
module attributes {stable_mosaic.version = 14 : i64} {
  func.func @_sc_agg1_body(%arg0: i32, %arg1: i32, %arg2: memref<10000x128xf32, #tpu.memory_space<hbm>>, %arg3: memref<320000xi32, #tpu.memory_space<hbm>>, %arg4: memref<320000xi32, #tpu.memory_space<hbm>>, %arg5: memref<10000x128xf32, #tpu.memory_space<hbm>>, %arg6: memref<10000xf32, #tpu.memory_space<hbm>>, %arg7: memref<80xf32, #tpu.memory_space<hbm>>, %arg8: memref<2x10000x128xf32, #tpu.memory_space<hbm>>, %arg9: memref<20000xf32, #tpu.memory_space<hbm>>, %arg10: memref<80xi32, #tpu.memory_space<vmem>>, %arg11: memref<80xi32, #tpu.memory_space<vmem>>, %arg12: memref<80xi32, #tpu.memory_space<vmem>>, %arg13: memref<80xi32, #tpu.memory_space<vmem>>, %arg14: memref<80xi32, #tpu.memory_space<vmem>>, %arg15: memref<80xi32, #tpu.memory_space<vmem>>, %arg16: memref<80xi32, #tpu.memory_space<vmem>>, %arg17: memref<80xi32, #tpu.memory_space<vmem>>, %arg18: memref<80x128xf32, #tpu.memory_space<vmem>>, %arg19: memref<80x128xf32, #tpu.memory_space<vmem>>, %arg20: memref<80x128xf32, #tpu.memory_space<vmem>>, %arg21: memref<80x128xf32, #tpu.memory_space<vmem>>, %arg22: memref<80xf32, #tpu.memory_space<vmem>>, %arg23: memref<640xf32, #tpu.memory_space<vmem>>, %arg24: memref<!tpu.dma_semaphore, #tpu.memory_space<semaphore_mem>>, %arg25: memref<!tpu.dma_semaphore, #tpu.memory_space<semaphore_mem>>, %arg26: memref<!tpu.dma_semaphore, #tpu.memory_space<semaphore_mem>>, %arg27: memref<!tpu.dma_semaphore, #tpu.memory_space<semaphore_mem>>, %arg28: memref<!tpu.dma_semaphore, #tpu.memory_space<semaphore_mem>>, %arg29: memref<!tpu.dma_semaphore, #tpu.memory_space<semaphore_mem>>, %arg30: memref<!tpu.dma_semaphore, #tpu.memory_space<semaphore_mem>>, %arg31: memref<!tpu.dma_semaphore, #tpu.memory_space<semaphore_mem>>, %arg32: memref<!tpu.dma_semaphore, #tpu.memory_space<semaphore_mem>>, %arg33: memref<!tpu.dma_semaphore, #tpu.memory_space<semaphore_mem>>, %arg34: memref<!tpu.dma_semaphore, #tpu.memory_space<semaphore_mem>>, %arg35: memref<!tpu.dma_semaphore, #tpu.memory_space<semaphore_mem>>, %arg36: memref<10000x128xf32, #tpu.memory_space<vmem_shared>>, %arg37: memref<10000xf32, #tpu.memory_space<vmem_shared>>) attributes {dimension_semantics = [#tpu.dimension_semantics<core_parallel>, #tpu.dimension_semantics<subcore_parallel>], iteration_bounds = array<i64: 2, 16>, scalar_prefetch = 0 : i64, scratch_operands = 28 : i64, tpu.core_type = #tpu.core_type<sc_vector_subcore>, window_params = [{transform_indices = #map}, {transform_indices = #map1}, {transform_indices = #map1}, {transform_indices = #map}, {transform_indices = #map1}, {transform_indices = #map1}, {transform_indices = #map2}, {transform_indices = #map1}]} {
    %mul3A = arith.constant 2 : i32
    %mul3A_0 = arith.muli %arg1, %mul3A : i32
    %add3A = arith.addi %mul3A_0, %arg0 : i32
    %eq3A = arith.constant 15 : i32
    %eq3A_1 = arith.cmpi eq, %arg1, %eq3A : i32
    %jit3A = arith.constant 5 : i32
    %jit3A_2 = arith.constant 8 : i32
    %select_n3A = arith.select %eq3A_1, %jit3A, %jit3A_2 : i32
    "tpu.region"() ({
      %run_scoped3A = tpu.sem_alloc : memref<!tpu.dma_semaphore, #tpu.memory_space<semaphore_mem>>
      %dma_start3A_120 = arith.constant 0 : i32
      %dma_start3A_121 = arith.constant 0 : i32
      %dma_start3A_122 = tpu.memref_slice %arg5[%dma_start3A_120, %dma_start3A_121] : memref<10000x128xf32, #tpu.memory_space<hbm>> -> memref<80x128xf32, #tpu.memory_space<hbm>>
      %dma_start3A_123 = arith.constant 0 : i32
      %dma_start3A_124 = arith.constant 0 : i32
      %dma_start3A_125 = tpu.memref_slice %arg5[%dma_start3A_123, %dma_start3A_124] : memref<10000x128xf32, #tpu.memory_space<hbm>> -> memref<80x128xf32, #tpu.memory_space<hbm>>
      tpu.enqueue_dma source(%dma_start3A_125 : memref<80x128xf32, #tpu.memory_space<hbm>>) target(%arg18 : memref<80x128xf32, #tpu.memory_space<vmem>>) target_semaphore(%run_scoped3A : memref<!tpu.dma_semaphore, #tpu.memory_space<semaphore_mem>>)
      %dma_wait3A_126 = arith.constant 0 : i32
      %dma_wait3A_127 = arith.constant 0 : i32
      %dma_wait3A_128 = tpu.memref_slice %arg5[%dma_wait3A_126, %dma_wait3A_127] : memref<10000x128xf32, #tpu.memory_space<hbm>> -> memref<80x128xf32, #tpu.memory_space<hbm>>
      %dma_wait3A_129 = arith.constant 0 : i32
      %dma_wait3A_130 = arith.constant 0 : i32
      %dma_wait3A_131 = tpu.memref_slice %arg5[%dma_wait3A_129, %dma_wait3A_130] : memref<10000x128xf32, #tpu.memory_space<hbm>> -> memref<80x128xf32, #tpu.memory_space<hbm>>
      tpu.wait_dma2 semaphore(%run_scoped3A : memref<!tpu.dma_semaphore, #tpu.memory_space<semaphore_mem>>) src(%dma_wait3A_131 : memref<80x128xf32, #tpu.memory_space<hbm>>) dst(%arg18 : memref<80x128xf32, #tpu.memory_space<vmem>>)
      tpu.yield
    }) : () -> ()
    "tpu.region"() ({
      %run_scoped3A = tpu.sem_alloc : memref<!tpu.dma_semaphore, #tpu.memory_space<semaphore_mem>>
      tpu.enqueue_dma source(%arg7 : memref<80xf32, #tpu.memory_space<hbm>>) target(%arg22 : memref<80xf32, #tpu.memory_space<vmem>>) target_semaphore(%run_scoped3A : memref<!tpu.dma_semaphore, #tpu.memory_space<semaphore_mem>>)
      tpu.wait_dma2 semaphore(%run_scoped3A : memref<!tpu.dma_semaphore, #tpu.memory_space<semaphore_mem>>) src(%arg7 : memref<80xf32, #tpu.memory_space<hbm>>) dst(%arg22 : memref<80xf32, #tpu.memory_space<vmem>>)
      tpu.yield
    }) : () -> ()
    "tpu.region"() ({
      %run_scoped3A = tpu.sem_alloc : memref<!tpu.dma_semaphore, #tpu.memory_space<semaphore_mem>>
      %dma_start3A_120 = arith.constant 0 : i32
      %dma_start3A_121 = tpu.memref_slice %arg6[%dma_start3A_120] : memref<10000xf32, #tpu.memory_space<hbm>> -> memref<640xf32, #tpu.memory_space<hbm>>
      %dma_start3A_122 = arith.constant 0 : i32
      %dma_start3A_123 = tpu.memref_slice %arg6[%dma_start3A_122] : memref<10000xf32, #tpu.memory_space<hbm>> -> memref<640xf32, #tpu.memory_space<hbm>>
      tpu.enqueue_dma source(%dma_start3A_123 : memref<640xf32, #tpu.memory_space<hbm>>) target(%arg23 : memref<640xf32, #tpu.memory_space<vmem>>) target_semaphore(%run_scoped3A : memref<!tpu.dma_semaphore, #tpu.memory_space<semaphore_mem>>)
      %dma_wait3A_124 = arith.constant 0 : i32
      %dma_wait3A_125 = tpu.memref_slice %arg6[%dma_wait3A_124] : memref<10000xf32, #tpu.memory_space<hbm>> -> memref<640xf32, #tpu.memory_space<hbm>>
      %dma_wait3A_126 = arith.constant 0 : i32
      %dma_wait3A_127 = tpu.memref_slice %arg6[%dma_wait3A_126] : memref<10000xf32, #tpu.memory_space<hbm>> -> memref<640xf32, #tpu.memory_space<hbm>>
      tpu.wait_dma2 semaphore(%run_scoped3A : memref<!tpu.dma_semaphore, #tpu.memory_space<semaphore_mem>>) src(%dma_wait3A_127 : memref<640xf32, #tpu.memory_space<hbm>>) dst(%arg23 : memref<640xf32, #tpu.memory_space<vmem>>)
      tpu.yield
    }) : () -> ()
    %while3A = arith.constant 0 : i32
    %while3A_3 = arith.constant 0 : i32
    %while3A_4 = arith.subi %select_n3A, %while3A_3 : i32
    %while3A_5 = arith.addi %while3A_3, %while3A_4 : i32
    %while3A_6 = arith.constant 1 : i32
    %while3A_7 = arith.divsi %while3A_4, %while3A_6 : i32
    %while3A_8 = arith.muli %while3A_7, %while3A_6 : i32
    %while3A_9 = arith.addi %while3A_3, %while3A_8 : i32
    %while3A_10 = arith.constant 1 : i32
    scf.for %while3A_120 = %while3A_3 to %while3A_9 step %while3A_10  : i32 {
      %mul3A_121 = arith.constant 640 : i32
      %mul3A_122 = arith.muli %arg1, %mul3A_121 : i32
      %mul3A_123 = arith.constant 80 : i32
      %mul3A_124 = arith.muli %while3A_120, %mul3A_123 : i32
      %add3A_125 = arith.addi %mul3A_122, %mul3A_124 : i32
      "tpu.region"() ({
        %run_scoped3A = tpu.sem_alloc : memref<!tpu.dma_semaphore, #tpu.memory_space<semaphore_mem>>
        %dma_start3A_126 = arith.constant 0 : i32
        %dma_start3A_127 = tpu.memref_slice %arg36[%add3A_125, %dma_start3A_126] : memref<10000x128xf32, #tpu.memory_space<vmem_shared>> -> memref<80x128xf32, #tpu.memory_space<vmem_shared>>
        %dma_start3A_128 = arith.constant 0 : i32
        %dma_start3A_129 = tpu.memref_slice %arg36[%add3A_125, %dma_start3A_128] : memref<10000x128xf32, #tpu.memory_space<vmem_shared>> -> memref<80x128xf32, #tpu.memory_space<vmem_shared>>
        tpu.enqueue_dma source(%arg18 : memref<80x128xf32, #tpu.memory_space<vmem>>) target(%dma_start3A_129 : memref<80x128xf32, #tpu.memory_space<vmem_shared>>) target_semaphore(%run_scoped3A : memref<!tpu.dma_semaphore, #tpu.memory_space<semaphore_mem>>)
        %dma_wait3A_130 = arith.constant 0 : i32
        %dma_wait3A_131 = tpu.memref_slice %arg36[%add3A_125, %dma_wait3A_130] : memref<10000x128xf32, #tpu.memory_space<vmem_shared>> -> memref<80x128xf32, #tpu.memory_space<vmem_shared>>
        %dma_wait3A_132 = arith.constant 0 : i32
        %dma_wait3A_133 = tpu.memref_slice %arg36[%add3A_125, %dma_wait3A_132] : memref<10000x128xf32, #tpu.memory_space<vmem_shared>> -> memref<80x128xf32, #tpu.memory_space<vmem_shared>>
        tpu.wait_dma2 semaphore(%run_scoped3A : memref<!tpu.dma_semaphore, #tpu.memory_space<semaphore_mem>>) src(%arg18 : memref<80x128xf32, #tpu.memory_space<vmem>>) dst(%dma_wait3A_133 : memref<80x128xf32, #tpu.memory_space<vmem_shared>>)
        tpu.yield
      }) : () -> ()
    }
    %while3A_11 = arith.constant 1 : i32
    scf.for %while3A_120 = %while3A_9 to %while3A_5 step %while3A_11  : i32 {
      %mul3A_121 = arith.constant 640 : i32
      %mul3A_122 = arith.muli %arg1, %mul3A_121 : i32
      %mul3A_123 = arith.constant 80 : i32
      %mul3A_124 = arith.muli %while3A_120, %mul3A_123 : i32
      %add3A_125 = arith.addi %mul3A_122, %mul3A_124 : i32
      "tpu.region"() ({
        %run_scoped3A = tpu.sem_alloc : memref<!tpu.dma_semaphore, #tpu.memory_space<semaphore_mem>>
        %dma_start3A_126 = arith.constant 0 : i32
        %dma_start3A_127 = tpu.memref_slice %arg36[%add3A_125, %dma_start3A_126] : memref<10000x128xf32, #tpu.memory_space<vmem_shared>> -> memref<80x128xf32, #tpu.memory_space<vmem_shared>>
        %dma_start3A_128 = arith.constant 0 : i32
        %dma_start3A_129 = tpu.memref_slice %arg36[%add3A_125, %dma_start3A_128] : memref<10000x128xf32, #tpu.memory_space<vmem_shared>> -> memref<80x128xf32, #tpu.memory_space<vmem_shared>>
        tpu.enqueue_dma source(%arg18 : memref<80x128xf32, #tpu.memory_space<vmem>>) target(%dma_start3A_129 : memref<80x128xf32, #tpu.memory_space<vmem_shared>>) target_semaphore(%run_scoped3A : memref<!tpu.dma_semaphore, #tpu.memory_space<semaphore_mem>>)
        %dma_wait3A_130 = arith.constant 0 : i32
        %dma_wait3A_131 = tpu.memref_slice %arg36[%add3A_125, %dma_wait3A_130] : memref<10000x128xf32, #tpu.memory_space<vmem_shared>> -> memref<80x128xf32, #tpu.memory_space<vmem_shared>>
        %dma_wait3A_132 = arith.constant 0 : i32
        %dma_wait3A_133 = tpu.memref_slice %arg36[%add3A_125, %dma_wait3A_132] : memref<10000x128xf32, #tpu.memory_space<vmem_shared>> -> memref<80x128xf32, #tpu.memory_space<vmem_shared>>
        tpu.wait_dma2 semaphore(%run_scoped3A : memref<!tpu.dma_semaphore, #tpu.memory_space<semaphore_mem>>) src(%arg18 : memref<80x128xf32, #tpu.memory_space<vmem>>) dst(%dma_wait3A_133 : memref<80x128xf32, #tpu.memory_space<vmem_shared>>)
        tpu.yield
      }) : () -> ()
    }
    %mul3A_12 = arith.constant 640 : i32
    %mul3A_13 = arith.muli %arg1, %mul3A_12 : i32
    %lt3A = arith.constant 15 : i32
    %lt3A_14 = arith.cmpi slt, %arg1, %lt3A : i32
    %convert_element_type3A = arith.extui %lt3A_14 : i1 to i32
    %cond3A = arith.constant 0 : i32
    %cond3A_15 = arith.cmpi ne, %convert_element_type3A, %cond3A : i32
    scf.if %cond3A_15 {
      "tpu.region"() ({
        %run_scoped3A = tpu.sem_alloc : memref<!tpu.dma_semaphore, #tpu.memory_space<semaphore_mem>>
        %dma_start3A_120 = tpu.memref_slice %arg37[%mul3A_13] : memref<10000xf32, #tpu.memory_space<vmem_shared>> -> memref<640xf32, #tpu.memory_space<vmem_shared>>
        %dma_start3A_121 = tpu.memref_slice %arg37[%mul3A_13] : memref<10000xf32, #tpu.memory_space<vmem_shared>> -> memref<640xf32, #tpu.memory_space<vmem_shared>>
        tpu.enqueue_dma source(%arg23 : memref<640xf32, #tpu.memory_space<vmem>>) target(%dma_start3A_121 : memref<640xf32, #tpu.memory_space<vmem_shared>>) target_semaphore(%run_scoped3A : memref<!tpu.dma_semaphore, #tpu.memory_space<semaphore_mem>>)
        %dma_wait3A_122 = tpu.memref_slice %arg37[%mul3A_13] : memref<10000xf32, #tpu.memory_space<vmem_shared>> -> memref<640xf32, #tpu.memory_space<vmem_shared>>
        %dma_wait3A_123 = tpu.memref_slice %arg37[%mul3A_13] : memref<10000xf32, #tpu.memory_space<vmem_shared>> -> memref<640xf32, #tpu.memory_space<vmem_shared>>
        tpu.wait_dma2 semaphore(%run_scoped3A : memref<!tpu.dma_semaphore, #tpu.memory_space<semaphore_mem>>) src(%arg23 : memref<640xf32, #tpu.memory_space<vmem>>) dst(%dma_wait3A_123 : memref<640xf32, #tpu.memory_space<vmem_shared>>)
        tpu.yield
      }) : () -> ()
    } else {
    }
    %eq3A_16 = arith.constant 15 : i32
    %eq3A_17 = arith.cmpi eq, %arg1, %eq3A_16 : i32
    %convert_element_type3A_18 = arith.extui %eq3A_17 : i1 to i32
    %cond3A_19 = arith.constant 0 : i32
    %cond3A_20 = arith.cmpi ne, %convert_element_type3A_18, %cond3A_19 : i32
    scf.if %cond3A_20 {
      "tpu.region"() ({
        %run_scoped3A = tpu.sem_alloc : memref<!tpu.dma_semaphore, #tpu.memory_space<semaphore_mem>>
        %dma_start3A_120 = arith.constant 0 : i32
        %dma_start3A_121 = tpu.memref_slice %arg23[%dma_start3A_120] : memref<640xf32, #tpu.memory_space<vmem>> -> memref<400xf32, #tpu.memory_space<vmem>>
        %dma_start3A_122 = arith.constant 9600 : i32
        %dma_start3A_123 = tpu.memref_slice %arg37[%dma_start3A_122] : memref<10000xf32, #tpu.memory_space<vmem_shared>> -> memref<400xf32, #tpu.memory_space<vmem_shared>>
        %dma_start3A_124 = arith.constant 9600 : i32
        %dma_start3A_125 = tpu.memref_slice %arg37[%dma_start3A_124] : memref<10000xf32, #tpu.memory_space<vmem_shared>> -> memref<400xf32, #tpu.memory_space<vmem_shared>>
        %dma_start3A_126 = arith.constant 0 : i32
        %dma_start3A_127 = tpu.memref_slice %arg23[%dma_start3A_126] : memref<640xf32, #tpu.memory_space<vmem>> -> memref<400xf32, #tpu.memory_space<vmem>>
        tpu.enqueue_dma source(%dma_start3A_127 : memref<400xf32, #tpu.memory_space<vmem>>) target(%dma_start3A_125 : memref<400xf32, #tpu.memory_space<vmem_shared>>) target_semaphore(%run_scoped3A : memref<!tpu.dma_semaphore, #tpu.memory_space<semaphore_mem>>)
        %dma_wait3A_128 = arith.constant 0 : i32
        %dma_wait3A_129 = tpu.memref_slice %arg23[%dma_wait3A_128] : memref<640xf32, #tpu.memory_space<vmem>> -> memref<400xf32, #tpu.memory_space<vmem>>
        %dma_wait3A_130 = arith.constant 9600 : i32
        %dma_wait3A_131 = tpu.memref_slice %arg37[%dma_wait3A_130] : memref<10000xf32, #tpu.memory_space<vmem_shared>> -> memref<400xf32, #tpu.memory_space<vmem_shared>>
        %dma_wait3A_132 = arith.constant 9600 : i32
        %dma_wait3A_133 = tpu.memref_slice %arg37[%dma_wait3A_132] : memref<10000xf32, #tpu.memory_space<vmem_shared>> -> memref<400xf32, #tpu.memory_space<vmem_shared>>
        %dma_wait3A_134 = arith.constant 0 : i32
        %dma_wait3A_135 = tpu.memref_slice %arg23[%dma_wait3A_134] : memref<640xf32, #tpu.memory_space<vmem>> -> memref<400xf32, #tpu.memory_space<vmem>>
        tpu.wait_dma2 semaphore(%run_scoped3A : memref<!tpu.dma_semaphore, #tpu.memory_space<semaphore_mem>>) src(%dma_wait3A_135 : memref<400xf32, #tpu.memory_space<vmem>>) dst(%dma_wait3A_133 : memref<400xf32, #tpu.memory_space<vmem_shared>>)
        tpu.yield
      }) : () -> ()
    } else {
    }
    %barrier3A = arith.constant 0 : index
    tpu.barrier barrier_id(%barrier3A)
    %mul3A_21 = arith.constant 10000 : i32
    %mul3A_22 = arith.muli %add3A, %mul3A_21 : i32
    %add3A_23 = arith.constant 0 : i32
    %add3A_24 = arith.addi %mul3A_22, %add3A_23 : i32
    %dma_start3A = tpu.memref_slice %arg3[%add3A_24] : memref<320000xi32, #tpu.memory_space<hbm>> -> memref<80xi32, #tpu.memory_space<hbm>>
    %dma_start3A_25 = tpu.memref_slice %arg3[%add3A_24] : memref<320000xi32, #tpu.memory_space<hbm>> -> memref<80xi32, #tpu.memory_space<hbm>>
    tpu.enqueue_dma source(%dma_start3A_25 : memref<80xi32, #tpu.memory_space<hbm>>) target(%arg10 : memref<80xi32, #tpu.memory_space<vmem>>) target_semaphore(%arg24 : memref<!tpu.dma_semaphore, #tpu.memory_space<semaphore_mem>>)
    %dma_start3A_26 = tpu.memref_slice %arg4[%add3A_24] : memref<320000xi32, #tpu.memory_space<hbm>> -> memref<80xi32, #tpu.memory_space<hbm>>
    %dma_start3A_27 = tpu.memref_slice %arg4[%add3A_24] : memref<320000xi32, #tpu.memory_space<hbm>> -> memref<80xi32, #tpu.memory_space<hbm>>
    tpu.enqueue_dma source(%dma_start3A_27 : memref<80xi32, #tpu.memory_space<hbm>>) target(%arg14 : memref<80xi32, #tpu.memory_space<vmem>>) target_semaphore(%arg24 : memref<!tpu.dma_semaphore, #tpu.memory_space<semaphore_mem>>)
    %add3A_28 = arith.constant 0 : i32
    %add3A_29 = arith.addi %mul3A_22, %add3A_28 : i32
    %dma_wait3A = tpu.memref_slice %arg3[%add3A_29] : memref<320000xi32, #tpu.memory_space<hbm>> -> memref<80xi32, #tpu.memory_space<hbm>>
    %dma_wait3A_30 = tpu.memref_slice %arg3[%add3A_29] : memref<320000xi32, #tpu.memory_space<hbm>> -> memref<80xi32, #tpu.memory_space<hbm>>
    tpu.wait_dma2 semaphore(%arg24 : memref<!tpu.dma_semaphore, #tpu.memory_space<semaphore_mem>>) src(%dma_wait3A_30 : memref<80xi32, #tpu.memory_space<hbm>>) dst(%arg10 : memref<80xi32, #tpu.memory_space<vmem>>)
    %dma_wait3A_31 = tpu.memref_slice %arg4[%add3A_29] : memref<320000xi32, #tpu.memory_space<hbm>> -> memref<80xi32, #tpu.memory_space<hbm>>
    %dma_wait3A_32 = tpu.memref_slice %arg4[%add3A_29] : memref<320000xi32, #tpu.memory_space<hbm>> -> memref<80xi32, #tpu.memory_space<hbm>>
    tpu.wait_dma2 semaphore(%arg24 : memref<!tpu.dma_semaphore, #tpu.memory_space<semaphore_mem>>) src(%dma_wait3A_32 : memref<80xi32, #tpu.memory_space<hbm>>) dst(%arg14 : memref<80xi32, #tpu.memory_space<vmem>>)
    %dma_start3A_33 = arith.constant 0 : i32
    %dma_start3A_34 = arith.constant 0 : i32
    %dma_start3A_35 = tpu.memref_slice %arg2[%dma_start3A_33, %dma_start3A_34] : memref<10000x128xf32, #tpu.memory_space<hbm>> -> memref<10000x128xf32, #tpu.memory_space<hbm>>
    tpu.enqueue_indirect_dma source(%dma_start3A_35 : memref<10000x128xf32, #tpu.memory_space<hbm>>) target(%arg18 : memref<80x128xf32, #tpu.memory_space<vmem>>) offsets(%arg10 : memref<80xi32, #tpu.memory_space<vmem>>) semaphore(%arg28 : memref<!tpu.dma_semaphore, #tpu.memory_space<semaphore_mem>>)
    %add3A_36 = arith.constant 80 : i32
    %add3A_37 = arith.addi %mul3A_22, %add3A_36 : i32
    %dma_start3A_38 = tpu.memref_slice %arg3[%add3A_37] : memref<320000xi32, #tpu.memory_space<hbm>> -> memref<80xi32, #tpu.memory_space<hbm>>
    %dma_start3A_39 = tpu.memref_slice %arg3[%add3A_37] : memref<320000xi32, #tpu.memory_space<hbm>> -> memref<80xi32, #tpu.memory_space<hbm>>
    tpu.enqueue_dma source(%dma_start3A_39 : memref<80xi32, #tpu.memory_space<hbm>>) target(%arg11 : memref<80xi32, #tpu.memory_space<vmem>>) target_semaphore(%arg25 : memref<!tpu.dma_semaphore, #tpu.memory_space<semaphore_mem>>)
    %dma_start3A_40 = tpu.memref_slice %arg4[%add3A_37] : memref<320000xi32, #tpu.memory_space<hbm>> -> memref<80xi32, #tpu.memory_space<hbm>>
    %dma_start3A_41 = tpu.memref_slice %arg4[%add3A_37] : memref<320000xi32, #tpu.memory_space<hbm>> -> memref<80xi32, #tpu.memory_space<hbm>>
    tpu.enqueue_dma source(%dma_start3A_41 : memref<80xi32, #tpu.memory_space<hbm>>) target(%arg15 : memref<80xi32, #tpu.memory_space<vmem>>) target_semaphore(%arg25 : memref<!tpu.dma_semaphore, #tpu.memory_space<semaphore_mem>>)
    %add3A_42 = arith.constant 80 : i32
    %add3A_43 = arith.addi %mul3A_22, %add3A_42 : i32
    %dma_wait3A_44 = tpu.memref_slice %arg3[%add3A_43] : memref<320000xi32, #tpu.memory_space<hbm>> -> memref<80xi32, #tpu.memory_space<hbm>>
    %dma_wait3A_45 = tpu.memref_slice %arg3[%add3A_43] : memref<320000xi32, #tpu.memory_space<hbm>> -> memref<80xi32, #tpu.memory_space<hbm>>
    tpu.wait_dma2 semaphore(%arg25 : memref<!tpu.dma_semaphore, #tpu.memory_space<semaphore_mem>>) src(%dma_wait3A_45 : memref<80xi32, #tpu.memory_space<hbm>>) dst(%arg11 : memref<80xi32, #tpu.memory_space<vmem>>)
    %dma_wait3A_46 = tpu.memref_slice %arg4[%add3A_43] : memref<320000xi32, #tpu.memory_space<hbm>> -> memref<80xi32, #tpu.memory_space<hbm>>
    %dma_wait3A_47 = tpu.memref_slice %arg4[%add3A_43] : memref<320000xi32, #tpu.memory_space<hbm>> -> memref<80xi32, #tpu.memory_space<hbm>>
    tpu.wait_dma2 semaphore(%arg25 : memref<!tpu.dma_semaphore, #tpu.memory_space<semaphore_mem>>) src(%dma_wait3A_47 : memref<80xi32, #tpu.memory_space<hbm>>) dst(%arg15 : memref<80xi32, #tpu.memory_space<vmem>>)
    %dma_start3A_48 = arith.constant 0 : i32
    %dma_start3A_49 = arith.constant 0 : i32
    %dma_start3A_50 = tpu.memref_slice %arg2[%dma_start3A_48, %dma_start3A_49] : memref<10000x128xf32, #tpu.memory_space<hbm>> -> memref<10000x128xf32, #tpu.memory_space<hbm>>
    tpu.enqueue_indirect_dma source(%dma_start3A_50 : memref<10000x128xf32, #tpu.memory_space<hbm>>) target(%arg19 : memref<80x128xf32, #tpu.memory_space<vmem>>) offsets(%arg11 : memref<80xi32, #tpu.memory_space<vmem>>) semaphore(%arg29 : memref<!tpu.dma_semaphore, #tpu.memory_space<semaphore_mem>>)
    %add3A_51 = arith.constant 160 : i32
    %add3A_52 = arith.addi %mul3A_22, %add3A_51 : i32
    %dma_start3A_53 = tpu.memref_slice %arg3[%add3A_52] : memref<320000xi32, #tpu.memory_space<hbm>> -> memref<80xi32, #tpu.memory_space<hbm>>
    %dma_start3A_54 = tpu.memref_slice %arg3[%add3A_52] : memref<320000xi32, #tpu.memory_space<hbm>> -> memref<80xi32, #tpu.memory_space<hbm>>
    tpu.enqueue_dma source(%dma_start3A_54 : memref<80xi32, #tpu.memory_space<hbm>>) target(%arg12 : memref<80xi32, #tpu.memory_space<vmem>>) target_semaphore(%arg26 : memref<!tpu.dma_semaphore, #tpu.memory_space<semaphore_mem>>)
    %dma_start3A_55 = tpu.memref_slice %arg4[%add3A_52] : memref<320000xi32, #tpu.memory_space<hbm>> -> memref<80xi32, #tpu.memory_space<hbm>>
    %dma_start3A_56 = tpu.memref_slice %arg4[%add3A_52] : memref<320000xi32, #tpu.memory_space<hbm>> -> memref<80xi32, #tpu.memory_space<hbm>>
    tpu.enqueue_dma source(%dma_start3A_56 : memref<80xi32, #tpu.memory_space<hbm>>) target(%arg16 : memref<80xi32, #tpu.memory_space<vmem>>) target_semaphore(%arg26 : memref<!tpu.dma_semaphore, #tpu.memory_space<semaphore_mem>>)
    %add3A_57 = arith.constant 160 : i32
    %add3A_58 = arith.addi %mul3A_22, %add3A_57 : i32
    %dma_wait3A_59 = tpu.memref_slice %arg3[%add3A_58] : memref<320000xi32, #tpu.memory_space<hbm>> -> memref<80xi32, #tpu.memory_space<hbm>>
    %dma_wait3A_60 = tpu.memref_slice %arg3[%add3A_58] : memref<320000xi32, #tpu.memory_space<hbm>> -> memref<80xi32, #tpu.memory_space<hbm>>
    tpu.wait_dma2 semaphore(%arg26 : memref<!tpu.dma_semaphore, #tpu.memory_space<semaphore_mem>>) src(%dma_wait3A_60 : memref<80xi32, #tpu.memory_space<hbm>>) dst(%arg12 : memref<80xi32, #tpu.memory_space<vmem>>)
    %dma_wait3A_61 = tpu.memref_slice %arg4[%add3A_58] : memref<320000xi32, #tpu.memory_space<hbm>> -> memref<80xi32, #tpu.memory_space<hbm>>
    %dma_wait3A_62 = tpu.memref_slice %arg4[%add3A_58] : memref<320000xi32, #tpu.memory_space<hbm>> -> memref<80xi32, #tpu.memory_space<hbm>>
    tpu.wait_dma2 semaphore(%arg26 : memref<!tpu.dma_semaphore, #tpu.memory_space<semaphore_mem>>) src(%dma_wait3A_62 : memref<80xi32, #tpu.memory_space<hbm>>) dst(%arg16 : memref<80xi32, #tpu.memory_space<vmem>>)
    %dma_start3A_63 = arith.constant 0 : i32
    %dma_start3A_64 = arith.constant 0 : i32
    %dma_start3A_65 = tpu.memref_slice %arg2[%dma_start3A_63, %dma_start3A_64] : memref<10000x128xf32, #tpu.memory_space<hbm>> -> memref<10000x128xf32, #tpu.memory_space<hbm>>
    tpu.enqueue_indirect_dma source(%dma_start3A_65 : memref<10000x128xf32, #tpu.memory_space<hbm>>) target(%arg20 : memref<80x128xf32, #tpu.memory_space<vmem>>) offsets(%arg12 : memref<80xi32, #tpu.memory_space<vmem>>) semaphore(%arg30 : memref<!tpu.dma_semaphore, #tpu.memory_space<semaphore_mem>>)
    %add3A_66 = arith.constant 240 : i32
    %add3A_67 = arith.addi %mul3A_22, %add3A_66 : i32
    %dma_start3A_68 = tpu.memref_slice %arg3[%add3A_67] : memref<320000xi32, #tpu.memory_space<hbm>> -> memref<80xi32, #tpu.memory_space<hbm>>
    %dma_start3A_69 = tpu.memref_slice %arg3[%add3A_67] : memref<320000xi32, #tpu.memory_space<hbm>> -> memref<80xi32, #tpu.memory_space<hbm>>
    tpu.enqueue_dma source(%dma_start3A_69 : memref<80xi32, #tpu.memory_space<hbm>>) target(%arg13 : memref<80xi32, #tpu.memory_space<vmem>>) target_semaphore(%arg27 : memref<!tpu.dma_semaphore, #tpu.memory_space<semaphore_mem>>)
    %dma_start3A_70 = tpu.memref_slice %arg4[%add3A_67] : memref<320000xi32, #tpu.memory_space<hbm>> -> memref<80xi32, #tpu.memory_space<hbm>>
    %dma_start3A_71 = tpu.memref_slice %arg4[%add3A_67] : memref<320000xi32, #tpu.memory_space<hbm>> -> memref<80xi32, #tpu.memory_space<hbm>>
    tpu.enqueue_dma source(%dma_start3A_71 : memref<80xi32, #tpu.memory_space<hbm>>) target(%arg17 : memref<80xi32, #tpu.memory_space<vmem>>) target_semaphore(%arg27 : memref<!tpu.dma_semaphore, #tpu.memory_space<semaphore_mem>>)
    %add3A_72 = arith.constant 240 : i32
    %add3A_73 = arith.addi %mul3A_22, %add3A_72 : i32
    %dma_wait3A_74 = tpu.memref_slice %arg3[%add3A_73] : memref<320000xi32, #tpu.memory_space<hbm>> -> memref<80xi32, #tpu.memory_space<hbm>>
    %dma_wait3A_75 = tpu.memref_slice %arg3[%add3A_73] : memref<320000xi32, #tpu.memory_space<hbm>> -> memref<80xi32, #tpu.memory_space<hbm>>
    tpu.wait_dma2 semaphore(%arg27 : memref<!tpu.dma_semaphore, #tpu.memory_space<semaphore_mem>>) src(%dma_wait3A_75 : memref<80xi32, #tpu.memory_space<hbm>>) dst(%arg13 : memref<80xi32, #tpu.memory_space<vmem>>)
    %dma_wait3A_76 = tpu.memref_slice %arg4[%add3A_73] : memref<320000xi32, #tpu.memory_space<hbm>> -> memref<80xi32, #tpu.memory_space<hbm>>
    %dma_wait3A_77 = tpu.memref_slice %arg4[%add3A_73] : memref<320000xi32, #tpu.memory_space<hbm>> -> memref<80xi32, #tpu.memory_space<hbm>>
    tpu.wait_dma2 semaphore(%arg27 : memref<!tpu.dma_semaphore, #tpu.memory_space<semaphore_mem>>) src(%dma_wait3A_77 : memref<80xi32, #tpu.memory_space<hbm>>) dst(%arg17 : memref<80xi32, #tpu.memory_space<vmem>>)
    %dma_start3A_78 = arith.constant 0 : i32
    %dma_start3A_79 = arith.constant 0 : i32
    %dma_start3A_80 = tpu.memref_slice %arg2[%dma_start3A_78, %dma_start3A_79] : memref<10000x128xf32, #tpu.memory_space<hbm>> -> memref<10000x128xf32, #tpu.memory_space<hbm>>
    tpu.enqueue_indirect_dma source(%dma_start3A_80 : memref<10000x128xf32, #tpu.memory_space<hbm>>) target(%arg21 : memref<80x128xf32, #tpu.memory_space<vmem>>) offsets(%arg13 : memref<80xi32, #tpu.memory_space<vmem>>) semaphore(%arg31 : memref<!tpu.dma_semaphore, #tpu.memory_space<semaphore_mem>>)
    %scan3A = arith.constant 0 : i32
    %scan3A_81 = arith.constant 0 : i32
    %scan3A_82 = arith.constant 31 : i32
    %scan3A_83 = arith.addi %scan3A_81, %scan3A_82 : i32
    %scan3A_84 = arith.constant 1 : i32
    scf.for %scan3A_120 = %scan3A_81 to %scan3A_83 step %scan3A_84  : i32 {
      %mul3A_121 = arith.constant 4 : i32
      %mul3A_122 = arith.muli %mul3A_121, %scan3A_120 : i32
      %dma_wait3A_123 = arith.constant 0 : i32
      %dma_wait3A_124 = arith.constant 0 : i32
      %dma_wait3A_125 = tpu.memref_slice %arg2[%dma_wait3A_123, %dma_wait3A_124] : memref<10000x128xf32, #tpu.memory_space<hbm>> -> memref<10000x128xf32, #tpu.memory_space<hbm>>
      tpu.wait_indirect_dma semaphore(%arg28 : memref<!tpu.dma_semaphore, #tpu.memory_space<semaphore_mem>>) src(%dma_wait3A_125 : memref<10000x128xf32, #tpu.memory_space<hbm>>) dst(%arg18 : memref<80x128xf32, #tpu.memory_space<vmem>>)
      %dma_start3A_126 = arith.constant 0 : i32
      %dma_start3A_127 = arith.constant 0 : i32
      %dma_start3A_128 = tpu.memref_slice %arg36[%dma_start3A_126, %dma_start3A_127] : memref<10000x128xf32, #tpu.memory_space<vmem_shared>> -> memref<10000x128xf32, #tpu.memory_space<vmem_shared>>
      tpu.enqueue_indirect_dma source(%arg18 : memref<80x128xf32, #tpu.memory_space<vmem>>) target(%dma_start3A_128 : memref<10000x128xf32, #tpu.memory_space<vmem_shared>>) offsets(%arg14 : memref<80xi32, #tpu.memory_space<vmem>>) semaphore(%arg32 : memref<!tpu.dma_semaphore, #tpu.memory_space<semaphore_mem>>) {add = true}
      %dma_start3A_129 = arith.constant 0 : i32
      %dma_start3A_130 = tpu.memref_slice %arg37[%dma_start3A_129] : memref<10000xf32, #tpu.memory_space<vmem_shared>> -> memref<10000xf32, #tpu.memory_space<vmem_shared>>
      tpu.enqueue_indirect_dma source(%arg22 : memref<80xf32, #tpu.memory_space<vmem>>) target(%dma_start3A_130 : memref<10000xf32, #tpu.memory_space<vmem_shared>>) offsets(%arg14 : memref<80xi32, #tpu.memory_space<vmem>>) semaphore(%arg32 : memref<!tpu.dma_semaphore, #tpu.memory_space<semaphore_mem>>) {add = true}
      %dma_wait3A_131 = arith.constant 0 : i32
      %dma_wait3A_132 = arith.constant 0 : i32
      %dma_wait3A_133 = tpu.memref_slice %arg36[%dma_wait3A_131, %dma_wait3A_132] : memref<10000x128xf32, #tpu.memory_space<vmem_shared>> -> memref<10000x128xf32, #tpu.memory_space<vmem_shared>>
      tpu.wait_indirect_dma semaphore(%arg32 : memref<!tpu.dma_semaphore, #tpu.memory_space<semaphore_mem>>) src(%arg18 : memref<80x128xf32, #tpu.memory_space<vmem>>) dst(%dma_wait3A_133 : memref<10000x128xf32, #tpu.memory_space<vmem_shared>>)
      %dma_wait3A_134 = arith.constant 0 : i32
      %dma_wait3A_135 = tpu.memref_slice %arg37[%dma_wait3A_134] : memref<10000xf32, #tpu.memory_space<vmem_shared>> -> memref<10000xf32, #tpu.memory_space<vmem_shared>>
      tpu.wait_indirect_dma semaphore(%arg32 : memref<!tpu.dma_semaphore, #tpu.memory_space<semaphore_mem>>) src(%arg22 : memref<80xf32, #tpu.memory_space<vmem>>) dst(%dma_wait3A_135 : memref<10000xf32, #tpu.memory_space<vmem_shared>>)
      %add3A_136 = arith.constant 4 : i32
      %add3A_137 = arith.addi %mul3A_122, %add3A_136 : i32
      %lt3A_138 = arith.constant 125 : i32
      %lt3A_139 = arith.cmpi slt, %add3A_137, %lt3A_138 : i32
      %convert_element_type3A_140 = arith.extui %lt3A_139 : i1 to i32
      %cond3A_141 = arith.constant 0 : i32
      %cond3A_142 = arith.cmpi ne, %convert_element_type3A_140, %cond3A_141 : i32
      scf.if %cond3A_142 {
        %add3A_230 = arith.constant 4 : i32
        %add3A_231 = arith.addi %mul3A_122, %add3A_230 : i32
        %mul3A_232 = arith.constant 80 : i32
        %mul3A_233 = arith.muli %add3A_231, %mul3A_232 : i32
        %add3A_234 = arith.addi %mul3A_22, %mul3A_233 : i32
        %dma_start3A_235 = tpu.memref_slice %arg3[%add3A_234] : memref<320000xi32, #tpu.memory_space<hbm>> -> memref<80xi32, #tpu.memory_space<hbm>>
        %dma_start3A_236 = tpu.memref_slice %arg3[%add3A_234] : memref<320000xi32, #tpu.memory_space<hbm>> -> memref<80xi32, #tpu.memory_space<hbm>>
        tpu.enqueue_dma source(%dma_start3A_236 : memref<80xi32, #tpu.memory_space<hbm>>) target(%arg10 : memref<80xi32, #tpu.memory_space<vmem>>) target_semaphore(%arg24 : memref<!tpu.dma_semaphore, #tpu.memory_space<semaphore_mem>>)
        %dma_start3A_237 = tpu.memref_slice %arg4[%add3A_234] : memref<320000xi32, #tpu.memory_space<hbm>> -> memref<80xi32, #tpu.memory_space<hbm>>
        %dma_start3A_238 = tpu.memref_slice %arg4[%add3A_234] : memref<320000xi32, #tpu.memory_space<hbm>> -> memref<80xi32, #tpu.memory_space<hbm>>
        tpu.enqueue_dma source(%dma_start3A_238 : memref<80xi32, #tpu.memory_space<hbm>>) target(%arg14 : memref<80xi32, #tpu.memory_space<vmem>>) target_semaphore(%arg24 : memref<!tpu.dma_semaphore, #tpu.memory_space<semaphore_mem>>)
      } else {
      }
      %add3A_143 = arith.constant 1 : i32
      %add3A_144 = arith.addi %mul3A_122, %add3A_143 : i32
      %dma_wait3A_145 = arith.constant 0 : i32
      %dma_wait3A_146 = arith.constant 0 : i32
      %dma_wait3A_147 = tpu.memref_slice %arg2[%dma_wait3A_145, %dma_wait3A_146] : memref<10000x128xf32, #tpu.memory_space<hbm>> -> memref<10000x128xf32, #tpu.memory_space<hbm>>
      tpu.wait_indirect_dma semaphore(%arg29 : memref<!tpu.dma_semaphore, #tpu.memory_space<semaphore_mem>>) src(%dma_wait3A_147 : memref<10000x128xf32, #tpu.memory_space<hbm>>) dst(%arg19 : memref<80x128xf32, #tpu.memory_space<vmem>>)
      %dma_start3A_148 = arith.constant 0 : i32
      %dma_start3A_149 = arith.constant 0 : i32
      %dma_start3A_150 = tpu.memref_slice %arg36[%dma_start3A_148, %dma_start3A_149] : memref<10000x128xf32, #tpu.memory_space<vmem_shared>> -> memref<10000x128xf32, #tpu.memory_space<vmem_shared>>
      tpu.enqueue_indirect_dma source(%arg19 : memref<80x128xf32, #tpu.memory_space<vmem>>) target(%dma_start3A_150 : memref<10000x128xf32, #tpu.memory_space<vmem_shared>>) offsets(%arg15 : memref<80xi32, #tpu.memory_space<vmem>>) semaphore(%arg33 : memref<!tpu.dma_semaphore, #tpu.memory_space<semaphore_mem>>) {add = true}
      %dma_start3A_151 = arith.constant 0 : i32
      %dma_start3A_152 = tpu.memref_slice %arg37[%dma_start3A_151] : memref<10000xf32, #tpu.memory_space<vmem_shared>> -> memref<10000xf32, #tpu.memory_space<vmem_shared>>
      tpu.enqueue_indirect_dma source(%arg22 : memref<80xf32, #tpu.memory_space<vmem>>) target(%dma_start3A_152 : memref<10000xf32, #tpu.memory_space<vmem_shared>>) offsets(%arg15 : memref<80xi32, #tpu.memory_space<vmem>>) semaphore(%arg33 : memref<!tpu.dma_semaphore, #tpu.memory_space<semaphore_mem>>) {add = true}
      %add3A_153 = arith.constant 4 : i32
      %add3A_154 = arith.addi %mul3A_122, %add3A_153 : i32
      %lt3A_155 = arith.constant 125 : i32
      %lt3A_156 = arith.cmpi slt, %add3A_154, %lt3A_155 : i32
      %convert_element_type3A_157 = arith.extui %lt3A_156 : i1 to i32
      %cond3A_158 = arith.constant 0 : i32
      %cond3A_159 = arith.cmpi ne, %convert_element_type3A_157, %cond3A_158 : i32
      scf.if %cond3A_159 {
        %add3A_230 = arith.constant 4 : i32
        %add3A_231 = arith.addi %mul3A_122, %add3A_230 : i32
        %mul3A_232 = arith.constant 80 : i32
        %mul3A_233 = arith.muli %add3A_231, %mul3A_232 : i32
        %add3A_234 = arith.addi %mul3A_22, %mul3A_233 : i32
        %dma_wait3A_235 = tpu.memref_slice %arg3[%add3A_234] : memref<320000xi32, #tpu.memory_space<hbm>> -> memref<80xi32, #tpu.memory_space<hbm>>
        %dma_wait3A_236 = tpu.memref_slice %arg3[%add3A_234] : memref<320000xi32, #tpu.memory_space<hbm>> -> memref<80xi32, #tpu.memory_space<hbm>>
        tpu.wait_dma2 semaphore(%arg24 : memref<!tpu.dma_semaphore, #tpu.memory_space<semaphore_mem>>) src(%dma_wait3A_236 : memref<80xi32, #tpu.memory_space<hbm>>) dst(%arg10 : memref<80xi32, #tpu.memory_space<vmem>>)
        %dma_wait3A_237 = tpu.memref_slice %arg4[%add3A_234] : memref<320000xi32, #tpu.memory_space<hbm>> -> memref<80xi32, #tpu.memory_space<hbm>>
        %dma_wait3A_238 = tpu.memref_slice %arg4[%add3A_234] : memref<320000xi32, #tpu.memory_space<hbm>> -> memref<80xi32, #tpu.memory_space<hbm>>
        tpu.wait_dma2 semaphore(%arg24 : memref<!tpu.dma_semaphore, #tpu.memory_space<semaphore_mem>>) src(%dma_wait3A_238 : memref<80xi32, #tpu.memory_space<hbm>>) dst(%arg14 : memref<80xi32, #tpu.memory_space<vmem>>)
        %dma_start3A_239 = arith.constant 0 : i32
        %dma_start3A_240 = arith.constant 0 : i32
        %dma_start3A_241 = tpu.memref_slice %arg2[%dma_start3A_239, %dma_start3A_240] : memref<10000x128xf32, #tpu.memory_space<hbm>> -> memref<10000x128xf32, #tpu.memory_space<hbm>>
        tpu.enqueue_indirect_dma source(%dma_start3A_241 : memref<10000x128xf32, #tpu.memory_space<hbm>>) target(%arg18 : memref<80x128xf32, #tpu.memory_space<vmem>>) offsets(%arg10 : memref<80xi32, #tpu.memory_space<vmem>>) semaphore(%arg28 : memref<!tpu.dma_semaphore, #tpu.memory_space<semaphore_mem>>)
      } else {
      }
      %dma_wait3A_160 = arith.constant 0 : i32
      %dma_wait3A_161 = arith.constant 0 : i32
      %dma_wait3A_162 = tpu.memref_slice %arg36[%dma_wait3A_160, %dma_wait3A_161] : memref<10000x128xf32, #tpu.memory_space<vmem_shared>> -> memref<10000x128xf32, #tpu.memory_space<vmem_shared>>
      tpu.wait_indirect_dma semaphore(%arg33 : memref<!tpu.dma_semaphore, #tpu.memory_space<semaphore_mem>>) src(%arg19 : memref<80x128xf32, #tpu.memory_space<vmem>>) dst(%dma_wait3A_162 : memref<10000x128xf32, #tpu.memory_space<vmem_shared>>)
      %dma_wait3A_163 = arith.constant 0 : i32
      %dma_wait3A_164 = tpu.memref_slice %arg37[%dma_wait3A_163] : memref<10000xf32, #tpu.memory_space<vmem_shared>> -> memref<10000xf32, #tpu.memory_space<vmem_shared>>
      tpu.wait_indirect_dma semaphore(%arg33 : memref<!tpu.dma_semaphore, #tpu.memory_space<semaphore_mem>>) src(%arg22 : memref<80xf32, #tpu.memory_space<vmem>>) dst(%dma_wait3A_164 : memref<10000xf32, #tpu.memory_space<vmem_shared>>)
      %add3A_165 = arith.constant 5 : i32
      %add3A_166 = arith.addi %mul3A_122, %add3A_165 : i32
      %lt3A_167 = arith.constant 125 : i32
      %lt3A_168 = arith.cmpi slt, %add3A_166, %lt3A_167 : i32
      %convert_element_type3A_169 = arith.extui %lt3A_168 : i1 to i32
      %cond3A_170 = arith.constant 0 : i32
      %cond3A_171 = arith.cmpi ne, %convert_element_type3A_169, %cond3A_170 : i32
      scf.if %cond3A_171 {
        %add3A_230 = arith.constant 5 : i32
        %add3A_231 = arith.addi %mul3A_122, %add3A_230 : i32
        %mul3A_232 = arith.constant 80 : i32
        %mul3A_233 = arith.muli %add3A_231, %mul3A_232 : i32
        %add3A_234 = arith.addi %mul3A_22, %mul3A_233 : i32
        %dma_start3A_235 = tpu.memref_slice %arg3[%add3A_234] : memref<320000xi32, #tpu.memory_space<hbm>> -> memref<80xi32, #tpu.memory_space<hbm>>
        %dma_start3A_236 = tpu.memref_slice %arg3[%add3A_234] : memref<320000xi32, #tpu.memory_space<hbm>> -> memref<80xi32, #tpu.memory_space<hbm>>
        tpu.enqueue_dma source(%dma_start3A_236 : memref<80xi32, #tpu.memory_space<hbm>>) target(%arg11 : memref<80xi32, #tpu.memory_space<vmem>>) target_semaphore(%arg25 : memref<!tpu.dma_semaphore, #tpu.memory_space<semaphore_mem>>)
        %dma_start3A_237 = tpu.memref_slice %arg4[%add3A_234] : memref<320000xi32, #tpu.memory_space<hbm>> -> memref<80xi32, #tpu.memory_space<hbm>>
        %dma_start3A_238 = tpu.memref_slice %arg4[%add3A_234] : memref<320000xi32, #tpu.memory_space<hbm>> -> memref<80xi32, #tpu.memory_space<hbm>>
        tpu.enqueue_dma source(%dma_start3A_238 : memref<80xi32, #tpu.memory_space<hbm>>) target(%arg15 : memref<80xi32, #tpu.memory_space<vmem>>) target_semaphore(%arg25 : memref<!tpu.dma_semaphore, #tpu.memory_space<semaphore_mem>>)
      } else {
      }
      %add3A_172 = arith.constant 2 : i32
      %add3A_173 = arith.addi %mul3A_122, %add3A_172 : i32
      %dma_wait3A_174 = arith.constant 0 : i32
      %dma_wait3A_175 = arith.constant 0 : i32
      %dma_wait3A_176 = tpu.memref_slice %arg2[%dma_wait3A_174, %dma_wait3A_175] : memref<10000x128xf32, #tpu.memory_space<hbm>> -> memref<10000x128xf32, #tpu.memory_space<hbm>>
      tpu.wait_indirect_dma semaphore(%arg30 : memref<!tpu.dma_semaphore, #tpu.memory_space<semaphore_mem>>) src(%dma_wait3A_176 : memref<10000x128xf32, #tpu.memory_space<hbm>>) dst(%arg20 : memref<80x128xf32, #tpu.memory_space<vmem>>)
      %dma_start3A_177 = arith.constant 0 : i32
      %dma_start3A_178 = arith.constant 0 : i32
      %dma_start3A_179 = tpu.memref_slice %arg36[%dma_start3A_177, %dma_start3A_178] : memref<10000x128xf32, #tpu.memory_space<vmem_shared>> -> memref<10000x128xf32, #tpu.memory_space<vmem_shared>>
      tpu.enqueue_indirect_dma source(%arg20 : memref<80x128xf32, #tpu.memory_space<vmem>>) target(%dma_start3A_179 : memref<10000x128xf32, #tpu.memory_space<vmem_shared>>) offsets(%arg16 : memref<80xi32, #tpu.memory_space<vmem>>) semaphore(%arg34 : memref<!tpu.dma_semaphore, #tpu.memory_space<semaphore_mem>>) {add = true}
      %dma_start3A_180 = arith.constant 0 : i32
      %dma_start3A_181 = tpu.memref_slice %arg37[%dma_start3A_180] : memref<10000xf32, #tpu.memory_space<vmem_shared>> -> memref<10000xf32, #tpu.memory_space<vmem_shared>>
      tpu.enqueue_indirect_dma source(%arg22 : memref<80xf32, #tpu.memory_space<vmem>>) target(%dma_start3A_181 : memref<10000xf32, #tpu.memory_space<vmem_shared>>) offsets(%arg16 : memref<80xi32, #tpu.memory_space<vmem>>) semaphore(%arg34 : memref<!tpu.dma_semaphore, #tpu.memory_space<semaphore_mem>>) {add = true}
      %add3A_182 = arith.constant 5 : i32
      %add3A_183 = arith.addi %mul3A_122, %add3A_182 : i32
      %lt3A_184 = arith.constant 125 : i32
      %lt3A_185 = arith.cmpi slt, %add3A_183, %lt3A_184 : i32
      %convert_element_type3A_186 = arith.extui %lt3A_185 : i1 to i32
      %cond3A_187 = arith.constant 0 : i32
      %cond3A_188 = arith.cmpi ne, %convert_element_type3A_186, %cond3A_187 : i32
      scf.if %cond3A_188 {
        %add3A_230 = arith.constant 5 : i32
        %add3A_231 = arith.addi %mul3A_122, %add3A_230 : i32
        %mul3A_232 = arith.constant 80 : i32
        %mul3A_233 = arith.muli %add3A_231, %mul3A_232 : i32
        %add3A_234 = arith.addi %mul3A_22, %mul3A_233 : i32
        %dma_wait3A_235 = tpu.memref_slice %arg3[%add3A_234] : memref<320000xi32, #tpu.memory_space<hbm>> -> memref<80xi32, #tpu.memory_space<hbm>>
        %dma_wait3A_236 = tpu.memref_slice %arg3[%add3A_234] : memref<320000xi32, #tpu.memory_space<hbm>> -> memref<80xi32, #tpu.memory_space<hbm>>
        tpu.wait_dma2 semaphore(%arg25 : memref<!tpu.dma_semaphore, #tpu.memory_space<semaphore_mem>>) src(%dma_wait3A_236 : memref<80xi32, #tpu.memory_space<hbm>>) dst(%arg11 : memref<80xi32, #tpu.memory_space<vmem>>)
        %dma_wait3A_237 = tpu.memref_slice %arg4[%add3A_234] : memref<320000xi32, #tpu.memory_space<hbm>> -> memref<80xi32, #tpu.memory_space<hbm>>
        %dma_wait3A_238 = tpu.memref_slice %arg4[%add3A_234] : memref<320000xi32, #tpu.memory_space<hbm>> -> memref<80xi32, #tpu.memory_space<hbm>>
        tpu.wait_dma2 semaphore(%arg25 : memref<!tpu.dma_semaphore, #tpu.memory_space<semaphore_mem>>) src(%dma_wait3A_238 : memref<80xi32, #tpu.memory_space<hbm>>) dst(%arg15 : memref<80xi32, #tpu.memory_space<vmem>>)
        %dma_start3A_239 = arith.constant 0 : i32
        %dma_start3A_240 = arith.constant 0 : i32
        %dma_start3A_241 = tpu.memref_slice %arg2[%dma_start3A_239, %dma_start3A_240] : memref<10000x128xf32, #tpu.memory_space<hbm>> -> memref<10000x128xf32, #tpu.memory_space<hbm>>
        tpu.enqueue_indirect_dma source(%dma_start3A_241 : memref<10000x128xf32, #tpu.memory_space<hbm>>) target(%arg19 : memref<80x128xf32, #tpu.memory_space<vmem>>) offsets(%arg11 : memref<80xi32, #tpu.memory_space<vmem>>) semaphore(%arg29 : memref<!tpu.dma_semaphore, #tpu.memory_space<semaphore_mem>>)
      } else {
      }
      %dma_wait3A_189 = arith.constant 0 : i32
      %dma_wait3A_190 = arith.constant 0 : i32
      %dma_wait3A_191 = tpu.memref_slice %arg36[%dma_wait3A_189, %dma_wait3A_190] : memref<10000x128xf32, #tpu.memory_space<vmem_shared>> -> memref<10000x128xf32, #tpu.memory_space<vmem_shared>>
      tpu.wait_indirect_dma semaphore(%arg34 : memref<!tpu.dma_semaphore, #tpu.memory_space<semaphore_mem>>) src(%arg20 : memref<80x128xf32, #tpu.memory_space<vmem>>) dst(%dma_wait3A_191 : memref<10000x128xf32, #tpu.memory_space<vmem_shared>>)
      %dma_wait3A_192 = arith.constant 0 : i32
      %dma_wait3A_193 = tpu.memref_slice %arg37[%dma_wait3A_192] : memref<10000xf32, #tpu.memory_space<vmem_shared>> -> memref<10000xf32, #tpu.memory_space<vmem_shared>>
      tpu.wait_indirect_dma semaphore(%arg34 : memref<!tpu.dma_semaphore, #tpu.memory_space<semaphore_mem>>) src(%arg22 : memref<80xf32, #tpu.memory_space<vmem>>) dst(%dma_wait3A_193 : memref<10000xf32, #tpu.memory_space<vmem_shared>>)
      %add3A_194 = arith.constant 6 : i32
      %add3A_195 = arith.addi %mul3A_122, %add3A_194 : i32
      %lt3A_196 = arith.constant 125 : i32
      %lt3A_197 = arith.cmpi slt, %add3A_195, %lt3A_196 : i32
      %convert_element_type3A_198 = arith.extui %lt3A_197 : i1 to i32
      %cond3A_199 = arith.constant 0 : i32
      %cond3A_200 = arith.cmpi ne, %convert_element_type3A_198, %cond3A_199 : i32
      scf.if %cond3A_200 {
        %add3A_230 = arith.constant 6 : i32
        %add3A_231 = arith.addi %mul3A_122, %add3A_230 : i32
        %mul3A_232 = arith.constant 80 : i32
        %mul3A_233 = arith.muli %add3A_231, %mul3A_232 : i32
        %add3A_234 = arith.addi %mul3A_22, %mul3A_233 : i32
        %dma_start3A_235 = tpu.memref_slice %arg3[%add3A_234] : memref<320000xi32, #tpu.memory_space<hbm>> -> memref<80xi32, #tpu.memory_space<hbm>>
        %dma_start3A_236 = tpu.memref_slice %arg3[%add3A_234] : memref<320000xi32, #tpu.memory_space<hbm>> -> memref<80xi32, #tpu.memory_space<hbm>>
        tpu.enqueue_dma source(%dma_start3A_236 : memref<80xi32, #tpu.memory_space<hbm>>) target(%arg12 : memref<80xi32, #tpu.memory_space<vmem>>) target_semaphore(%arg26 : memref<!tpu.dma_semaphore, #tpu.memory_space<semaphore_mem>>)
        %dma_start3A_237 = tpu.memref_slice %arg4[%add3A_234] : memref<320000xi32, #tpu.memory_space<hbm>> -> memref<80xi32, #tpu.memory_space<hbm>>
        %dma_start3A_238 = tpu.memref_slice %arg4[%add3A_234] : memref<320000xi32, #tpu.memory_space<hbm>> -> memref<80xi32, #tpu.memory_space<hbm>>
        tpu.enqueue_dma source(%dma_start3A_238 : memref<80xi32, #tpu.memory_space<hbm>>) target(%arg16 : memref<80xi32, #tpu.memory_space<vmem>>) target_semaphore(%arg26 : memref<!tpu.dma_semaphore, #tpu.memory_space<semaphore_mem>>)
      } else {
      }
      %add3A_201 = arith.constant 3 : i32
      %add3A_202 = arith.addi %mul3A_122, %add3A_201 : i32
      %dma_wait3A_203 = arith.constant 0 : i32
      %dma_wait3A_204 = arith.constant 0 : i32
      %dma_wait3A_205 = tpu.memref_slice %arg2[%dma_wait3A_203, %dma_wait3A_204] : memref<10000x128xf32, #tpu.memory_space<hbm>> -> memref<10000x128xf32, #tpu.memory_space<hbm>>
      tpu.wait_indirect_dma semaphore(%arg31 : memref<!tpu.dma_semaphore, #tpu.memory_space<semaphore_mem>>) src(%dma_wait3A_205 : memref<10000x128xf32, #tpu.memory_space<hbm>>) dst(%arg21 : memref<80x128xf32, #tpu.memory_space<vmem>>)
      %dma_start3A_206 = arith.constant 0 : i32
      %dma_start3A_207 = arith.constant 0 : i32
      %dma_start3A_208 = tpu.memref_slice %arg36[%dma_start3A_206, %dma_start3A_207] : memref<10000x128xf32, #tpu.memory_space<vmem_shared>> -> memref<10000x128xf32, #tpu.memory_space<vmem_shared>>
      tpu.enqueue_indirect_dma source(%arg21 : memref<80x128xf32, #tpu.memory_space<vmem>>) target(%dma_start3A_208 : memref<10000x128xf32, #tpu.memory_space<vmem_shared>>) offsets(%arg17 : memref<80xi32, #tpu.memory_space<vmem>>) semaphore(%arg35 : memref<!tpu.dma_semaphore, #tpu.memory_space<semaphore_mem>>) {add = true}
      %dma_start3A_209 = arith.constant 0 : i32
      %dma_start3A_210 = tpu.memref_slice %arg37[%dma_start3A_209] : memref<10000xf32, #tpu.memory_space<vmem_shared>> -> memref<10000xf32, #tpu.memory_space<vmem_shared>>
      tpu.enqueue_indirect_dma source(%arg22 : memref<80xf32, #tpu.memory_space<vmem>>) target(%dma_start3A_210 : memref<10000xf32, #tpu.memory_space<vmem_shared>>) offsets(%arg17 : memref<80xi32, #tpu.memory_space<vmem>>) semaphore(%arg35 : memref<!tpu.dma_semaphore, #tpu.memory_space<semaphore_mem>>) {add = true}
      %add3A_211 = arith.constant 6 : i32
      %add3A_212 = arith.addi %mul3A_122, %add3A_211 : i32
      %lt3A_213 = arith.constant 125 : i32
      %lt3A_214 = arith.cmpi slt, %add3A_212, %lt3A_213 : i32
      %convert_element_type3A_215 = arith.extui %lt3A_214 : i1 to i32
      %cond3A_216 = arith.constant 0 : i32
      %cond3A_217 = arith.cmpi ne, %convert_element_type3A_215, %cond3A_216 : i32
      scf.if %cond3A_217 {
        %add3A_230 = arith.constant 6 : i32
        %add3A_231 = arith.addi %mul3A_122, %add3A_230 : i32
        %mul3A_232 = arith.constant 80 : i32
        %mul3A_233 = arith.muli %add3A_231, %mul3A_232 : i32
        %add3A_234 = arith.addi %mul3A_22, %mul3A_233 : i32
        %dma_wait3A_235 = tpu.memref_slice %arg3[%add3A_234] : memref<320000xi32, #tpu.memory_space<hbm>> -> memref<80xi32, #tpu.memory_space<hbm>>
        %dma_wait3A_236 = tpu.memref_slice %arg3[%add3A_234] : memref<320000xi32, #tpu.memory_space<hbm>> -> memref<80xi32, #tpu.memory_space<hbm>>
        tpu.wait_dma2 semaphore(%arg26 : memref<!tpu.dma_semaphore, #tpu.memory_space<semaphore_mem>>) src(%dma_wait3A_236 : memref<80xi32, #tpu.memory_space<hbm>>) dst(%arg12 : memref<80xi32, #tpu.memory_space<vmem>>)
        %dma_wait3A_237 = tpu.memref_slice %arg4[%add3A_234] : memref<320000xi32, #tpu.memory_space<hbm>> -> memref<80xi32, #tpu.memory_space<hbm>>
        %dma_wait3A_238 = tpu.memref_slice %arg4[%add3A_234] : memref<320000xi32, #tpu.memory_space<hbm>> -> memref<80xi32, #tpu.memory_space<hbm>>
        tpu.wait_dma2 semaphore(%arg26 : memref<!tpu.dma_semaphore, #tpu.memory_space<semaphore_mem>>) src(%dma_wait3A_238 : memref<80xi32, #tpu.memory_space<hbm>>) dst(%arg16 : memref<80xi32, #tpu.memory_space<vmem>>)
        %dma_start3A_239 = arith.constant 0 : i32
        %dma_start3A_240 = arith.constant 0 : i32
        %dma_start3A_241 = tpu.memref_slice %arg2[%dma_start3A_239, %dma_start3A_240] : memref<10000x128xf32, #tpu.memory_space<hbm>> -> memref<10000x128xf32, #tpu.memory_space<hbm>>
        tpu.enqueue_indirect_dma source(%dma_start3A_241 : memref<10000x128xf32, #tpu.memory_space<hbm>>) target(%arg20 : memref<80x128xf32, #tpu.memory_space<vmem>>) offsets(%arg12 : memref<80xi32, #tpu.memory_space<vmem>>) semaphore(%arg30 : memref<!tpu.dma_semaphore, #tpu.memory_space<semaphore_mem>>)
      } else {
      }
      %dma_wait3A_218 = arith.constant 0 : i32
      %dma_wait3A_219 = arith.constant 0 : i32
      %dma_wait3A_220 = tpu.memref_slice %arg36[%dma_wait3A_218, %dma_wait3A_219] : memref<10000x128xf32, #tpu.memory_space<vmem_shared>> -> memref<10000x128xf32, #tpu.memory_space<vmem_shared>>
      tpu.wait_indirect_dma semaphore(%arg35 : memref<!tpu.dma_semaphore, #tpu.memory_space<semaphore_mem>>) src(%arg21 : memref<80x128xf32, #tpu.memory_space<vmem>>) dst(%dma_wait3A_220 : memref<10000x128xf32, #tpu.memory_space<vmem_shared>>)
      %dma_wait3A_221 = arith.constant 0 : i32
      %dma_wait3A_222 = tpu.memref_slice %arg37[%dma_wait3A_221] : memref<10000xf32, #tpu.memory_space<vmem_shared>> -> memref<10000xf32, #tpu.memory_space<vmem_shared>>
      tpu.wait_indirect_dma semaphore(%arg35 : memref<!tpu.dma_semaphore, #tpu.memory_space<semaphore_mem>>) src(%arg22 : memref<80xf32, #tpu.memory_space<vmem>>) dst(%dma_wait3A_222 : memref<10000xf32, #tpu.memory_space<vmem_shared>>)
      %add3A_223 = arith.constant 7 : i32
      %add3A_224 = arith.addi %mul3A_122, %add3A_223 : i32
      %lt3A_225 = arith.constant 125 : i32
      %lt3A_226 = arith.cmpi slt, %add3A_224, %lt3A_225 : i32
      %convert_element_type3A_227 = arith.extui %lt3A_226 : i1 to i32
      %cond3A_228 = arith.constant 0 : i32
      %cond3A_229 = arith.cmpi ne, %convert_element_type3A_227, %cond3A_228 : i32
      scf.if %cond3A_229 {
        %add3A_230 = arith.constant 7 : i32
        %add3A_231 = arith.addi %mul3A_122, %add3A_230 : i32
        %mul3A_232 = arith.constant 80 : i32
        %mul3A_233 = arith.muli %add3A_231, %mul3A_232 : i32
        %add3A_234 = arith.addi %mul3A_22, %mul3A_233 : i32
        %dma_start3A_235 = tpu.memref_slice %arg3[%add3A_234] : memref<320000xi32, #tpu.memory_space<hbm>> -> memref<80xi32, #tpu.memory_space<hbm>>
        %dma_start3A_236 = tpu.memref_slice %arg3[%add3A_234] : memref<320000xi32, #tpu.memory_space<hbm>> -> memref<80xi32, #tpu.memory_space<hbm>>
        tpu.enqueue_dma source(%dma_start3A_236 : memref<80xi32, #tpu.memory_space<hbm>>) target(%arg13 : memref<80xi32, #tpu.memory_space<vmem>>) target_semaphore(%arg27 : memref<!tpu.dma_semaphore, #tpu.memory_space<semaphore_mem>>)
        %dma_start3A_237 = tpu.memref_slice %arg4[%add3A_234] : memref<320000xi32, #tpu.memory_space<hbm>> -> memref<80xi32, #tpu.memory_space<hbm>>
        %dma_start3A_238 = tpu.memref_slice %arg4[%add3A_234] : memref<320000xi32, #tpu.memory_space<hbm>> -> memref<80xi32, #tpu.memory_space<hbm>>
        tpu.enqueue_dma source(%dma_start3A_238 : memref<80xi32, #tpu.memory_space<hbm>>) target(%arg17 : memref<80xi32, #tpu.memory_space<vmem>>) target_semaphore(%arg27 : memref<!tpu.dma_semaphore, #tpu.memory_space<semaphore_mem>>)
        %add3A_239 = arith.constant 7 : i32
        %add3A_240 = arith.addi %mul3A_122, %add3A_239 : i32
        %mul3A_241 = arith.constant 80 : i32
        %mul3A_242 = arith.muli %add3A_240, %mul3A_241 : i32
        %add3A_243 = arith.addi %mul3A_22, %mul3A_242 : i32
        %dma_wait3A_244 = tpu.memref_slice %arg3[%add3A_243] : memref<320000xi32, #tpu.memory_space<hbm>> -> memref<80xi32, #tpu.memory_space<hbm>>
        %dma_wait3A_245 = tpu.memref_slice %arg3[%add3A_243] : memref<320000xi32, #tpu.memory_space<hbm>> -> memref<80xi32, #tpu.memory_space<hbm>>
        tpu.wait_dma2 semaphore(%arg27 : memref<!tpu.dma_semaphore, #tpu.memory_space<semaphore_mem>>) src(%dma_wait3A_245 : memref<80xi32, #tpu.memory_space<hbm>>) dst(%arg13 : memref<80xi32, #tpu.memory_space<vmem>>)
        %dma_wait3A_246 = tpu.memref_slice %arg4[%add3A_243] : memref<320000xi32, #tpu.memory_space<hbm>> -> memref<80xi32, #tpu.memory_space<hbm>>
        %dma_wait3A_247 = tpu.memref_slice %arg4[%add3A_243] : memref<320000xi32, #tpu.memory_space<hbm>> -> memref<80xi32, #tpu.memory_space<hbm>>
        tpu.wait_dma2 semaphore(%arg27 : memref<!tpu.dma_semaphore, #tpu.memory_space<semaphore_mem>>) src(%dma_wait3A_247 : memref<80xi32, #tpu.memory_space<hbm>>) dst(%arg17 : memref<80xi32, #tpu.memory_space<vmem>>)
        %dma_start3A_248 = arith.constant 0 : i32
        %dma_start3A_249 = arith.constant 0 : i32
        %dma_start3A_250 = tpu.memref_slice %arg2[%dma_start3A_248, %dma_start3A_249] : memref<10000x128xf32, #tpu.memory_space<hbm>> -> memref<10000x128xf32, #tpu.memory_space<hbm>>
        tpu.enqueue_indirect_dma source(%dma_start3A_250 : memref<10000x128xf32, #tpu.memory_space<hbm>>) target(%arg21 : memref<80x128xf32, #tpu.memory_space<vmem>>) offsets(%arg13 : memref<80xi32, #tpu.memory_space<vmem>>) semaphore(%arg31 : memref<!tpu.dma_semaphore, #tpu.memory_space<semaphore_mem>>)
      } else {
      }
    }
    %scan3A_85 = arith.constant 31 : i32
    %dma_wait3A_86 = arith.constant 0 : i32
    %dma_wait3A_87 = arith.constant 0 : i32
    %dma_wait3A_88 = tpu.memref_slice %arg2[%dma_wait3A_86, %dma_wait3A_87] : memref<10000x128xf32, #tpu.memory_space<hbm>> -> memref<10000x128xf32, #tpu.memory_space<hbm>>
    tpu.wait_indirect_dma semaphore(%arg28 : memref<!tpu.dma_semaphore, #tpu.memory_space<semaphore_mem>>) src(%dma_wait3A_88 : memref<10000x128xf32, #tpu.memory_space<hbm>>) dst(%arg18 : memref<80x128xf32, #tpu.memory_space<vmem>>)
    %dma_start3A_89 = arith.constant 0 : i32
    %dma_start3A_90 = arith.constant 0 : i32
    %dma_start3A_91 = tpu.memref_slice %arg36[%dma_start3A_89, %dma_start3A_90] : memref<10000x128xf32, #tpu.memory_space<vmem_shared>> -> memref<10000x128xf32, #tpu.memory_space<vmem_shared>>
    tpu.enqueue_indirect_dma source(%arg18 : memref<80x128xf32, #tpu.memory_space<vmem>>) target(%dma_start3A_91 : memref<10000x128xf32, #tpu.memory_space<vmem_shared>>) offsets(%arg14 : memref<80xi32, #tpu.memory_space<vmem>>) semaphore(%arg32 : memref<!tpu.dma_semaphore, #tpu.memory_space<semaphore_mem>>) {add = true}
    %dma_start3A_92 = arith.constant 0 : i32
    %dma_start3A_93 = tpu.memref_slice %arg37[%dma_start3A_92] : memref<10000xf32, #tpu.memory_space<vmem_shared>> -> memref<10000xf32, #tpu.memory_space<vmem_shared>>
    tpu.enqueue_indirect_dma source(%arg22 : memref<80xf32, #tpu.memory_space<vmem>>) target(%dma_start3A_93 : memref<10000xf32, #tpu.memory_space<vmem_shared>>) offsets(%arg14 : memref<80xi32, #tpu.memory_space<vmem>>) semaphore(%arg32 : memref<!tpu.dma_semaphore, #tpu.memory_space<semaphore_mem>>) {add = true}
    %dma_wait3A_94 = arith.constant 0 : i32
    %dma_wait3A_95 = arith.constant 0 : i32
    %dma_wait3A_96 = tpu.memref_slice %arg36[%dma_wait3A_94, %dma_wait3A_95] : memref<10000x128xf32, #tpu.memory_space<vmem_shared>> -> memref<10000x128xf32, #tpu.memory_space<vmem_shared>>
    tpu.wait_indirect_dma semaphore(%arg32 : memref<!tpu.dma_semaphore, #tpu.memory_space<semaphore_mem>>) src(%arg18 : memref<80x128xf32, #tpu.memory_space<vmem>>) dst(%dma_wait3A_96 : memref<10000x128xf32, #tpu.memory_space<vmem_shared>>)
    %dma_wait3A_97 = arith.constant 0 : i32
    %dma_wait3A_98 = tpu.memref_slice %arg37[%dma_wait3A_97] : memref<10000xf32, #tpu.memory_space<vmem_shared>> -> memref<10000xf32, #tpu.memory_space<vmem_shared>>
    tpu.wait_indirect_dma semaphore(%arg32 : memref<!tpu.dma_semaphore, #tpu.memory_space<semaphore_mem>>) src(%arg22 : memref<80xf32, #tpu.memory_space<vmem>>) dst(%dma_wait3A_98 : memref<10000xf32, #tpu.memory_space<vmem_shared>>)
    %barrier3A_99 = arith.constant 0 : index
    tpu.barrier barrier_id(%barrier3A_99)
    %while3A_100 = arith.constant 0 : i32
    %while3A_101 = arith.constant 0 : i32
    %while3A_102 = arith.subi %select_n3A, %while3A_101 : i32
    %while3A_103 = arith.addi %while3A_101, %while3A_102 : i32
    %while3A_104 = arith.constant 1 : i32
    %while3A_105 = arith.divsi %while3A_102, %while3A_104 : i32
    %while3A_106 = arith.muli %while3A_105, %while3A_104 : i32
    %while3A_107 = arith.addi %while3A_101, %while3A_106 : i32
    %while3A_108 = arith.constant 1 : i32
    scf.for %while3A_120 = %while3A_101 to %while3A_107 step %while3A_108  : i32 {
      %mul3A_121 = arith.constant 640 : i32
      %mul3A_122 = arith.muli %arg1, %mul3A_121 : i32
      %mul3A_123 = arith.constant 80 : i32
      %mul3A_124 = arith.muli %while3A_120, %mul3A_123 : i32
      %add3A_125 = arith.addi %mul3A_122, %mul3A_124 : i32
      "tpu.region"() ({
        %run_scoped3A = tpu.sem_alloc : memref<!tpu.dma_semaphore, #tpu.memory_space<semaphore_mem>>
        %dma_start3A_126 = arith.constant 0 : i32
        %dma_start3A_127 = tpu.memref_slice %arg36[%add3A_125, %dma_start3A_126] : memref<10000x128xf32, #tpu.memory_space<vmem_shared>> -> memref<80x128xf32, #tpu.memory_space<vmem_shared>>
        %dma_start3A_128 = arith.constant 0 : i32
        %dma_start3A_129 = tpu.memref_slice %arg36[%add3A_125, %dma_start3A_128] : memref<10000x128xf32, #tpu.memory_space<vmem_shared>> -> memref<80x128xf32, #tpu.memory_space<vmem_shared>>
        tpu.enqueue_dma source(%dma_start3A_129 : memref<80x128xf32, #tpu.memory_space<vmem_shared>>) target(%arg18 : memref<80x128xf32, #tpu.memory_space<vmem>>) target_semaphore(%run_scoped3A : memref<!tpu.dma_semaphore, #tpu.memory_space<semaphore_mem>>)
        %dma_wait3A_130 = arith.constant 0 : i32
        %dma_wait3A_131 = tpu.memref_slice %arg36[%add3A_125, %dma_wait3A_130] : memref<10000x128xf32, #tpu.memory_space<vmem_shared>> -> memref<80x128xf32, #tpu.memory_space<vmem_shared>>
        %dma_wait3A_132 = arith.constant 0 : i32
        %dma_wait3A_133 = tpu.memref_slice %arg36[%add3A_125, %dma_wait3A_132] : memref<10000x128xf32, #tpu.memory_space<vmem_shared>> -> memref<80x128xf32, #tpu.memory_space<vmem_shared>>
        tpu.wait_dma2 semaphore(%run_scoped3A : memref<!tpu.dma_semaphore, #tpu.memory_space<semaphore_mem>>) src(%dma_wait3A_133 : memref<80x128xf32, #tpu.memory_space<vmem_shared>>) dst(%arg18 : memref<80x128xf32, #tpu.memory_space<vmem>>)
        tpu.yield
      }) : () -> ()
      "tpu.region"() ({
        %run_scoped3A = tpu.sem_alloc : memref<!tpu.dma_semaphore, #tpu.memory_space<semaphore_mem>>
        %dma_start3A_126 = arith.constant 0 : i32
        %dma_start3A_127 = tpu.memref_slice %arg8[%arg0, %add3A_125, %dma_start3A_126] : memref<2x10000x128xf32, #tpu.memory_space<hbm>> -> memref<1x80x128xf32, #tpu.memory_space<hbm>>
        %dma_start3A_128 = tpu.memref_squeeze %dma_start3A_127 : memref<1x80x128xf32, #tpu.memory_space<hbm>> -> memref<80x128xf32, #tpu.memory_space<hbm>>
        %dma_start3A_129 = arith.constant 0 : i32
        %dma_start3A_130 = tpu.memref_slice %arg8[%arg0, %add3A_125, %dma_start3A_129] : memref<2x10000x128xf32, #tpu.memory_space<hbm>> -> memref<1x80x128xf32, #tpu.memory_space<hbm>>
        %dma_start3A_131 = tpu.memref_squeeze %dma_start3A_130 : memref<1x80x128xf32, #tpu.memory_space<hbm>> -> memref<80x128xf32, #tpu.memory_space<hbm>>
        tpu.enqueue_dma source(%arg18 : memref<80x128xf32, #tpu.memory_space<vmem>>) target(%dma_start3A_131 : memref<80x128xf32, #tpu.memory_space<hbm>>) target_semaphore(%run_scoped3A : memref<!tpu.dma_semaphore, #tpu.memory_space<semaphore_mem>>)
        %dma_wait3A_132 = arith.constant 0 : i32
        %dma_wait3A_133 = tpu.memref_slice %arg8[%arg0, %add3A_125, %dma_wait3A_132] : memref<2x10000x128xf32, #tpu.memory_space<hbm>> -> memref<1x80x128xf32, #tpu.memory_space<hbm>>
        %dma_wait3A_134 = tpu.memref_squeeze %dma_wait3A_133 : memref<1x80x128xf32, #tpu.memory_space<hbm>> -> memref<80x128xf32, #tpu.memory_space<hbm>>
        %dma_wait3A_135 = arith.constant 0 : i32
        %dma_wait3A_136 = tpu.memref_slice %arg8[%arg0, %add3A_125, %dma_wait3A_135] : memref<2x10000x128xf32, #tpu.memory_space<hbm>> -> memref<1x80x128xf32, #tpu.memory_space<hbm>>
        %dma_wait3A_137 = tpu.memref_squeeze %dma_wait3A_136 : memref<1x80x128xf32, #tpu.memory_space<hbm>> -> memref<80x128xf32, #tpu.memory_space<hbm>>
        tpu.wait_dma2 semaphore(%run_scoped3A : memref<!tpu.dma_semaphore, #tpu.memory_space<semaphore_mem>>) src(%arg18 : memref<80x128xf32, #tpu.memory_space<vmem>>) dst(%dma_wait3A_137 : memref<80x128xf32, #tpu.memory_space<hbm>>)
        tpu.yield
      }) : () -> ()
    }
    %while3A_109 = arith.constant 1 : i32
    scf.for %while3A_120 = %while3A_107 to %while3A_103 step %while3A_109  : i32 {
      %mul3A_121 = arith.constant 640 : i32
      %mul3A_122 = arith.muli %arg1, %mul3A_121 : i32
      %mul3A_123 = arith.constant 80 : i32
      %mul3A_124 = arith.muli %while3A_120, %mul3A_123 : i32
      %add3A_125 = arith.addi %mul3A_122, %mul3A_124 : i32
      "tpu.region"() ({
        %run_scoped3A = tpu.sem_alloc : memref<!tpu.dma_semaphore, #tpu.memory_space<semaphore_mem>>
        %dma_start3A_126 = arith.constant 0 : i32
        %dma_start3A_127 = tpu.memref_slice %arg36[%add3A_125, %dma_start3A_126] : memref<10000x128xf32, #tpu.memory_space<vmem_shared>> -> memref<80x128xf32, #tpu.memory_space<vmem_shared>>
        %dma_start3A_128 = arith.constant 0 : i32
        %dma_start3A_129 = tpu.memref_slice %arg36[%add3A_125, %dma_start3A_128] : memref<10000x128xf32, #tpu.memory_space<vmem_shared>> -> memref<80x128xf32, #tpu.memory_space<vmem_shared>>
        tpu.enqueue_dma source(%dma_start3A_129 : memref<80x128xf32, #tpu.memory_space<vmem_shared>>) target(%arg18 : memref<80x128xf32, #tpu.memory_space<vmem>>) target_semaphore(%run_scoped3A : memref<!tpu.dma_semaphore, #tpu.memory_space<semaphore_mem>>)
        %dma_wait3A_130 = arith.constant 0 : i32
        %dma_wait3A_131 = tpu.memref_slice %arg36[%add3A_125, %dma_wait3A_130] : memref<10000x128xf32, #tpu.memory_space<vmem_shared>> -> memref<80x128xf32, #tpu.memory_space<vmem_shared>>
        %dma_wait3A_132 = arith.constant 0 : i32
        %dma_wait3A_133 = tpu.memref_slice %arg36[%add3A_125, %dma_wait3A_132] : memref<10000x128xf32, #tpu.memory_space<vmem_shared>> -> memref<80x128xf32, #tpu.memory_space<vmem_shared>>
        tpu.wait_dma2 semaphore(%run_scoped3A : memref<!tpu.dma_semaphore, #tpu.memory_space<semaphore_mem>>) src(%dma_wait3A_133 : memref<80x128xf32, #tpu.memory_space<vmem_shared>>) dst(%arg18 : memref<80x128xf32, #tpu.memory_space<vmem>>)
        tpu.yield
      }) : () -> ()
      "tpu.region"() ({
        %run_scoped3A = tpu.sem_alloc : memref<!tpu.dma_semaphore, #tpu.memory_space<semaphore_mem>>
        %dma_start3A_126 = arith.constant 0 : i32
        %dma_start3A_127 = tpu.memref_slice %arg8[%arg0, %add3A_125, %dma_start3A_126] : memref<2x10000x128xf32, #tpu.memory_space<hbm>> -> memref<1x80x128xf32, #tpu.memory_space<hbm>>
        %dma_start3A_128 = tpu.memref_squeeze %dma_start3A_127 : memref<1x80x128xf32, #tpu.memory_space<hbm>> -> memref<80x128xf32, #tpu.memory_space<hbm>>
        %dma_start3A_129 = arith.constant 0 : i32
        %dma_start3A_130 = tpu.memref_slice %arg8[%arg0, %add3A_125, %dma_start3A_129] : memref<2x10000x128xf32, #tpu.memory_space<hbm>> -> memref<1x80x128xf32, #tpu.memory_space<hbm>>
        %dma_start3A_131 = tpu.memref_squeeze %dma_start3A_130 : memref<1x80x128xf32, #tpu.memory_space<hbm>> -> memref<80x128xf32, #tpu.memory_space<hbm>>
        tpu.enqueue_dma source(%arg18 : memref<80x128xf32, #tpu.memory_space<vmem>>) target(%dma_start3A_131 : memref<80x128xf32, #tpu.memory_space<hbm>>) target_semaphore(%run_scoped3A : memref<!tpu.dma_semaphore, #tpu.memory_space<semaphore_mem>>)
        %dma_wait3A_132 = arith.constant 0 : i32
        %dma_wait3A_133 = tpu.memref_slice %arg8[%arg0, %add3A_125, %dma_wait3A_132] : memref<2x10000x128xf32, #tpu.memory_space<hbm>> -> memref<1x80x128xf32, #tpu.memory_space<hbm>>
        %dma_wait3A_134 = tpu.memref_squeeze %dma_wait3A_133 : memref<1x80x128xf32, #tpu.memory_space<hbm>> -> memref<80x128xf32, #tpu.memory_space<hbm>>
        %dma_wait3A_135 = arith.constant 0 : i32
        %dma_wait3A_136 = tpu.memref_slice %arg8[%arg0, %add3A_125, %dma_wait3A_135] : memref<2x10000x128xf32, #tpu.memory_space<hbm>> -> memref<1x80x128xf32, #tpu.memory_space<hbm>>
        %dma_wait3A_137 = tpu.memref_squeeze %dma_wait3A_136 : memref<1x80x128xf32, #tpu.memory_space<hbm>> -> memref<80x128xf32, #tpu.memory_space<hbm>>
        tpu.wait_dma2 semaphore(%run_scoped3A : memref<!tpu.dma_semaphore, #tpu.memory_space<semaphore_mem>>) src(%arg18 : memref<80x128xf32, #tpu.memory_space<vmem>>) dst(%dma_wait3A_137 : memref<80x128xf32, #tpu.memory_space<hbm>>)
        tpu.yield
      }) : () -> ()
    }
    %lt3A_110 = arith.constant 15 : i32
    %lt3A_111 = arith.cmpi slt, %arg1, %lt3A_110 : i32
    %convert_element_type3A_112 = arith.extui %lt3A_111 : i1 to i32
    %cond3A_113 = arith.constant 0 : i32
    %cond3A_114 = arith.cmpi ne, %convert_element_type3A_112, %cond3A_113 : i32
    scf.if %cond3A_114 {
      "tpu.region"() ({
        %run_scoped3A = tpu.sem_alloc : memref<!tpu.dma_semaphore, #tpu.memory_space<semaphore_mem>>
        %dma_start3A_123 = tpu.memref_slice %arg37[%mul3A_13] : memref<10000xf32, #tpu.memory_space<vmem_shared>> -> memref<640xf32, #tpu.memory_space<vmem_shared>>
        %dma_start3A_124 = tpu.memref_slice %arg37[%mul3A_13] : memref<10000xf32, #tpu.memory_space<vmem_shared>> -> memref<640xf32, #tpu.memory_space<vmem_shared>>
        tpu.enqueue_dma source(%dma_start3A_124 : memref<640xf32, #tpu.memory_space<vmem_shared>>) target(%arg23 : memref<640xf32, #tpu.memory_space<vmem>>) target_semaphore(%run_scoped3A : memref<!tpu.dma_semaphore, #tpu.memory_space<semaphore_mem>>)
        %dma_wait3A_125 = tpu.memref_slice %arg37[%mul3A_13] : memref<10000xf32, #tpu.memory_space<vmem_shared>> -> memref<640xf32, #tpu.memory_space<vmem_shared>>
        %dma_wait3A_126 = tpu.memref_slice %arg37[%mul3A_13] : memref<10000xf32, #tpu.memory_space<vmem_shared>> -> memref<640xf32, #tpu.memory_space<vmem_shared>>
        tpu.wait_dma2 semaphore(%run_scoped3A : memref<!tpu.dma_semaphore, #tpu.memory_space<semaphore_mem>>) src(%dma_wait3A_126 : memref<640xf32, #tpu.memory_space<vmem_shared>>) dst(%arg23 : memref<640xf32, #tpu.memory_space<vmem>>)
        tpu.yield
      }) : () -> ()
      %mul3A_120 = arith.constant 10000 : i32
      %mul3A_121 = arith.muli %arg0, %mul3A_120 : i32
      %add3A_122 = arith.addi %mul3A_121, %mul3A_13 : i32
      "tpu.region"() ({
        %run_scoped3A = tpu.sem_alloc : memref<!tpu.dma_semaphore, #tpu.memory_space<semaphore_mem>>
        %dma_start3A_123 = tpu.memref_slice %arg9[%add3A_122] : memref<20000xf32, #tpu.memory_space<hbm>> -> memref<640xf32, #tpu.memory_space<hbm>>
        %dma_start3A_124 = tpu.memref_slice %arg9[%add3A_122] : memref<20000xf32, #tpu.memory_space<hbm>> -> memref<640xf32, #tpu.memory_space<hbm>>
        tpu.enqueue_dma source(%arg23 : memref<640xf32, #tpu.memory_space<vmem>>) target(%dma_start3A_124 : memref<640xf32, #tpu.memory_space<hbm>>) target_semaphore(%run_scoped3A : memref<!tpu.dma_semaphore, #tpu.memory_space<semaphore_mem>>)
        %dma_wait3A_125 = tpu.memref_slice %arg9[%add3A_122] : memref<20000xf32, #tpu.memory_space<hbm>> -> memref<640xf32, #tpu.memory_space<hbm>>
        %dma_wait3A_126 = tpu.memref_slice %arg9[%add3A_122] : memref<20000xf32, #tpu.memory_space<hbm>> -> memref<640xf32, #tpu.memory_space<hbm>>
        tpu.wait_dma2 semaphore(%run_scoped3A : memref<!tpu.dma_semaphore, #tpu.memory_space<semaphore_mem>>) src(%arg23 : memref<640xf32, #tpu.memory_space<vmem>>) dst(%dma_wait3A_126 : memref<640xf32, #tpu.memory_space<hbm>>)
        tpu.yield
      }) : () -> ()
    } else {
    }
    %eq3A_115 = arith.constant 15 : i32
    %eq3A_116 = arith.cmpi eq, %arg1, %eq3A_115 : i32
    %convert_element_type3A_117 = arith.extui %eq3A_116 : i1 to i32
    %cond3A_118 = arith.constant 0 : i32
    %cond3A_119 = arith.cmpi ne, %convert_element_type3A_117, %cond3A_118 : i32
    scf.if %cond3A_119 {
      "tpu.region"() ({
        %run_scoped3A = tpu.sem_alloc : memref<!tpu.dma_semaphore, #tpu.memory_space<semaphore_mem>>
        %dma_start3A_124 = arith.constant 0 : i32
        %dma_start3A_125 = tpu.memref_slice %arg23[%dma_start3A_124] : memref<640xf32, #tpu.memory_space<vmem>> -> memref<400xf32, #tpu.memory_space<vmem>>
        %dma_start3A_126 = arith.constant 9600 : i32
        %dma_start3A_127 = tpu.memref_slice %arg37[%dma_start3A_126] : memref<10000xf32, #tpu.memory_space<vmem_shared>> -> memref<400xf32, #tpu.memory_space<vmem_shared>>
        %dma_start3A_128 = arith.constant 0 : i32
        %dma_start3A_129 = tpu.memref_slice %arg23[%dma_start3A_128] : memref<640xf32, #tpu.memory_space<vmem>> -> memref<400xf32, #tpu.memory_space<vmem>>
        %dma_start3A_130 = arith.constant 9600 : i32
        %dma_start3A_131 = tpu.memref_slice %arg37[%dma_start3A_130] : memref<10000xf32, #tpu.memory_space<vmem_shared>> -> memref<400xf32, #tpu.memory_space<vmem_shared>>
        tpu.enqueue_dma source(%dma_start3A_131 : memref<400xf32, #tpu.memory_space<vmem_shared>>) target(%dma_start3A_129 : memref<400xf32, #tpu.memory_space<vmem>>) target_semaphore(%run_scoped3A : memref<!tpu.dma_semaphore, #tpu.memory_space<semaphore_mem>>)
        %dma_wait3A_132 = arith.constant 0 : i32
        %dma_wait3A_133 = tpu.memref_slice %arg23[%dma_wait3A_132] : memref<640xf32, #tpu.memory_space<vmem>> -> memref<400xf32, #tpu.memory_space<vmem>>
        %dma_wait3A_134 = arith.constant 9600 : i32
        %dma_wait3A_135 = tpu.memref_slice %arg37[%dma_wait3A_134] : memref<10000xf32, #tpu.memory_space<vmem_shared>> -> memref<400xf32, #tpu.memory_space<vmem_shared>>
        %dma_wait3A_136 = arith.constant 0 : i32
        %dma_wait3A_137 = tpu.memref_slice %arg23[%dma_wait3A_136] : memref<640xf32, #tpu.memory_space<vmem>> -> memref<400xf32, #tpu.memory_space<vmem>>
        %dma_wait3A_138 = arith.constant 9600 : i32
        %dma_wait3A_139 = tpu.memref_slice %arg37[%dma_wait3A_138] : memref<10000xf32, #tpu.memory_space<vmem_shared>> -> memref<400xf32, #tpu.memory_space<vmem_shared>>
        tpu.wait_dma2 semaphore(%run_scoped3A : memref<!tpu.dma_semaphore, #tpu.memory_space<semaphore_mem>>) src(%dma_wait3A_139 : memref<400xf32, #tpu.memory_space<vmem_shared>>) dst(%dma_wait3A_137 : memref<400xf32, #tpu.memory_space<vmem>>)
        tpu.yield
      }) : () -> ()
      %mul3A_120 = arith.constant 10000 : i32
      %mul3A_121 = arith.muli %arg0, %mul3A_120 : i32
      %add3A_122 = arith.constant 9600 : i32
      %add3A_123 = arith.addi %mul3A_121, %add3A_122 : i32
      "tpu.region"() ({
        %run_scoped3A = tpu.sem_alloc : memref<!tpu.dma_semaphore, #tpu.memory_space<semaphore_mem>>
        %dma_start3A_124 = arith.constant 0 : i32
        %dma_start3A_125 = tpu.memref_slice %arg23[%dma_start3A_124] : memref<640xf32, #tpu.memory_space<vmem>> -> memref<400xf32, #tpu.memory_space<vmem>>
        %dma_start3A_126 = tpu.memref_slice %arg9[%add3A_123] : memref<20000xf32, #tpu.memory_space<hbm>> -> memref<400xf32, #tpu.memory_space<hbm>>
        %dma_start3A_127 = tpu.memref_slice %arg9[%add3A_123] : memref<20000xf32, #tpu.memory_space<hbm>> -> memref<400xf32, #tpu.memory_space<hbm>>
        %dma_start3A_128 = arith.constant 0 : i32
        %dma_start3A_129 = tpu.memref_slice %arg23[%dma_start3A_128] : memref<640xf32, #tpu.memory_space<vmem>> -> memref<400xf32, #tpu.memory_space<vmem>>
        tpu.enqueue_dma source(%dma_start3A_129 : memref<400xf32, #tpu.memory_space<vmem>>) target(%dma_start3A_127 : memref<400xf32, #tpu.memory_space<hbm>>) target_semaphore(%run_scoped3A : memref<!tpu.dma_semaphore, #tpu.memory_space<semaphore_mem>>)
        %dma_wait3A_130 = arith.constant 0 : i32
        %dma_wait3A_131 = tpu.memref_slice %arg23[%dma_wait3A_130] : memref<640xf32, #tpu.memory_space<vmem>> -> memref<400xf32, #tpu.memory_space<vmem>>
        %dma_wait3A_132 = tpu.memref_slice %arg9[%add3A_123] : memref<20000xf32, #tpu.memory_space<hbm>> -> memref<400xf32, #tpu.memory_space<hbm>>
        %dma_wait3A_133 = tpu.memref_slice %arg9[%add3A_123] : memref<20000xf32, #tpu.memory_space<hbm>> -> memref<400xf32, #tpu.memory_space<hbm>>
        %dma_wait3A_134 = arith.constant 0 : i32
        %dma_wait3A_135 = tpu.memref_slice %arg23[%dma_wait3A_134] : memref<640xf32, #tpu.memory_space<vmem>> -> memref<400xf32, #tpu.memory_space<vmem>>
        tpu.wait_dma2 semaphore(%run_scoped3A : memref<!tpu.dma_semaphore, #tpu.memory_space<semaphore_mem>>) src(%dma_wait3A_135 : memref<400xf32, #tpu.memory_space<vmem>>) dst(%dma_wait3A_133 : memref<400xf32, #tpu.memory_space<hbm>>)
        tpu.yield
      }) : () -> ()
    } else {
    }
    return
  }
}

#map = affine_map<(d0, d1) -> (0, 0)>
#map1 = affine_map<(d0, d1) -> (0)>
#map2 = affine_map<(d0, d1) -> (0, 0, 0)>
module attributes {stable_mosaic.version = 14 : i64} {
  func.func @_sc_agg2_body(%arg0: i32, %arg1: i32, %arg2: memref<10000x128xf32, #tpu.memory_space<hbm>>, %arg3: memref<320000xi32, #tpu.memory_space<hbm>>, %arg4: memref<320000xi32, #tpu.memory_space<hbm>>, %arg5: memref<10000x128xf32, #tpu.memory_space<hbm>>, %arg6: memref<2x10000x128xf32, #tpu.memory_space<hbm>>, %arg7: memref<80xi32, #tpu.memory_space<vmem>>, %arg8: memref<80xi32, #tpu.memory_space<vmem>>, %arg9: memref<80xi32, #tpu.memory_space<vmem>>, %arg10: memref<80xi32, #tpu.memory_space<vmem>>, %arg11: memref<80xi32, #tpu.memory_space<vmem>>, %arg12: memref<80xi32, #tpu.memory_space<vmem>>, %arg13: memref<80xi32, #tpu.memory_space<vmem>>, %arg14: memref<80xi32, #tpu.memory_space<vmem>>, %arg15: memref<80x128xf32, #tpu.memory_space<vmem>>, %arg16: memref<80x128xf32, #tpu.memory_space<vmem>>, %arg17: memref<80x128xf32, #tpu.memory_space<vmem>>, %arg18: memref<80x128xf32, #tpu.memory_space<vmem>>, %arg19: memref<!tpu.dma_semaphore, #tpu.memory_space<semaphore_mem>>, %arg20: memref<!tpu.dma_semaphore, #tpu.memory_space<semaphore_mem>>, %arg21: memref<!tpu.dma_semaphore, #tpu.memory_space<semaphore_mem>>, %arg22: memref<!tpu.dma_semaphore, #tpu.memory_space<semaphore_mem>>, %arg23: memref<!tpu.dma_semaphore, #tpu.memory_space<semaphore_mem>>, %arg24: memref<!tpu.dma_semaphore, #tpu.memory_space<semaphore_mem>>, %arg25: memref<!tpu.dma_semaphore, #tpu.memory_space<semaphore_mem>>, %arg26: memref<!tpu.dma_semaphore, #tpu.memory_space<semaphore_mem>>, %arg27: memref<!tpu.dma_semaphore, #tpu.memory_space<semaphore_mem>>, %arg28: memref<!tpu.dma_semaphore, #tpu.memory_space<semaphore_mem>>, %arg29: memref<!tpu.dma_semaphore, #tpu.memory_space<semaphore_mem>>, %arg30: memref<!tpu.dma_semaphore, #tpu.memory_space<semaphore_mem>>, %arg31: memref<10000x128xf32, #tpu.memory_space<vmem_shared>>) attributes {dimension_semantics = [#tpu.dimension_semantics<core_parallel>, #tpu.dimension_semantics<subcore_parallel>], iteration_bounds = array<i64: 2, 16>, scalar_prefetch = 0 : i64, scratch_operands = 25 : i64, tpu.core_type = #tpu.core_type<sc_vector_subcore>, window_params = [{transform_indices = #map}, {transform_indices = #map1}, {transform_indices = #map1}, {transform_indices = #map}, {transform_indices = #map2}]} {
    %mul3A = arith.constant 2 : i32
    %mul3A_0 = arith.muli %arg1, %mul3A : i32
    %add3A = arith.addi %mul3A_0, %arg0 : i32
    %eq3A = arith.constant 15 : i32
    %eq3A_1 = arith.cmpi eq, %arg1, %eq3A : i32
    %jit3A = arith.constant 5 : i32
    %jit3A_2 = arith.constant 8 : i32
    %select_n3A = arith.select %eq3A_1, %jit3A, %jit3A_2 : i32
    "tpu.region"() ({
      %run_scoped3A = tpu.sem_alloc : memref<!tpu.dma_semaphore, #tpu.memory_space<semaphore_mem>>
      %dma_start3A_97 = arith.constant 0 : i32
      %dma_start3A_98 = arith.constant 0 : i32
      %dma_start3A_99 = tpu.memref_slice %arg5[%dma_start3A_97, %dma_start3A_98] : memref<10000x128xf32, #tpu.memory_space<hbm>> -> memref<80x128xf32, #tpu.memory_space<hbm>>
      %dma_start3A_100 = arith.constant 0 : i32
      %dma_start3A_101 = arith.constant 0 : i32
      %dma_start3A_102 = tpu.memref_slice %arg5[%dma_start3A_100, %dma_start3A_101] : memref<10000x128xf32, #tpu.memory_space<hbm>> -> memref<80x128xf32, #tpu.memory_space<hbm>>
      tpu.enqueue_dma source(%dma_start3A_102 : memref<80x128xf32, #tpu.memory_space<hbm>>) target(%arg15 : memref<80x128xf32, #tpu.memory_space<vmem>>) target_semaphore(%run_scoped3A : memref<!tpu.dma_semaphore, #tpu.memory_space<semaphore_mem>>)
      %dma_wait3A_103 = arith.constant 0 : i32
      %dma_wait3A_104 = arith.constant 0 : i32
      %dma_wait3A_105 = tpu.memref_slice %arg5[%dma_wait3A_103, %dma_wait3A_104] : memref<10000x128xf32, #tpu.memory_space<hbm>> -> memref<80x128xf32, #tpu.memory_space<hbm>>
      %dma_wait3A_106 = arith.constant 0 : i32
      %dma_wait3A_107 = arith.constant 0 : i32
      %dma_wait3A_108 = tpu.memref_slice %arg5[%dma_wait3A_106, %dma_wait3A_107] : memref<10000x128xf32, #tpu.memory_space<hbm>> -> memref<80x128xf32, #tpu.memory_space<hbm>>
      tpu.wait_dma2 semaphore(%run_scoped3A : memref<!tpu.dma_semaphore, #tpu.memory_space<semaphore_mem>>) src(%dma_wait3A_108 : memref<80x128xf32, #tpu.memory_space<hbm>>) dst(%arg15 : memref<80x128xf32, #tpu.memory_space<vmem>>)
      tpu.yield
    }) : () -> ()
    %while3A = arith.constant 0 : i32
    %while3A_3 = arith.constant 0 : i32
    %while3A_4 = arith.subi %select_n3A, %while3A_3 : i32
    %while3A_5 = arith.addi %while3A_3, %while3A_4 : i32
    %while3A_6 = arith.constant 1 : i32
    %while3A_7 = arith.divsi %while3A_4, %while3A_6 : i32
    %while3A_8 = arith.muli %while3A_7, %while3A_6 : i32
    %while3A_9 = arith.addi %while3A_3, %while3A_8 : i32
    %while3A_10 = arith.constant 1 : i32
    scf.for %while3A_97 = %while3A_3 to %while3A_9 step %while3A_10  : i32 {
      %mul3A_98 = arith.constant 640 : i32
      %mul3A_99 = arith.muli %arg1, %mul3A_98 : i32
      %mul3A_100 = arith.constant 80 : i32
      %mul3A_101 = arith.muli %while3A_97, %mul3A_100 : i32
      %add3A_102 = arith.addi %mul3A_99, %mul3A_101 : i32
      "tpu.region"() ({
        %run_scoped3A = tpu.sem_alloc : memref<!tpu.dma_semaphore, #tpu.memory_space<semaphore_mem>>
        %dma_start3A_103 = arith.constant 0 : i32
        %dma_start3A_104 = tpu.memref_slice %arg31[%add3A_102, %dma_start3A_103] : memref<10000x128xf32, #tpu.memory_space<vmem_shared>> -> memref<80x128xf32, #tpu.memory_space<vmem_shared>>
        %dma_start3A_105 = arith.constant 0 : i32
        %dma_start3A_106 = tpu.memref_slice %arg31[%add3A_102, %dma_start3A_105] : memref<10000x128xf32, #tpu.memory_space<vmem_shared>> -> memref<80x128xf32, #tpu.memory_space<vmem_shared>>
        tpu.enqueue_dma source(%arg15 : memref<80x128xf32, #tpu.memory_space<vmem>>) target(%dma_start3A_106 : memref<80x128xf32, #tpu.memory_space<vmem_shared>>) target_semaphore(%run_scoped3A : memref<!tpu.dma_semaphore, #tpu.memory_space<semaphore_mem>>)
        %dma_wait3A_107 = arith.constant 0 : i32
        %dma_wait3A_108 = tpu.memref_slice %arg31[%add3A_102, %dma_wait3A_107] : memref<10000x128xf32, #tpu.memory_space<vmem_shared>> -> memref<80x128xf32, #tpu.memory_space<vmem_shared>>
        %dma_wait3A_109 = arith.constant 0 : i32
        %dma_wait3A_110 = tpu.memref_slice %arg31[%add3A_102, %dma_wait3A_109] : memref<10000x128xf32, #tpu.memory_space<vmem_shared>> -> memref<80x128xf32, #tpu.memory_space<vmem_shared>>
        tpu.wait_dma2 semaphore(%run_scoped3A : memref<!tpu.dma_semaphore, #tpu.memory_space<semaphore_mem>>) src(%arg15 : memref<80x128xf32, #tpu.memory_space<vmem>>) dst(%dma_wait3A_110 : memref<80x128xf32, #tpu.memory_space<vmem_shared>>)
        tpu.yield
      }) : () -> ()
    }
    %while3A_11 = arith.constant 1 : i32
    scf.for %while3A_97 = %while3A_9 to %while3A_5 step %while3A_11  : i32 {
      %mul3A_98 = arith.constant 640 : i32
      %mul3A_99 = arith.muli %arg1, %mul3A_98 : i32
      %mul3A_100 = arith.constant 80 : i32
      %mul3A_101 = arith.muli %while3A_97, %mul3A_100 : i32
      %add3A_102 = arith.addi %mul3A_99, %mul3A_101 : i32
      "tpu.region"() ({
        %run_scoped3A = tpu.sem_alloc : memref<!tpu.dma_semaphore, #tpu.memory_space<semaphore_mem>>
        %dma_start3A_103 = arith.constant 0 : i32
        %dma_start3A_104 = tpu.memref_slice %arg31[%add3A_102, %dma_start3A_103] : memref<10000x128xf32, #tpu.memory_space<vmem_shared>> -> memref<80x128xf32, #tpu.memory_space<vmem_shared>>
        %dma_start3A_105 = arith.constant 0 : i32
        %dma_start3A_106 = tpu.memref_slice %arg31[%add3A_102, %dma_start3A_105] : memref<10000x128xf32, #tpu.memory_space<vmem_shared>> -> memref<80x128xf32, #tpu.memory_space<vmem_shared>>
        tpu.enqueue_dma source(%arg15 : memref<80x128xf32, #tpu.memory_space<vmem>>) target(%dma_start3A_106 : memref<80x128xf32, #tpu.memory_space<vmem_shared>>) target_semaphore(%run_scoped3A : memref<!tpu.dma_semaphore, #tpu.memory_space<semaphore_mem>>)
        %dma_wait3A_107 = arith.constant 0 : i32
        %dma_wait3A_108 = tpu.memref_slice %arg31[%add3A_102, %dma_wait3A_107] : memref<10000x128xf32, #tpu.memory_space<vmem_shared>> -> memref<80x128xf32, #tpu.memory_space<vmem_shared>>
        %dma_wait3A_109 = arith.constant 0 : i32
        %dma_wait3A_110 = tpu.memref_slice %arg31[%add3A_102, %dma_wait3A_109] : memref<10000x128xf32, #tpu.memory_space<vmem_shared>> -> memref<80x128xf32, #tpu.memory_space<vmem_shared>>
        tpu.wait_dma2 semaphore(%run_scoped3A : memref<!tpu.dma_semaphore, #tpu.memory_space<semaphore_mem>>) src(%arg15 : memref<80x128xf32, #tpu.memory_space<vmem>>) dst(%dma_wait3A_110 : memref<80x128xf32, #tpu.memory_space<vmem_shared>>)
        tpu.yield
      }) : () -> ()
    }
    %barrier3A = arith.constant 0 : index
    tpu.barrier barrier_id(%barrier3A)
    %mul3A_12 = arith.constant 10000 : i32
    %mul3A_13 = arith.muli %add3A, %mul3A_12 : i32
    %add3A_14 = arith.constant 0 : i32
    %add3A_15 = arith.addi %mul3A_13, %add3A_14 : i32
    %dma_start3A = tpu.memref_slice %arg3[%add3A_15] : memref<320000xi32, #tpu.memory_space<hbm>> -> memref<80xi32, #tpu.memory_space<hbm>>
    %dma_start3A_16 = tpu.memref_slice %arg3[%add3A_15] : memref<320000xi32, #tpu.memory_space<hbm>> -> memref<80xi32, #tpu.memory_space<hbm>>
    tpu.enqueue_dma source(%dma_start3A_16 : memref<80xi32, #tpu.memory_space<hbm>>) target(%arg7 : memref<80xi32, #tpu.memory_space<vmem>>) target_semaphore(%arg19 : memref<!tpu.dma_semaphore, #tpu.memory_space<semaphore_mem>>)
    %dma_start3A_17 = tpu.memref_slice %arg4[%add3A_15] : memref<320000xi32, #tpu.memory_space<hbm>> -> memref<80xi32, #tpu.memory_space<hbm>>
    %dma_start3A_18 = tpu.memref_slice %arg4[%add3A_15] : memref<320000xi32, #tpu.memory_space<hbm>> -> memref<80xi32, #tpu.memory_space<hbm>>
    tpu.enqueue_dma source(%dma_start3A_18 : memref<80xi32, #tpu.memory_space<hbm>>) target(%arg11 : memref<80xi32, #tpu.memory_space<vmem>>) target_semaphore(%arg19 : memref<!tpu.dma_semaphore, #tpu.memory_space<semaphore_mem>>)
    %add3A_19 = arith.constant 0 : i32
    %add3A_20 = arith.addi %mul3A_13, %add3A_19 : i32
    %dma_wait3A = tpu.memref_slice %arg3[%add3A_20] : memref<320000xi32, #tpu.memory_space<hbm>> -> memref<80xi32, #tpu.memory_space<hbm>>
    %dma_wait3A_21 = tpu.memref_slice %arg3[%add3A_20] : memref<320000xi32, #tpu.memory_space<hbm>> -> memref<80xi32, #tpu.memory_space<hbm>>
    tpu.wait_dma2 semaphore(%arg19 : memref<!tpu.dma_semaphore, #tpu.memory_space<semaphore_mem>>) src(%dma_wait3A_21 : memref<80xi32, #tpu.memory_space<hbm>>) dst(%arg7 : memref<80xi32, #tpu.memory_space<vmem>>)
    %dma_wait3A_22 = tpu.memref_slice %arg4[%add3A_20] : memref<320000xi32, #tpu.memory_space<hbm>> -> memref<80xi32, #tpu.memory_space<hbm>>
    %dma_wait3A_23 = tpu.memref_slice %arg4[%add3A_20] : memref<320000xi32, #tpu.memory_space<hbm>> -> memref<80xi32, #tpu.memory_space<hbm>>
    tpu.wait_dma2 semaphore(%arg19 : memref<!tpu.dma_semaphore, #tpu.memory_space<semaphore_mem>>) src(%dma_wait3A_23 : memref<80xi32, #tpu.memory_space<hbm>>) dst(%arg11 : memref<80xi32, #tpu.memory_space<vmem>>)
    %dma_start3A_24 = arith.constant 0 : i32
    %dma_start3A_25 = arith.constant 0 : i32
    %dma_start3A_26 = tpu.memref_slice %arg2[%dma_start3A_24, %dma_start3A_25] : memref<10000x128xf32, #tpu.memory_space<hbm>> -> memref<10000x128xf32, #tpu.memory_space<hbm>>
    tpu.enqueue_indirect_dma source(%dma_start3A_26 : memref<10000x128xf32, #tpu.memory_space<hbm>>) target(%arg15 : memref<80x128xf32, #tpu.memory_space<vmem>>) offsets(%arg7 : memref<80xi32, #tpu.memory_space<vmem>>) semaphore(%arg23 : memref<!tpu.dma_semaphore, #tpu.memory_space<semaphore_mem>>)
    %add3A_27 = arith.constant 80 : i32
    %add3A_28 = arith.addi %mul3A_13, %add3A_27 : i32
    %dma_start3A_29 = tpu.memref_slice %arg3[%add3A_28] : memref<320000xi32, #tpu.memory_space<hbm>> -> memref<80xi32, #tpu.memory_space<hbm>>
    %dma_start3A_30 = tpu.memref_slice %arg3[%add3A_28] : memref<320000xi32, #tpu.memory_space<hbm>> -> memref<80xi32, #tpu.memory_space<hbm>>
    tpu.enqueue_dma source(%dma_start3A_30 : memref<80xi32, #tpu.memory_space<hbm>>) target(%arg8 : memref<80xi32, #tpu.memory_space<vmem>>) target_semaphore(%arg20 : memref<!tpu.dma_semaphore, #tpu.memory_space<semaphore_mem>>)
    %dma_start3A_31 = tpu.memref_slice %arg4[%add3A_28] : memref<320000xi32, #tpu.memory_space<hbm>> -> memref<80xi32, #tpu.memory_space<hbm>>
    %dma_start3A_32 = tpu.memref_slice %arg4[%add3A_28] : memref<320000xi32, #tpu.memory_space<hbm>> -> memref<80xi32, #tpu.memory_space<hbm>>
    tpu.enqueue_dma source(%dma_start3A_32 : memref<80xi32, #tpu.memory_space<hbm>>) target(%arg12 : memref<80xi32, #tpu.memory_space<vmem>>) target_semaphore(%arg20 : memref<!tpu.dma_semaphore, #tpu.memory_space<semaphore_mem>>)
    %add3A_33 = arith.constant 80 : i32
    %add3A_34 = arith.addi %mul3A_13, %add3A_33 : i32
    %dma_wait3A_35 = tpu.memref_slice %arg3[%add3A_34] : memref<320000xi32, #tpu.memory_space<hbm>> -> memref<80xi32, #tpu.memory_space<hbm>>
    %dma_wait3A_36 = tpu.memref_slice %arg3[%add3A_34] : memref<320000xi32, #tpu.memory_space<hbm>> -> memref<80xi32, #tpu.memory_space<hbm>>
    tpu.wait_dma2 semaphore(%arg20 : memref<!tpu.dma_semaphore, #tpu.memory_space<semaphore_mem>>) src(%dma_wait3A_36 : memref<80xi32, #tpu.memory_space<hbm>>) dst(%arg8 : memref<80xi32, #tpu.memory_space<vmem>>)
    %dma_wait3A_37 = tpu.memref_slice %arg4[%add3A_34] : memref<320000xi32, #tpu.memory_space<hbm>> -> memref<80xi32, #tpu.memory_space<hbm>>
    %dma_wait3A_38 = tpu.memref_slice %arg4[%add3A_34] : memref<320000xi32, #tpu.memory_space<hbm>> -> memref<80xi32, #tpu.memory_space<hbm>>
    tpu.wait_dma2 semaphore(%arg20 : memref<!tpu.dma_semaphore, #tpu.memory_space<semaphore_mem>>) src(%dma_wait3A_38 : memref<80xi32, #tpu.memory_space<hbm>>) dst(%arg12 : memref<80xi32, #tpu.memory_space<vmem>>)
    %dma_start3A_39 = arith.constant 0 : i32
    %dma_start3A_40 = arith.constant 0 : i32
    %dma_start3A_41 = tpu.memref_slice %arg2[%dma_start3A_39, %dma_start3A_40] : memref<10000x128xf32, #tpu.memory_space<hbm>> -> memref<10000x128xf32, #tpu.memory_space<hbm>>
    tpu.enqueue_indirect_dma source(%dma_start3A_41 : memref<10000x128xf32, #tpu.memory_space<hbm>>) target(%arg16 : memref<80x128xf32, #tpu.memory_space<vmem>>) offsets(%arg8 : memref<80xi32, #tpu.memory_space<vmem>>) semaphore(%arg24 : memref<!tpu.dma_semaphore, #tpu.memory_space<semaphore_mem>>)
    %add3A_42 = arith.constant 160 : i32
    %add3A_43 = arith.addi %mul3A_13, %add3A_42 : i32
    %dma_start3A_44 = tpu.memref_slice %arg3[%add3A_43] : memref<320000xi32, #tpu.memory_space<hbm>> -> memref<80xi32, #tpu.memory_space<hbm>>
    %dma_start3A_45 = tpu.memref_slice %arg3[%add3A_43] : memref<320000xi32, #tpu.memory_space<hbm>> -> memref<80xi32, #tpu.memory_space<hbm>>
    tpu.enqueue_dma source(%dma_start3A_45 : memref<80xi32, #tpu.memory_space<hbm>>) target(%arg9 : memref<80xi32, #tpu.memory_space<vmem>>) target_semaphore(%arg21 : memref<!tpu.dma_semaphore, #tpu.memory_space<semaphore_mem>>)
    %dma_start3A_46 = tpu.memref_slice %arg4[%add3A_43] : memref<320000xi32, #tpu.memory_space<hbm>> -> memref<80xi32, #tpu.memory_space<hbm>>
    %dma_start3A_47 = tpu.memref_slice %arg4[%add3A_43] : memref<320000xi32, #tpu.memory_space<hbm>> -> memref<80xi32, #tpu.memory_space<hbm>>
    tpu.enqueue_dma source(%dma_start3A_47 : memref<80xi32, #tpu.memory_space<hbm>>) target(%arg13 : memref<80xi32, #tpu.memory_space<vmem>>) target_semaphore(%arg21 : memref<!tpu.dma_semaphore, #tpu.memory_space<semaphore_mem>>)
    %add3A_48 = arith.constant 160 : i32
    %add3A_49 = arith.addi %mul3A_13, %add3A_48 : i32
    %dma_wait3A_50 = tpu.memref_slice %arg3[%add3A_49] : memref<320000xi32, #tpu.memory_space<hbm>> -> memref<80xi32, #tpu.memory_space<hbm>>
    %dma_wait3A_51 = tpu.memref_slice %arg3[%add3A_49] : memref<320000xi32, #tpu.memory_space<hbm>> -> memref<80xi32, #tpu.memory_space<hbm>>
    tpu.wait_dma2 semaphore(%arg21 : memref<!tpu.dma_semaphore, #tpu.memory_space<semaphore_mem>>) src(%dma_wait3A_51 : memref<80xi32, #tpu.memory_space<hbm>>) dst(%arg9 : memref<80xi32, #tpu.memory_space<vmem>>)
    %dma_wait3A_52 = tpu.memref_slice %arg4[%add3A_49] : memref<320000xi32, #tpu.memory_space<hbm>> -> memref<80xi32, #tpu.memory_space<hbm>>
    %dma_wait3A_53 = tpu.memref_slice %arg4[%add3A_49] : memref<320000xi32, #tpu.memory_space<hbm>> -> memref<80xi32, #tpu.memory_space<hbm>>
    tpu.wait_dma2 semaphore(%arg21 : memref<!tpu.dma_semaphore, #tpu.memory_space<semaphore_mem>>) src(%dma_wait3A_53 : memref<80xi32, #tpu.memory_space<hbm>>) dst(%arg13 : memref<80xi32, #tpu.memory_space<vmem>>)
    %dma_start3A_54 = arith.constant 0 : i32
    %dma_start3A_55 = arith.constant 0 : i32
    %dma_start3A_56 = tpu.memref_slice %arg2[%dma_start3A_54, %dma_start3A_55] : memref<10000x128xf32, #tpu.memory_space<hbm>> -> memref<10000x128xf32, #tpu.memory_space<hbm>>
    tpu.enqueue_indirect_dma source(%dma_start3A_56 : memref<10000x128xf32, #tpu.memory_space<hbm>>) target(%arg17 : memref<80x128xf32, #tpu.memory_space<vmem>>) offsets(%arg9 : memref<80xi32, #tpu.memory_space<vmem>>) semaphore(%arg25 : memref<!tpu.dma_semaphore, #tpu.memory_space<semaphore_mem>>)
    %add3A_57 = arith.constant 240 : i32
    %add3A_58 = arith.addi %mul3A_13, %add3A_57 : i32
    %dma_start3A_59 = tpu.memref_slice %arg3[%add3A_58] : memref<320000xi32, #tpu.memory_space<hbm>> -> memref<80xi32, #tpu.memory_space<hbm>>
    %dma_start3A_60 = tpu.memref_slice %arg3[%add3A_58] : memref<320000xi32, #tpu.memory_space<hbm>> -> memref<80xi32, #tpu.memory_space<hbm>>
    tpu.enqueue_dma source(%dma_start3A_60 : memref<80xi32, #tpu.memory_space<hbm>>) target(%arg10 : memref<80xi32, #tpu.memory_space<vmem>>) target_semaphore(%arg22 : memref<!tpu.dma_semaphore, #tpu.memory_space<semaphore_mem>>)
    %dma_start3A_61 = tpu.memref_slice %arg4[%add3A_58] : memref<320000xi32, #tpu.memory_space<hbm>> -> memref<80xi32, #tpu.memory_space<hbm>>
    %dma_start3A_62 = tpu.memref_slice %arg4[%add3A_58] : memref<320000xi32, #tpu.memory_space<hbm>> -> memref<80xi32, #tpu.memory_space<hbm>>
    tpu.enqueue_dma source(%dma_start3A_62 : memref<80xi32, #tpu.memory_space<hbm>>) target(%arg14 : memref<80xi32, #tpu.memory_space<vmem>>) target_semaphore(%arg22 : memref<!tpu.dma_semaphore, #tpu.memory_space<semaphore_mem>>)
    %add3A_63 = arith.constant 240 : i32
    %add3A_64 = arith.addi %mul3A_13, %add3A_63 : i32
    %dma_wait3A_65 = tpu.memref_slice %arg3[%add3A_64] : memref<320000xi32, #tpu.memory_space<hbm>> -> memref<80xi32, #tpu.memory_space<hbm>>
    %dma_wait3A_66 = tpu.memref_slice %arg3[%add3A_64] : memref<320000xi32, #tpu.memory_space<hbm>> -> memref<80xi32, #tpu.memory_space<hbm>>
    tpu.wait_dma2 semaphore(%arg22 : memref<!tpu.dma_semaphore, #tpu.memory_space<semaphore_mem>>) src(%dma_wait3A_66 : memref<80xi32, #tpu.memory_space<hbm>>) dst(%arg10 : memref<80xi32, #tpu.memory_space<vmem>>)
    %dma_wait3A_67 = tpu.memref_slice %arg4[%add3A_64] : memref<320000xi32, #tpu.memory_space<hbm>> -> memref<80xi32, #tpu.memory_space<hbm>>
    %dma_wait3A_68 = tpu.memref_slice %arg4[%add3A_64] : memref<320000xi32, #tpu.memory_space<hbm>> -> memref<80xi32, #tpu.memory_space<hbm>>
    tpu.wait_dma2 semaphore(%arg22 : memref<!tpu.dma_semaphore, #tpu.memory_space<semaphore_mem>>) src(%dma_wait3A_68 : memref<80xi32, #tpu.memory_space<hbm>>) dst(%arg14 : memref<80xi32, #tpu.memory_space<vmem>>)
    %dma_start3A_69 = arith.constant 0 : i32
    %dma_start3A_70 = arith.constant 0 : i32
    %dma_start3A_71 = tpu.memref_slice %arg2[%dma_start3A_69, %dma_start3A_70] : memref<10000x128xf32, #tpu.memory_space<hbm>> -> memref<10000x128xf32, #tpu.memory_space<hbm>>
    tpu.enqueue_indirect_dma source(%dma_start3A_71 : memref<10000x128xf32, #tpu.memory_space<hbm>>) target(%arg18 : memref<80x128xf32, #tpu.memory_space<vmem>>) offsets(%arg10 : memref<80xi32, #tpu.memory_space<vmem>>) semaphore(%arg26 : memref<!tpu.dma_semaphore, #tpu.memory_space<semaphore_mem>>)
    %scan3A = arith.constant 0 : i32
    %scan3A_72 = arith.constant 0 : i32
    %scan3A_73 = arith.constant 31 : i32
    %scan3A_74 = arith.addi %scan3A_72, %scan3A_73 : i32
    %scan3A_75 = arith.constant 1 : i32
    scf.for %scan3A_97 = %scan3A_72 to %scan3A_74 step %scan3A_75  : i32 {
      %mul3A_98 = arith.constant 4 : i32
      %mul3A_99 = arith.muli %mul3A_98, %scan3A_97 : i32
      %dma_wait3A_100 = arith.constant 0 : i32
      %dma_wait3A_101 = arith.constant 0 : i32
      %dma_wait3A_102 = tpu.memref_slice %arg2[%dma_wait3A_100, %dma_wait3A_101] : memref<10000x128xf32, #tpu.memory_space<hbm>> -> memref<10000x128xf32, #tpu.memory_space<hbm>>
      tpu.wait_indirect_dma semaphore(%arg23 : memref<!tpu.dma_semaphore, #tpu.memory_space<semaphore_mem>>) src(%dma_wait3A_102 : memref<10000x128xf32, #tpu.memory_space<hbm>>) dst(%arg15 : memref<80x128xf32, #tpu.memory_space<vmem>>)
      %dma_start3A_103 = arith.constant 0 : i32
      %dma_start3A_104 = arith.constant 0 : i32
      %dma_start3A_105 = tpu.memref_slice %arg31[%dma_start3A_103, %dma_start3A_104] : memref<10000x128xf32, #tpu.memory_space<vmem_shared>> -> memref<10000x128xf32, #tpu.memory_space<vmem_shared>>
      tpu.enqueue_indirect_dma source(%arg15 : memref<80x128xf32, #tpu.memory_space<vmem>>) target(%dma_start3A_105 : memref<10000x128xf32, #tpu.memory_space<vmem_shared>>) offsets(%arg11 : memref<80xi32, #tpu.memory_space<vmem>>) semaphore(%arg27 : memref<!tpu.dma_semaphore, #tpu.memory_space<semaphore_mem>>) {add = true}
      %dma_wait3A_106 = arith.constant 0 : i32
      %dma_wait3A_107 = arith.constant 0 : i32
      %dma_wait3A_108 = tpu.memref_slice %arg31[%dma_wait3A_106, %dma_wait3A_107] : memref<10000x128xf32, #tpu.memory_space<vmem_shared>> -> memref<10000x128xf32, #tpu.memory_space<vmem_shared>>
      tpu.wait_indirect_dma semaphore(%arg27 : memref<!tpu.dma_semaphore, #tpu.memory_space<semaphore_mem>>) src(%arg15 : memref<80x128xf32, #tpu.memory_space<vmem>>) dst(%dma_wait3A_108 : memref<10000x128xf32, #tpu.memory_space<vmem_shared>>)
      %add3A_109 = arith.constant 4 : i32
      %add3A_110 = arith.addi %mul3A_99, %add3A_109 : i32
      %lt3A = arith.constant 125 : i32
      %lt3A_111 = arith.cmpi slt, %add3A_110, %lt3A : i32
      %convert_element_type3A = arith.extui %lt3A_111 : i1 to i32
      %cond3A = arith.constant 0 : i32
      %cond3A_112 = arith.cmpi ne, %convert_element_type3A, %cond3A : i32
      scf.if %cond3A_112 {
        %add3A_188 = arith.constant 4 : i32
        %add3A_189 = arith.addi %mul3A_99, %add3A_188 : i32
        %mul3A_190 = arith.constant 80 : i32
        %mul3A_191 = arith.muli %add3A_189, %mul3A_190 : i32
        %add3A_192 = arith.addi %mul3A_13, %mul3A_191 : i32
        %dma_start3A_193 = tpu.memref_slice %arg3[%add3A_192] : memref<320000xi32, #tpu.memory_space<hbm>> -> memref<80xi32, #tpu.memory_space<hbm>>
        %dma_start3A_194 = tpu.memref_slice %arg3[%add3A_192] : memref<320000xi32, #tpu.memory_space<hbm>> -> memref<80xi32, #tpu.memory_space<hbm>>
        tpu.enqueue_dma source(%dma_start3A_194 : memref<80xi32, #tpu.memory_space<hbm>>) target(%arg7 : memref<80xi32, #tpu.memory_space<vmem>>) target_semaphore(%arg19 : memref<!tpu.dma_semaphore, #tpu.memory_space<semaphore_mem>>)
        %dma_start3A_195 = tpu.memref_slice %arg4[%add3A_192] : memref<320000xi32, #tpu.memory_space<hbm>> -> memref<80xi32, #tpu.memory_space<hbm>>
        %dma_start3A_196 = tpu.memref_slice %arg4[%add3A_192] : memref<320000xi32, #tpu.memory_space<hbm>> -> memref<80xi32, #tpu.memory_space<hbm>>
        tpu.enqueue_dma source(%dma_start3A_196 : memref<80xi32, #tpu.memory_space<hbm>>) target(%arg11 : memref<80xi32, #tpu.memory_space<vmem>>) target_semaphore(%arg19 : memref<!tpu.dma_semaphore, #tpu.memory_space<semaphore_mem>>)
      } else {
      }
      %add3A_113 = arith.constant 1 : i32
      %add3A_114 = arith.addi %mul3A_99, %add3A_113 : i32
      %dma_wait3A_115 = arith.constant 0 : i32
      %dma_wait3A_116 = arith.constant 0 : i32
      %dma_wait3A_117 = tpu.memref_slice %arg2[%dma_wait3A_115, %dma_wait3A_116] : memref<10000x128xf32, #tpu.memory_space<hbm>> -> memref<10000x128xf32, #tpu.memory_space<hbm>>
      tpu.wait_indirect_dma semaphore(%arg24 : memref<!tpu.dma_semaphore, #tpu.memory_space<semaphore_mem>>) src(%dma_wait3A_117 : memref<10000x128xf32, #tpu.memory_space<hbm>>) dst(%arg16 : memref<80x128xf32, #tpu.memory_space<vmem>>)
      %dma_start3A_118 = arith.constant 0 : i32
      %dma_start3A_119 = arith.constant 0 : i32
      %dma_start3A_120 = tpu.memref_slice %arg31[%dma_start3A_118, %dma_start3A_119] : memref<10000x128xf32, #tpu.memory_space<vmem_shared>> -> memref<10000x128xf32, #tpu.memory_space<vmem_shared>>
      tpu.enqueue_indirect_dma source(%arg16 : memref<80x128xf32, #tpu.memory_space<vmem>>) target(%dma_start3A_120 : memref<10000x128xf32, #tpu.memory_space<vmem_shared>>) offsets(%arg12 : memref<80xi32, #tpu.memory_space<vmem>>) semaphore(%arg28 : memref<!tpu.dma_semaphore, #tpu.memory_space<semaphore_mem>>) {add = true}
      %add3A_121 = arith.constant 4 : i32
      %add3A_122 = arith.addi %mul3A_99, %add3A_121 : i32
      %lt3A_123 = arith.constant 125 : i32
      %lt3A_124 = arith.cmpi slt, %add3A_122, %lt3A_123 : i32
      %convert_element_type3A_125 = arith.extui %lt3A_124 : i1 to i32
      %cond3A_126 = arith.constant 0 : i32
      %cond3A_127 = arith.cmpi ne, %convert_element_type3A_125, %cond3A_126 : i32
      scf.if %cond3A_127 {
        %add3A_188 = arith.constant 4 : i32
        %add3A_189 = arith.addi %mul3A_99, %add3A_188 : i32
        %mul3A_190 = arith.constant 80 : i32
        %mul3A_191 = arith.muli %add3A_189, %mul3A_190 : i32
        %add3A_192 = arith.addi %mul3A_13, %mul3A_191 : i32
        %dma_wait3A_193 = tpu.memref_slice %arg3[%add3A_192] : memref<320000xi32, #tpu.memory_space<hbm>> -> memref<80xi32, #tpu.memory_space<hbm>>
        %dma_wait3A_194 = tpu.memref_slice %arg3[%add3A_192] : memref<320000xi32, #tpu.memory_space<hbm>> -> memref<80xi32, #tpu.memory_space<hbm>>
        tpu.wait_dma2 semaphore(%arg19 : memref<!tpu.dma_semaphore, #tpu.memory_space<semaphore_mem>>) src(%dma_wait3A_194 : memref<80xi32, #tpu.memory_space<hbm>>) dst(%arg7 : memref<80xi32, #tpu.memory_space<vmem>>)
        %dma_wait3A_195 = tpu.memref_slice %arg4[%add3A_192] : memref<320000xi32, #tpu.memory_space<hbm>> -> memref<80xi32, #tpu.memory_space<hbm>>
        %dma_wait3A_196 = tpu.memref_slice %arg4[%add3A_192] : memref<320000xi32, #tpu.memory_space<hbm>> -> memref<80xi32, #tpu.memory_space<hbm>>
        tpu.wait_dma2 semaphore(%arg19 : memref<!tpu.dma_semaphore, #tpu.memory_space<semaphore_mem>>) src(%dma_wait3A_196 : memref<80xi32, #tpu.memory_space<hbm>>) dst(%arg11 : memref<80xi32, #tpu.memory_space<vmem>>)
        %dma_start3A_197 = arith.constant 0 : i32
        %dma_start3A_198 = arith.constant 0 : i32
        %dma_start3A_199 = tpu.memref_slice %arg2[%dma_start3A_197, %dma_start3A_198] : memref<10000x128xf32, #tpu.memory_space<hbm>> -> memref<10000x128xf32, #tpu.memory_space<hbm>>
        tpu.enqueue_indirect_dma source(%dma_start3A_199 : memref<10000x128xf32, #tpu.memory_space<hbm>>) target(%arg15 : memref<80x128xf32, #tpu.memory_space<vmem>>) offsets(%arg7 : memref<80xi32, #tpu.memory_space<vmem>>) semaphore(%arg23 : memref<!tpu.dma_semaphore, #tpu.memory_space<semaphore_mem>>)
      } else {
      }
      %dma_wait3A_128 = arith.constant 0 : i32
      %dma_wait3A_129 = arith.constant 0 : i32
      %dma_wait3A_130 = tpu.memref_slice %arg31[%dma_wait3A_128, %dma_wait3A_129] : memref<10000x128xf32, #tpu.memory_space<vmem_shared>> -> memref<10000x128xf32, #tpu.memory_space<vmem_shared>>
      tpu.wait_indirect_dma semaphore(%arg28 : memref<!tpu.dma_semaphore, #tpu.memory_space<semaphore_mem>>) src(%arg16 : memref<80x128xf32, #tpu.memory_space<vmem>>) dst(%dma_wait3A_130 : memref<10000x128xf32, #tpu.memory_space<vmem_shared>>)
      %add3A_131 = arith.constant 5 : i32
      %add3A_132 = arith.addi %mul3A_99, %add3A_131 : i32
      %lt3A_133 = arith.constant 125 : i32
      %lt3A_134 = arith.cmpi slt, %add3A_132, %lt3A_133 : i32
      %convert_element_type3A_135 = arith.extui %lt3A_134 : i1 to i32
      %cond3A_136 = arith.constant 0 : i32
      %cond3A_137 = arith.cmpi ne, %convert_element_type3A_135, %cond3A_136 : i32
      scf.if %cond3A_137 {
        %add3A_188 = arith.constant 5 : i32
        %add3A_189 = arith.addi %mul3A_99, %add3A_188 : i32
        %mul3A_190 = arith.constant 80 : i32
        %mul3A_191 = arith.muli %add3A_189, %mul3A_190 : i32
        %add3A_192 = arith.addi %mul3A_13, %mul3A_191 : i32
        %dma_start3A_193 = tpu.memref_slice %arg3[%add3A_192] : memref<320000xi32, #tpu.memory_space<hbm>> -> memref<80xi32, #tpu.memory_space<hbm>>
        %dma_start3A_194 = tpu.memref_slice %arg3[%add3A_192] : memref<320000xi32, #tpu.memory_space<hbm>> -> memref<80xi32, #tpu.memory_space<hbm>>
        tpu.enqueue_dma source(%dma_start3A_194 : memref<80xi32, #tpu.memory_space<hbm>>) target(%arg8 : memref<80xi32, #tpu.memory_space<vmem>>) target_semaphore(%arg20 : memref<!tpu.dma_semaphore, #tpu.memory_space<semaphore_mem>>)
        %dma_start3A_195 = tpu.memref_slice %arg4[%add3A_192] : memref<320000xi32, #tpu.memory_space<hbm>> -> memref<80xi32, #tpu.memory_space<hbm>>
        %dma_start3A_196 = tpu.memref_slice %arg4[%add3A_192] : memref<320000xi32, #tpu.memory_space<hbm>> -> memref<80xi32, #tpu.memory_space<hbm>>
        tpu.enqueue_dma source(%dma_start3A_196 : memref<80xi32, #tpu.memory_space<hbm>>) target(%arg12 : memref<80xi32, #tpu.memory_space<vmem>>) target_semaphore(%arg20 : memref<!tpu.dma_semaphore, #tpu.memory_space<semaphore_mem>>)
      } else {
      }
      %add3A_138 = arith.constant 2 : i32
      %add3A_139 = arith.addi %mul3A_99, %add3A_138 : i32
      %dma_wait3A_140 = arith.constant 0 : i32
      %dma_wait3A_141 = arith.constant 0 : i32
      %dma_wait3A_142 = tpu.memref_slice %arg2[%dma_wait3A_140, %dma_wait3A_141] : memref<10000x128xf32, #tpu.memory_space<hbm>> -> memref<10000x128xf32, #tpu.memory_space<hbm>>
      tpu.wait_indirect_dma semaphore(%arg25 : memref<!tpu.dma_semaphore, #tpu.memory_space<semaphore_mem>>) src(%dma_wait3A_142 : memref<10000x128xf32, #tpu.memory_space<hbm>>) dst(%arg17 : memref<80x128xf32, #tpu.memory_space<vmem>>)
      %dma_start3A_143 = arith.constant 0 : i32
      %dma_start3A_144 = arith.constant 0 : i32
      %dma_start3A_145 = tpu.memref_slice %arg31[%dma_start3A_143, %dma_start3A_144] : memref<10000x128xf32, #tpu.memory_space<vmem_shared>> -> memref<10000x128xf32, #tpu.memory_space<vmem_shared>>
      tpu.enqueue_indirect_dma source(%arg17 : memref<80x128xf32, #tpu.memory_space<vmem>>) target(%dma_start3A_145 : memref<10000x128xf32, #tpu.memory_space<vmem_shared>>) offsets(%arg13 : memref<80xi32, #tpu.memory_space<vmem>>) semaphore(%arg29 : memref<!tpu.dma_semaphore, #tpu.memory_space<semaphore_mem>>) {add = true}
      %add3A_146 = arith.constant 5 : i32
      %add3A_147 = arith.addi %mul3A_99, %add3A_146 : i32
      %lt3A_148 = arith.constant 125 : i32
      %lt3A_149 = arith.cmpi slt, %add3A_147, %lt3A_148 : i32
      %convert_element_type3A_150 = arith.extui %lt3A_149 : i1 to i32
      %cond3A_151 = arith.constant 0 : i32
      %cond3A_152 = arith.cmpi ne, %convert_element_type3A_150, %cond3A_151 : i32
      scf.if %cond3A_152 {
        %add3A_188 = arith.constant 5 : i32
        %add3A_189 = arith.addi %mul3A_99, %add3A_188 : i32
        %mul3A_190 = arith.constant 80 : i32
        %mul3A_191 = arith.muli %add3A_189, %mul3A_190 : i32
        %add3A_192 = arith.addi %mul3A_13, %mul3A_191 : i32
        %dma_wait3A_193 = tpu.memref_slice %arg3[%add3A_192] : memref<320000xi32, #tpu.memory_space<hbm>> -> memref<80xi32, #tpu.memory_space<hbm>>
        %dma_wait3A_194 = tpu.memref_slice %arg3[%add3A_192] : memref<320000xi32, #tpu.memory_space<hbm>> -> memref<80xi32, #tpu.memory_space<hbm>>
        tpu.wait_dma2 semaphore(%arg20 : memref<!tpu.dma_semaphore, #tpu.memory_space<semaphore_mem>>) src(%dma_wait3A_194 : memref<80xi32, #tpu.memory_space<hbm>>) dst(%arg8 : memref<80xi32, #tpu.memory_space<vmem>>)
        %dma_wait3A_195 = tpu.memref_slice %arg4[%add3A_192] : memref<320000xi32, #tpu.memory_space<hbm>> -> memref<80xi32, #tpu.memory_space<hbm>>
        %dma_wait3A_196 = tpu.memref_slice %arg4[%add3A_192] : memref<320000xi32, #tpu.memory_space<hbm>> -> memref<80xi32, #tpu.memory_space<hbm>>
        tpu.wait_dma2 semaphore(%arg20 : memref<!tpu.dma_semaphore, #tpu.memory_space<semaphore_mem>>) src(%dma_wait3A_196 : memref<80xi32, #tpu.memory_space<hbm>>) dst(%arg12 : memref<80xi32, #tpu.memory_space<vmem>>)
        %dma_start3A_197 = arith.constant 0 : i32
        %dma_start3A_198 = arith.constant 0 : i32
        %dma_start3A_199 = tpu.memref_slice %arg2[%dma_start3A_197, %dma_start3A_198] : memref<10000x128xf32, #tpu.memory_space<hbm>> -> memref<10000x128xf32, #tpu.memory_space<hbm>>
        tpu.enqueue_indirect_dma source(%dma_start3A_199 : memref<10000x128xf32, #tpu.memory_space<hbm>>) target(%arg16 : memref<80x128xf32, #tpu.memory_space<vmem>>) offsets(%arg8 : memref<80xi32, #tpu.memory_space<vmem>>) semaphore(%arg24 : memref<!tpu.dma_semaphore, #tpu.memory_space<semaphore_mem>>)
      } else {
      }
      %dma_wait3A_153 = arith.constant 0 : i32
      %dma_wait3A_154 = arith.constant 0 : i32
      %dma_wait3A_155 = tpu.memref_slice %arg31[%dma_wait3A_153, %dma_wait3A_154] : memref<10000x128xf32, #tpu.memory_space<vmem_shared>> -> memref<10000x128xf32, #tpu.memory_space<vmem_shared>>
      tpu.wait_indirect_dma semaphore(%arg29 : memref<!tpu.dma_semaphore, #tpu.memory_space<semaphore_mem>>) src(%arg17 : memref<80x128xf32, #tpu.memory_space<vmem>>) dst(%dma_wait3A_155 : memref<10000x128xf32, #tpu.memory_space<vmem_shared>>)
      %add3A_156 = arith.constant 6 : i32
      %add3A_157 = arith.addi %mul3A_99, %add3A_156 : i32
      %lt3A_158 = arith.constant 125 : i32
      %lt3A_159 = arith.cmpi slt, %add3A_157, %lt3A_158 : i32
      %convert_element_type3A_160 = arith.extui %lt3A_159 : i1 to i32
      %cond3A_161 = arith.constant 0 : i32
      %cond3A_162 = arith.cmpi ne, %convert_element_type3A_160, %cond3A_161 : i32
      scf.if %cond3A_162 {
        %add3A_188 = arith.constant 6 : i32
        %add3A_189 = arith.addi %mul3A_99, %add3A_188 : i32
        %mul3A_190 = arith.constant 80 : i32
        %mul3A_191 = arith.muli %add3A_189, %mul3A_190 : i32
        %add3A_192 = arith.addi %mul3A_13, %mul3A_191 : i32
        %dma_start3A_193 = tpu.memref_slice %arg3[%add3A_192] : memref<320000xi32, #tpu.memory_space<hbm>> -> memref<80xi32, #tpu.memory_space<hbm>>
        %dma_start3A_194 = tpu.memref_slice %arg3[%add3A_192] : memref<320000xi32, #tpu.memory_space<hbm>> -> memref<80xi32, #tpu.memory_space<hbm>>
        tpu.enqueue_dma source(%dma_start3A_194 : memref<80xi32, #tpu.memory_space<hbm>>) target(%arg9 : memref<80xi32, #tpu.memory_space<vmem>>) target_semaphore(%arg21 : memref<!tpu.dma_semaphore, #tpu.memory_space<semaphore_mem>>)
        %dma_start3A_195 = tpu.memref_slice %arg4[%add3A_192] : memref<320000xi32, #tpu.memory_space<hbm>> -> memref<80xi32, #tpu.memory_space<hbm>>
        %dma_start3A_196 = tpu.memref_slice %arg4[%add3A_192] : memref<320000xi32, #tpu.memory_space<hbm>> -> memref<80xi32, #tpu.memory_space<hbm>>
        tpu.enqueue_dma source(%dma_start3A_196 : memref<80xi32, #tpu.memory_space<hbm>>) target(%arg13 : memref<80xi32, #tpu.memory_space<vmem>>) target_semaphore(%arg21 : memref<!tpu.dma_semaphore, #tpu.memory_space<semaphore_mem>>)
      } else {
      }
      %add3A_163 = arith.constant 3 : i32
      %add3A_164 = arith.addi %mul3A_99, %add3A_163 : i32
      %dma_wait3A_165 = arith.constant 0 : i32
      %dma_wait3A_166 = arith.constant 0 : i32
      %dma_wait3A_167 = tpu.memref_slice %arg2[%dma_wait3A_165, %dma_wait3A_166] : memref<10000x128xf32, #tpu.memory_space<hbm>> -> memref<10000x128xf32, #tpu.memory_space<hbm>>
      tpu.wait_indirect_dma semaphore(%arg26 : memref<!tpu.dma_semaphore, #tpu.memory_space<semaphore_mem>>) src(%dma_wait3A_167 : memref<10000x128xf32, #tpu.memory_space<hbm>>) dst(%arg18 : memref<80x128xf32, #tpu.memory_space<vmem>>)
      %dma_start3A_168 = arith.constant 0 : i32
      %dma_start3A_169 = arith.constant 0 : i32
      %dma_start3A_170 = tpu.memref_slice %arg31[%dma_start3A_168, %dma_start3A_169] : memref<10000x128xf32, #tpu.memory_space<vmem_shared>> -> memref<10000x128xf32, #tpu.memory_space<vmem_shared>>
      tpu.enqueue_indirect_dma source(%arg18 : memref<80x128xf32, #tpu.memory_space<vmem>>) target(%dma_start3A_170 : memref<10000x128xf32, #tpu.memory_space<vmem_shared>>) offsets(%arg14 : memref<80xi32, #tpu.memory_space<vmem>>) semaphore(%arg30 : memref<!tpu.dma_semaphore, #tpu.memory_space<semaphore_mem>>) {add = true}
      %add3A_171 = arith.constant 6 : i32
      %add3A_172 = arith.addi %mul3A_99, %add3A_171 : i32
      %lt3A_173 = arith.constant 125 : i32
      %lt3A_174 = arith.cmpi slt, %add3A_172, %lt3A_173 : i32
      %convert_element_type3A_175 = arith.extui %lt3A_174 : i1 to i32
      %cond3A_176 = arith.constant 0 : i32
      %cond3A_177 = arith.cmpi ne, %convert_element_type3A_175, %cond3A_176 : i32
      scf.if %cond3A_177 {
        %add3A_188 = arith.constant 6 : i32
        %add3A_189 = arith.addi %mul3A_99, %add3A_188 : i32
        %mul3A_190 = arith.constant 80 : i32
        %mul3A_191 = arith.muli %add3A_189, %mul3A_190 : i32
        %add3A_192 = arith.addi %mul3A_13, %mul3A_191 : i32
        %dma_wait3A_193 = tpu.memref_slice %arg3[%add3A_192] : memref<320000xi32, #tpu.memory_space<hbm>> -> memref<80xi32, #tpu.memory_space<hbm>>
        %dma_wait3A_194 = tpu.memref_slice %arg3[%add3A_192] : memref<320000xi32, #tpu.memory_space<hbm>> -> memref<80xi32, #tpu.memory_space<hbm>>
        tpu.wait_dma2 semaphore(%arg21 : memref<!tpu.dma_semaphore, #tpu.memory_space<semaphore_mem>>) src(%dma_wait3A_194 : memref<80xi32, #tpu.memory_space<hbm>>) dst(%arg9 : memref<80xi32, #tpu.memory_space<vmem>>)
        %dma_wait3A_195 = tpu.memref_slice %arg4[%add3A_192] : memref<320000xi32, #tpu.memory_space<hbm>> -> memref<80xi32, #tpu.memory_space<hbm>>
        %dma_wait3A_196 = tpu.memref_slice %arg4[%add3A_192] : memref<320000xi32, #tpu.memory_space<hbm>> -> memref<80xi32, #tpu.memory_space<hbm>>
        tpu.wait_dma2 semaphore(%arg21 : memref<!tpu.dma_semaphore, #tpu.memory_space<semaphore_mem>>) src(%dma_wait3A_196 : memref<80xi32, #tpu.memory_space<hbm>>) dst(%arg13 : memref<80xi32, #tpu.memory_space<vmem>>)
        %dma_start3A_197 = arith.constant 0 : i32
        %dma_start3A_198 = arith.constant 0 : i32
        %dma_start3A_199 = tpu.memref_slice %arg2[%dma_start3A_197, %dma_start3A_198] : memref<10000x128xf32, #tpu.memory_space<hbm>> -> memref<10000x128xf32, #tpu.memory_space<hbm>>
        tpu.enqueue_indirect_dma source(%dma_start3A_199 : memref<10000x128xf32, #tpu.memory_space<hbm>>) target(%arg17 : memref<80x128xf32, #tpu.memory_space<vmem>>) offsets(%arg9 : memref<80xi32, #tpu.memory_space<vmem>>) semaphore(%arg25 : memref<!tpu.dma_semaphore, #tpu.memory_space<semaphore_mem>>)
      } else {
      }
      %dma_wait3A_178 = arith.constant 0 : i32
      %dma_wait3A_179 = arith.constant 0 : i32
      %dma_wait3A_180 = tpu.memref_slice %arg31[%dma_wait3A_178, %dma_wait3A_179] : memref<10000x128xf32, #tpu.memory_space<vmem_shared>> -> memref<10000x128xf32, #tpu.memory_space<vmem_shared>>
      tpu.wait_indirect_dma semaphore(%arg30 : memref<!tpu.dma_semaphore, #tpu.memory_space<semaphore_mem>>) src(%arg18 : memref<80x128xf32, #tpu.memory_space<vmem>>) dst(%dma_wait3A_180 : memref<10000x128xf32, #tpu.memory_space<vmem_shared>>)
      %add3A_181 = arith.constant 7 : i32
      %add3A_182 = arith.addi %mul3A_99, %add3A_181 : i32
      %lt3A_183 = arith.constant 125 : i32
      %lt3A_184 = arith.cmpi slt, %add3A_182, %lt3A_183 : i32
      %convert_element_type3A_185 = arith.extui %lt3A_184 : i1 to i32
      %cond3A_186 = arith.constant 0 : i32
      %cond3A_187 = arith.cmpi ne, %convert_element_type3A_185, %cond3A_186 : i32
      scf.if %cond3A_187 {
        %add3A_188 = arith.constant 7 : i32
        %add3A_189 = arith.addi %mul3A_99, %add3A_188 : i32
        %mul3A_190 = arith.constant 80 : i32
        %mul3A_191 = arith.muli %add3A_189, %mul3A_190 : i32
        %add3A_192 = arith.addi %mul3A_13, %mul3A_191 : i32
        %dma_start3A_193 = tpu.memref_slice %arg3[%add3A_192] : memref<320000xi32, #tpu.memory_space<hbm>> -> memref<80xi32, #tpu.memory_space<hbm>>
        %dma_start3A_194 = tpu.memref_slice %arg3[%add3A_192] : memref<320000xi32, #tpu.memory_space<hbm>> -> memref<80xi32, #tpu.memory_space<hbm>>
        tpu.enqueue_dma source(%dma_start3A_194 : memref<80xi32, #tpu.memory_space<hbm>>) target(%arg10 : memref<80xi32, #tpu.memory_space<vmem>>) target_semaphore(%arg22 : memref<!tpu.dma_semaphore, #tpu.memory_space<semaphore_mem>>)
        %dma_start3A_195 = tpu.memref_slice %arg4[%add3A_192] : memref<320000xi32, #tpu.memory_space<hbm>> -> memref<80xi32, #tpu.memory_space<hbm>>
        %dma_start3A_196 = tpu.memref_slice %arg4[%add3A_192] : memref<320000xi32, #tpu.memory_space<hbm>> -> memref<80xi32, #tpu.memory_space<hbm>>
        tpu.enqueue_dma source(%dma_start3A_196 : memref<80xi32, #tpu.memory_space<hbm>>) target(%arg14 : memref<80xi32, #tpu.memory_space<vmem>>) target_semaphore(%arg22 : memref<!tpu.dma_semaphore, #tpu.memory_space<semaphore_mem>>)
        %add3A_197 = arith.constant 7 : i32
        %add3A_198 = arith.addi %mul3A_99, %add3A_197 : i32
        %mul3A_199 = arith.constant 80 : i32
        %mul3A_200 = arith.muli %add3A_198, %mul3A_199 : i32
        %add3A_201 = arith.addi %mul3A_13, %mul3A_200 : i32
        %dma_wait3A_202 = tpu.memref_slice %arg3[%add3A_201] : memref<320000xi32, #tpu.memory_space<hbm>> -> memref<80xi32, #tpu.memory_space<hbm>>
        %dma_wait3A_203 = tpu.memref_slice %arg3[%add3A_201] : memref<320000xi32, #tpu.memory_space<hbm>> -> memref<80xi32, #tpu.memory_space<hbm>>
        tpu.wait_dma2 semaphore(%arg22 : memref<!tpu.dma_semaphore, #tpu.memory_space<semaphore_mem>>) src(%dma_wait3A_203 : memref<80xi32, #tpu.memory_space<hbm>>) dst(%arg10 : memref<80xi32, #tpu.memory_space<vmem>>)
        %dma_wait3A_204 = tpu.memref_slice %arg4[%add3A_201] : memref<320000xi32, #tpu.memory_space<hbm>> -> memref<80xi32, #tpu.memory_space<hbm>>
        %dma_wait3A_205 = tpu.memref_slice %arg4[%add3A_201] : memref<320000xi32, #tpu.memory_space<hbm>> -> memref<80xi32, #tpu.memory_space<hbm>>
        tpu.wait_dma2 semaphore(%arg22 : memref<!tpu.dma_semaphore, #tpu.memory_space<semaphore_mem>>) src(%dma_wait3A_205 : memref<80xi32, #tpu.memory_space<hbm>>) dst(%arg14 : memref<80xi32, #tpu.memory_space<vmem>>)
        %dma_start3A_206 = arith.constant 0 : i32
        %dma_start3A_207 = arith.constant 0 : i32
        %dma_start3A_208 = tpu.memref_slice %arg2[%dma_start3A_206, %dma_start3A_207] : memref<10000x128xf32, #tpu.memory_space<hbm>> -> memref<10000x128xf32, #tpu.memory_space<hbm>>
        tpu.enqueue_indirect_dma source(%dma_start3A_208 : memref<10000x128xf32, #tpu.memory_space<hbm>>) target(%arg18 : memref<80x128xf32, #tpu.memory_space<vmem>>) offsets(%arg10 : memref<80xi32, #tpu.memory_space<vmem>>) semaphore(%arg26 : memref<!tpu.dma_semaphore, #tpu.memory_space<semaphore_mem>>)
      } else {
      }
    }
    %scan3A_76 = arith.constant 31 : i32
    %dma_wait3A_77 = arith.constant 0 : i32
    %dma_wait3A_78 = arith.constant 0 : i32
    %dma_wait3A_79 = tpu.memref_slice %arg2[%dma_wait3A_77, %dma_wait3A_78] : memref<10000x128xf32, #tpu.memory_space<hbm>> -> memref<10000x128xf32, #tpu.memory_space<hbm>>
    tpu.wait_indirect_dma semaphore(%arg23 : memref<!tpu.dma_semaphore, #tpu.memory_space<semaphore_mem>>) src(%dma_wait3A_79 : memref<10000x128xf32, #tpu.memory_space<hbm>>) dst(%arg15 : memref<80x128xf32, #tpu.memory_space<vmem>>)
    %dma_start3A_80 = arith.constant 0 : i32
    %dma_start3A_81 = arith.constant 0 : i32
    %dma_start3A_82 = tpu.memref_slice %arg31[%dma_start3A_80, %dma_start3A_81] : memref<10000x128xf32, #tpu.memory_space<vmem_shared>> -> memref<10000x128xf32, #tpu.memory_space<vmem_shared>>
    tpu.enqueue_indirect_dma source(%arg15 : memref<80x128xf32, #tpu.memory_space<vmem>>) target(%dma_start3A_82 : memref<10000x128xf32, #tpu.memory_space<vmem_shared>>) offsets(%arg11 : memref<80xi32, #tpu.memory_space<vmem>>) semaphore(%arg27 : memref<!tpu.dma_semaphore, #tpu.memory_space<semaphore_mem>>) {add = true}
    %dma_wait3A_83 = arith.constant 0 : i32
    %dma_wait3A_84 = arith.constant 0 : i32
    %dma_wait3A_85 = tpu.memref_slice %arg31[%dma_wait3A_83, %dma_wait3A_84] : memref<10000x128xf32, #tpu.memory_space<vmem_shared>> -> memref<10000x128xf32, #tpu.memory_space<vmem_shared>>
    tpu.wait_indirect_dma semaphore(%arg27 : memref<!tpu.dma_semaphore, #tpu.memory_space<semaphore_mem>>) src(%arg15 : memref<80x128xf32, #tpu.memory_space<vmem>>) dst(%dma_wait3A_85 : memref<10000x128xf32, #tpu.memory_space<vmem_shared>>)
    %barrier3A_86 = arith.constant 0 : index
    tpu.barrier barrier_id(%barrier3A_86)
    %while3A_87 = arith.constant 0 : i32
    %while3A_88 = arith.constant 0 : i32
    %while3A_89 = arith.subi %select_n3A, %while3A_88 : i32
    %while3A_90 = arith.addi %while3A_88, %while3A_89 : i32
    %while3A_91 = arith.constant 1 : i32
    %while3A_92 = arith.divsi %while3A_89, %while3A_91 : i32
    %while3A_93 = arith.muli %while3A_92, %while3A_91 : i32
    %while3A_94 = arith.addi %while3A_88, %while3A_93 : i32
    %while3A_95 = arith.constant 1 : i32
    scf.for %while3A_97 = %while3A_88 to %while3A_94 step %while3A_95  : i32 {
      %mul3A_98 = arith.constant 640 : i32
      %mul3A_99 = arith.muli %arg1, %mul3A_98 : i32
      %mul3A_100 = arith.constant 80 : i32
      %mul3A_101 = arith.muli %while3A_97, %mul3A_100 : i32
      %add3A_102 = arith.addi %mul3A_99, %mul3A_101 : i32
      "tpu.region"() ({
        %run_scoped3A = tpu.sem_alloc : memref<!tpu.dma_semaphore, #tpu.memory_space<semaphore_mem>>
        %dma_start3A_103 = arith.constant 0 : i32
        %dma_start3A_104 = tpu.memref_slice %arg31[%add3A_102, %dma_start3A_103] : memref<10000x128xf32, #tpu.memory_space<vmem_shared>> -> memref<80x128xf32, #tpu.memory_space<vmem_shared>>
        %dma_start3A_105 = arith.constant 0 : i32
        %dma_start3A_106 = tpu.memref_slice %arg31[%add3A_102, %dma_start3A_105] : memref<10000x128xf32, #tpu.memory_space<vmem_shared>> -> memref<80x128xf32, #tpu.memory_space<vmem_shared>>
        tpu.enqueue_dma source(%dma_start3A_106 : memref<80x128xf32, #tpu.memory_space<vmem_shared>>) target(%arg15 : memref<80x128xf32, #tpu.memory_space<vmem>>) target_semaphore(%run_scoped3A : memref<!tpu.dma_semaphore, #tpu.memory_space<semaphore_mem>>)
        %dma_wait3A_107 = arith.constant 0 : i32
        %dma_wait3A_108 = tpu.memref_slice %arg31[%add3A_102, %dma_wait3A_107] : memref<10000x128xf32, #tpu.memory_space<vmem_shared>> -> memref<80x128xf32, #tpu.memory_space<vmem_shared>>
        %dma_wait3A_109 = arith.constant 0 : i32
        %dma_wait3A_110 = tpu.memref_slice %arg31[%add3A_102, %dma_wait3A_109] : memref<10000x128xf32, #tpu.memory_space<vmem_shared>> -> memref<80x128xf32, #tpu.memory_space<vmem_shared>>
        tpu.wait_dma2 semaphore(%run_scoped3A : memref<!tpu.dma_semaphore, #tpu.memory_space<semaphore_mem>>) src(%dma_wait3A_110 : memref<80x128xf32, #tpu.memory_space<vmem_shared>>) dst(%arg15 : memref<80x128xf32, #tpu.memory_space<vmem>>)
        tpu.yield
      }) : () -> ()
      "tpu.region"() ({
        %run_scoped3A = tpu.sem_alloc : memref<!tpu.dma_semaphore, #tpu.memory_space<semaphore_mem>>
        %dma_start3A_103 = arith.constant 0 : i32
        %dma_start3A_104 = tpu.memref_slice %arg6[%arg0, %add3A_102, %dma_start3A_103] : memref<2x10000x128xf32, #tpu.memory_space<hbm>> -> memref<1x80x128xf32, #tpu.memory_space<hbm>>
        %dma_start3A_105 = tpu.memref_squeeze %dma_start3A_104 : memref<1x80x128xf32, #tpu.memory_space<hbm>> -> memref<80x128xf32, #tpu.memory_space<hbm>>
        %dma_start3A_106 = arith.constant 0 : i32
        %dma_start3A_107 = tpu.memref_slice %arg6[%arg0, %add3A_102, %dma_start3A_106] : memref<2x10000x128xf32, #tpu.memory_space<hbm>> -> memref<1x80x128xf32, #tpu.memory_space<hbm>>
        %dma_start3A_108 = tpu.memref_squeeze %dma_start3A_107 : memref<1x80x128xf32, #tpu.memory_space<hbm>> -> memref<80x128xf32, #tpu.memory_space<hbm>>
        tpu.enqueue_dma source(%arg15 : memref<80x128xf32, #tpu.memory_space<vmem>>) target(%dma_start3A_108 : memref<80x128xf32, #tpu.memory_space<hbm>>) target_semaphore(%run_scoped3A : memref<!tpu.dma_semaphore, #tpu.memory_space<semaphore_mem>>)
        %dma_wait3A_109 = arith.constant 0 : i32
        %dma_wait3A_110 = tpu.memref_slice %arg6[%arg0, %add3A_102, %dma_wait3A_109] : memref<2x10000x128xf32, #tpu.memory_space<hbm>> -> memref<1x80x128xf32, #tpu.memory_space<hbm>>
        %dma_wait3A_111 = tpu.memref_squeeze %dma_wait3A_110 : memref<1x80x128xf32, #tpu.memory_space<hbm>> -> memref<80x128xf32, #tpu.memory_space<hbm>>
        %dma_wait3A_112 = arith.constant 0 : i32
        %dma_wait3A_113 = tpu.memref_slice %arg6[%arg0, %add3A_102, %dma_wait3A_112] : memref<2x10000x128xf32, #tpu.memory_space<hbm>> -> memref<1x80x128xf32, #tpu.memory_space<hbm>>
        %dma_wait3A_114 = tpu.memref_squeeze %dma_wait3A_113 : memref<1x80x128xf32, #tpu.memory_space<hbm>> -> memref<80x128xf32, #tpu.memory_space<hbm>>
        tpu.wait_dma2 semaphore(%run_scoped3A : memref<!tpu.dma_semaphore, #tpu.memory_space<semaphore_mem>>) src(%arg15 : memref<80x128xf32, #tpu.memory_space<vmem>>) dst(%dma_wait3A_114 : memref<80x128xf32, #tpu.memory_space<hbm>>)
        tpu.yield
      }) : () -> ()
    }
    %while3A_96 = arith.constant 1 : i32
    scf.for %while3A_97 = %while3A_94 to %while3A_90 step %while3A_96  : i32 {
      %mul3A_98 = arith.constant 640 : i32
      %mul3A_99 = arith.muli %arg1, %mul3A_98 : i32
      %mul3A_100 = arith.constant 80 : i32
      %mul3A_101 = arith.muli %while3A_97, %mul3A_100 : i32
      %add3A_102 = arith.addi %mul3A_99, %mul3A_101 : i32
      "tpu.region"() ({
        %run_scoped3A = tpu.sem_alloc : memref<!tpu.dma_semaphore, #tpu.memory_space<semaphore_mem>>
        %dma_start3A_103 = arith.constant 0 : i32
        %dma_start3A_104 = tpu.memref_slice %arg31[%add3A_102, %dma_start3A_103] : memref<10000x128xf32, #tpu.memory_space<vmem_shared>> -> memref<80x128xf32, #tpu.memory_space<vmem_shared>>
        %dma_start3A_105 = arith.constant 0 : i32
        %dma_start3A_106 = tpu.memref_slice %arg31[%add3A_102, %dma_start3A_105] : memref<10000x128xf32, #tpu.memory_space<vmem_shared>> -> memref<80x128xf32, #tpu.memory_space<vmem_shared>>
        tpu.enqueue_dma source(%dma_start3A_106 : memref<80x128xf32, #tpu.memory_space<vmem_shared>>) target(%arg15 : memref<80x128xf32, #tpu.memory_space<vmem>>) target_semaphore(%run_scoped3A : memref<!tpu.dma_semaphore, #tpu.memory_space<semaphore_mem>>)
        %dma_wait3A_107 = arith.constant 0 : i32
        %dma_wait3A_108 = tpu.memref_slice %arg31[%add3A_102, %dma_wait3A_107] : memref<10000x128xf32, #tpu.memory_space<vmem_shared>> -> memref<80x128xf32, #tpu.memory_space<vmem_shared>>
        %dma_wait3A_109 = arith.constant 0 : i32
        %dma_wait3A_110 = tpu.memref_slice %arg31[%add3A_102, %dma_wait3A_109] : memref<10000x128xf32, #tpu.memory_space<vmem_shared>> -> memref<80x128xf32, #tpu.memory_space<vmem_shared>>
        tpu.wait_dma2 semaphore(%run_scoped3A : memref<!tpu.dma_semaphore, #tpu.memory_space<semaphore_mem>>) src(%dma_wait3A_110 : memref<80x128xf32, #tpu.memory_space<vmem_shared>>) dst(%arg15 : memref<80x128xf32, #tpu.memory_space<vmem>>)
        tpu.yield
      }) : () -> ()
      "tpu.region"() ({
        %run_scoped3A = tpu.sem_alloc : memref<!tpu.dma_semaphore, #tpu.memory_space<semaphore_mem>>
        %dma_start3A_103 = arith.constant 0 : i32
        %dma_start3A_104 = tpu.memref_slice %arg6[%arg0, %add3A_102, %dma_start3A_103] : memref<2x10000x128xf32, #tpu.memory_space<hbm>> -> memref<1x80x128xf32, #tpu.memory_space<hbm>>
        %dma_start3A_105 = tpu.memref_squeeze %dma_start3A_104 : memref<1x80x128xf32, #tpu.memory_space<hbm>> -> memref<80x128xf32, #tpu.memory_space<hbm>>
        %dma_start3A_106 = arith.constant 0 : i32
        %dma_start3A_107 = tpu.memref_slice %arg6[%arg0, %add3A_102, %dma_start3A_106] : memref<2x10000x128xf32, #tpu.memory_space<hbm>> -> memref<1x80x128xf32, #tpu.memory_space<hbm>>
        %dma_start3A_108 = tpu.memref_squeeze %dma_start3A_107 : memref<1x80x128xf32, #tpu.memory_space<hbm>> -> memref<80x128xf32, #tpu.memory_space<hbm>>
        tpu.enqueue_dma source(%arg15 : memref<80x128xf32, #tpu.memory_space<vmem>>) target(%dma_start3A_108 : memref<80x128xf32, #tpu.memory_space<hbm>>) target_semaphore(%run_scoped3A : memref<!tpu.dma_semaphore, #tpu.memory_space<semaphore_mem>>)
        %dma_wait3A_109 = arith.constant 0 : i32
        %dma_wait3A_110 = tpu.memref_slice %arg6[%arg0, %add3A_102, %dma_wait3A_109] : memref<2x10000x128xf32, #tpu.memory_space<hbm>> -> memref<1x80x128xf32, #tpu.memory_space<hbm>>
        %dma_wait3A_111 = tpu.memref_squeeze %dma_wait3A_110 : memref<1x80x128xf32, #tpu.memory_space<hbm>> -> memref<80x128xf32, #tpu.memory_space<hbm>>
        %dma_wait3A_112 = arith.constant 0 : i32
        %dma_wait3A_113 = tpu.memref_slice %arg6[%arg0, %add3A_102, %dma_wait3A_112] : memref<2x10000x128xf32, #tpu.memory_space<hbm>> -> memref<1x80x128xf32, #tpu.memory_space<hbm>>
        %dma_wait3A_114 = tpu.memref_squeeze %dma_wait3A_113 : memref<1x80x128xf32, #tpu.memory_space<hbm>> -> memref<80x128xf32, #tpu.memory_space<hbm>>
        tpu.wait_dma2 semaphore(%run_scoped3A : memref<!tpu.dma_semaphore, #tpu.memory_space<semaphore_mem>>) src(%arg15 : memref<80x128xf32, #tpu.memory_space<vmem>>) dst(%dma_wait3A_114 : memref<80x128xf32, #tpu.memory_space<hbm>>)
        tpu.yield
      }) : () -> ()
    }
    return
  }
}

module attributes {stable_mosaic.version = 14 : i64} {
  func.func @_dense1_body(%arg0: i32, %arg1: memref<2000x128xf32, #tpu.memory_space<vmem>>, %arg2: memref<2x2000x128xf32, #tpu.memory_space<vmem>>, %arg3: memref<2000x1xf32, #tpu.memory_space<vmem>>, %arg4: memref<128x128xf32, #tpu.memory_space<vmem>>, %arg5: memref<128x128xf32, #tpu.memory_space<vmem>>, %arg6: memref<1x128xf32, #tpu.memory_space<vmem>>, %arg7: memref<1x128xf32, #tpu.memory_space<vmem>>, %arg8: memref<1x128xf32, #tpu.memory_space<vmem>>, %arg9: memref<128x128xf32, #tpu.memory_space<vmem>>, %arg10: memref<128x64xf32, #tpu.memory_space<vmem>>, %arg11: memref<1x64xf32, #tpu.memory_space<vmem>>, %arg12: memref<2000x128xf32, #tpu.memory_space<vmem>>, %arg13: memref<2000x64xf32, #tpu.memory_space<vmem>>) attributes {dimension_semantics = [#tpu.dimension_semantics<arbitrary>], iteration_bounds = array<i64: 5>, scalar_prefetch = 0 : i64, scratch_operands = 0 : i64, tpu.core_type = #tpu.core_type<tc>, window_params = [{transform_indices = @transform_0, window_bounds = array<i64: 2000, 128>}, {transform_indices = @transform_1, window_bounds = array<i64: 2, 2000, 128>}, {transform_indices = @transform_2, window_bounds = array<i64: 2000, 1>}, {pipeline_mode = #tpu.pipeline_mode<synchronous>, transform_indices = @transform_3, window_bounds = array<i64: 128, 128>}, {pipeline_mode = #tpu.pipeline_mode<synchronous>, transform_indices = @transform_4, window_bounds = array<i64: 128, 128>}, {pipeline_mode = #tpu.pipeline_mode<synchronous>, transform_indices = @transform_5, window_bounds = array<i64: 1, 128>}, {pipeline_mode = #tpu.pipeline_mode<synchronous>, transform_indices = @transform_6, window_bounds = array<i64: 1, 128>}, {pipeline_mode = #tpu.pipeline_mode<synchronous>, transform_indices = @transform_7, window_bounds = array<i64: 1, 128>}, {pipeline_mode = #tpu.pipeline_mode<synchronous>, transform_indices = @transform_8, window_bounds = array<i64: 128, 128>}, {pipeline_mode = #tpu.pipeline_mode<synchronous>, transform_indices = @transform_9, window_bounds = array<i64: 128, 64>}, {pipeline_mode = #tpu.pipeline_mode<synchronous>, transform_indices = @transform_10, window_bounds = array<i64: 1, 64>}, {transform_indices = @transform_11, window_bounds = array<i64: 2000, 128>}, {transform_indices = @transform_12, window_bounds = array<i64: 2000, 64>}]} {
    %get3A = arith.constant 0 : index
    %get3A_0 = arith.constant 0 : index
    %get3A_1 = arith.constant 0 : index
    %get3A_2 = vector.load %arg2[%get3A, %get3A_0, %get3A_1] : memref<2x2000x128xf32, #tpu.memory_space<vmem>>, vector<1x2000x128xf32>
    %get3A_3 = vector.shape_cast %get3A_2 : vector<1x2000x128xf32> to vector<2000x128xf32>
    %get3A_4 = arith.constant 1 : index
    %get3A_5 = arith.constant 0 : index
    %get3A_6 = arith.constant 0 : index
    %get3A_7 = vector.load %arg2[%get3A_4, %get3A_5, %get3A_6] : memref<2x2000x128xf32, #tpu.memory_space<vmem>>, vector<1x2000x128xf32>
    %get3A_8 = vector.shape_cast %get3A_7 : vector<1x2000x128xf32> to vector<2000x128xf32>
    %add3A = arith.addf %get3A_3, %get3A_8 : vector<2000x128xf32>
    %get3A_9 = arith.constant 0 : index
    %get3A_10 = arith.constant 0 : index
    %get3A_11 = vector.load %arg3[%get3A_9, %get3A_10] : memref<2000x1xf32, #tpu.memory_space<vmem>>, vector<2000x1xf32>
    %max3A = arith.constant 1.000000e+00 : f32
    %max3A_12 = vector.broadcast %max3A : f32 to vector<2000x1xf32>
    %max3A_13 = arith.maximumf %get3A_11, %max3A_12 : vector<2000x1xf32>
    %div3A = vector.broadcast %max3A_13 : vector<2000x1xf32> to vector<2000x128xf32>
    %div3A_14 = arith.divf %add3A, %div3A : vector<2000x128xf32>
    %get3A_15 = arith.constant 0 : index
    %get3A_16 = arith.constant 0 : index
    %get3A_17 = vector.load %arg4[%get3A_15, %get3A_16] : memref<128x128xf32, #tpu.memory_space<vmem>>, vector<128x128xf32>
    %dot_general3A = arith.constant dense<0.000000e+00> : vector<2000x128xf32>
    %dot_general3A_18 = tpu.matmul %div3A_14, %get3A_17, %dot_general3A {dimension_numbers = #tpu.dot_dimension_numbers<[1], [0], [0], [1], [0, 0, 1, 1], [], []>, transpose_lhs_hint = false} : vector<2000x128xf32>, vector<128x128xf32>, vector<2000x128xf32> -> vector<2000x128xf32>
    %get3A_19 = arith.constant 0 : index
    %get3A_20 = arith.constant 0 : index
    %get3A_21 = vector.load %arg1[%get3A_19, %get3A_20] : memref<2000x128xf32, #tpu.memory_space<vmem>>, vector<2000x128xf32>
    %get3A_22 = arith.constant 0 : index
    %get3A_23 = arith.constant 0 : index
    %get3A_24 = vector.load %arg5[%get3A_22, %get3A_23] : memref<128x128xf32, #tpu.memory_space<vmem>>, vector<128x128xf32>
    %dot_general3A_25 = arith.constant dense<0.000000e+00> : vector<2000x128xf32>
    %dot_general3A_26 = tpu.matmul %get3A_21, %get3A_24, %dot_general3A_25 {dimension_numbers = #tpu.dot_dimension_numbers<[1], [0], [0], [1], [0, 0, 1, 1], [], []>, transpose_lhs_hint = false} : vector<2000x128xf32>, vector<128x128xf32>, vector<2000x128xf32> -> vector<2000x128xf32>
    %add3A_27 = arith.addf %dot_general3A_18, %dot_general3A_26 : vector<2000x128xf32>
    %get3A_28 = arith.constant 0 : index
    %get3A_29 = arith.constant 0 : index
    %get3A_30 = vector.load %arg6[%get3A_28, %get3A_29] : memref<1x128xf32, #tpu.memory_space<vmem>>, vector<1x128xf32>
    %add3A_31 = vector.broadcast %get3A_30 : vector<1x128xf32> to vector<2000x128xf32>
    %add3A_32 = arith.addf %add3A_27, %add3A_31 : vector<2000x128xf32>
    %get3A_33 = arith.constant 0 : index
    %get3A_34 = arith.constant 0 : index
    %get3A_35 = vector.load %arg7[%get3A_33, %get3A_34] : memref<1x128xf32, #tpu.memory_space<vmem>>, vector<1x128xf32>
    %mul3A = vector.broadcast %get3A_35 : vector<1x128xf32> to vector<2000x128xf32>
    %mul3A_36 = arith.mulf %add3A_32, %mul3A : vector<2000x128xf32>
    %get3A_37 = arith.constant 0 : index
    %get3A_38 = arith.constant 0 : index
    %get3A_39 = vector.load %arg8[%get3A_37, %get3A_38] : memref<1x128xf32, #tpu.memory_space<vmem>>, vector<1x128xf32>
    %add3A_40 = vector.broadcast %get3A_39 : vector<1x128xf32> to vector<2000x128xf32>
    %add3A_41 = arith.addf %mul3A_36, %add3A_40 : vector<2000x128xf32>
    %max3A_42 = arith.constant 0.000000e+00 : f32
    %max3A_43 = vector.broadcast %max3A_42 : f32 to vector<2000x128xf32>
    %max3A_44 = arith.maximumf %add3A_41, %max3A_43 : vector<2000x128xf32>
    %get3A_45 = arith.constant 0 : index
    %get3A_46 = arith.constant 0 : index
    %get3A_47 = vector.load %arg9[%get3A_45, %get3A_46] : memref<128x128xf32, #tpu.memory_space<vmem>>, vector<128x128xf32>
    %dot_general3A_48 = arith.constant dense<0.000000e+00> : vector<2000x128xf32>
    %dot_general3A_49 = tpu.matmul %max3A_44, %get3A_47, %dot_general3A_48 {dimension_numbers = #tpu.dot_dimension_numbers<[1], [0], [0], [1], [0, 0, 1, 1], [], []>, transpose_lhs_hint = false} : vector<2000x128xf32>, vector<128x128xf32>, vector<2000x128xf32> -> vector<2000x128xf32>
    %swap3A = arith.constant 0 : index
    %swap3A_50 = arith.constant 0 : index
    %swap3A_51 = vector.load %arg12[%swap3A, %swap3A_50] : memref<2000x128xf32, #tpu.memory_space<vmem>>, vector<2000x128xf32>
    tpu.vector_store %arg12[%swap3A, %swap3A_50], %dot_general3A_49 {strides = array<i32>} : memref<2000x128xf32, #tpu.memory_space<vmem>>, vector<2000x128xf32>,
    %get3A_52 = arith.constant 0 : index
    %get3A_53 = arith.constant 0 : index
    %get3A_54 = vector.load %arg10[%get3A_52, %get3A_53] : memref<128x64xf32, #tpu.memory_space<vmem>>, vector<128x64xf32>
    %dot_general3A_55 = arith.constant dense<0.000000e+00> : vector<2000x64xf32>
    %dot_general3A_56 = tpu.matmul %max3A_44, %get3A_54, %dot_general3A_55 {dimension_numbers = #tpu.dot_dimension_numbers<[1], [0], [0], [1], [0, 0, 1, 1], [], []>, transpose_lhs_hint = false} : vector<2000x128xf32>, vector<128x64xf32>, vector<2000x64xf32> -> vector<2000x64xf32>
    %get3A_57 = arith.constant 0 : index
    %get3A_58 = arith.constant 0 : index
    %get3A_59 = vector.load %arg11[%get3A_57, %get3A_58] : memref<1x64xf32, #tpu.memory_space<vmem>>, vector<1x64xf32>
    %add3A_60 = vector.broadcast %get3A_59 : vector<1x64xf32> to vector<2000x64xf32>
    %add3A_61 = arith.addf %dot_general3A_56, %add3A_60 : vector<2000x64xf32>
    %swap3A_62 = arith.constant 0 : index
    %swap3A_63 = arith.constant 0 : index
    %swap3A_64 = vector.load %arg13[%swap3A_62, %swap3A_63] : memref<2000x64xf32, #tpu.memory_space<vmem>>, vector<2000x64xf32>
    tpu.vector_store %arg13[%swap3A_62, %swap3A_63], %add3A_61 {strides = array<i32>} : memref<2000x64xf32, #tpu.memory_space<vmem>>, vector<2000x64xf32>,
    return
  }
  func.func @transform_0(%arg0: i32) -> (i32, i32) {
    %c0_i32 = arith.constant 0 : i32
    %c0_i32_0 = arith.constant 0 : i32
    return %arg0, %c0_i32 : i32, i32
  }
  func.func @transform_1(%arg0: i32) -> (i32, i32, i32) {
    %c0_i32 = arith.constant 0 : i32
    %c0_i32_0 = arith.constant 0 : i32
    %c0_i32_1 = arith.constant 0 : i32
    return %c0_i32, %arg0, %c0_i32_0 : i32, i32, i32
  }
  func.func @transform_2(%arg0: i32) -> (i32, i32) {
    %c0_i32 = arith.constant 0 : i32
    %c0_i32_0 = arith.constant 0 : i32
    return %arg0, %c0_i32 : i32, i32
  }
  func.func @transform_3(%arg0: i32) -> (i32, i32) {
    %c0_i32 = arith.constant 0 : i32
    %c0_i32_0 = arith.constant 0 : i32
    %c0_i32_1 = arith.constant 0 : i32
    return %c0_i32, %c0_i32_0 : i32, i32
  }
  func.func @transform_4(%arg0: i32) -> (i32, i32) {
    %c0_i32 = arith.constant 0 : i32
    %c0_i32_0 = arith.constant 0 : i32
    %c0_i32_1 = arith.constant 0 : i32
    return %c0_i32, %c0_i32_0 : i32, i32
  }
  func.func @transform_5(%arg0: i32) -> (i32, i32) {
    %c0_i32 = arith.constant 0 : i32
    %c0_i32_0 = arith.constant 0 : i32
    %c0_i32_1 = arith.constant 0 : i32
    return %c0_i32, %c0_i32_0 : i32, i32
  }
  func.func @transform_6(%arg0: i32) -> (i32, i32) {
    %c0_i32 = arith.constant 0 : i32
    %c0_i32_0 = arith.constant 0 : i32
    %c0_i32_1 = arith.constant 0 : i32
    return %c0_i32, %c0_i32_0 : i32, i32
  }
  func.func @transform_7(%arg0: i32) -> (i32, i32) {
    %c0_i32 = arith.constant 0 : i32
    %c0_i32_0 = arith.constant 0 : i32
    %c0_i32_1 = arith.constant 0 : i32
    return %c0_i32, %c0_i32_0 : i32, i32
  }
  func.func @transform_8(%arg0: i32) -> (i32, i32) {
    %c0_i32 = arith.constant 0 : i32
    %c0_i32_0 = arith.constant 0 : i32
    %c0_i32_1 = arith.constant 0 : i32
    return %c0_i32, %c0_i32_0 : i32, i32
  }
  func.func @transform_9(%arg0: i32) -> (i32, i32) {
    %c0_i32 = arith.constant 0 : i32
    %c0_i32_0 = arith.constant 0 : i32
    %c0_i32_1 = arith.constant 0 : i32
    return %c0_i32, %c0_i32_0 : i32, i32
  }
  func.func @transform_10(%arg0: i32) -> (i32, i32) {
    %c0_i32 = arith.constant 0 : i32
    %c0_i32_0 = arith.constant 0 : i32
    %c0_i32_1 = arith.constant 0 : i32
    return %c0_i32, %c0_i32_0 : i32, i32
  }
  func.func @transform_11(%arg0: i32) -> (i32, i32) {
    %c0_i32 = arith.constant 0 : i32
    %c0_i32_0 = arith.constant 0 : i32
    return %arg0, %c0_i32 : i32, i32
  }
  func.func @transform_12(%arg0: i32) -> (i32, i32) {
    %c0_i32 = arith.constant 0 : i32
    %c0_i32_0 = arith.constant 0 : i32
    return %arg0, %c0_i32 : i32, i32
  }
}

module attributes {stable_mosaic.version = 14 : i64} {
  func.func @_dense2_body(%arg0: i32, %arg1: memref<2x2000x128xf32, #tpu.memory_space<vmem>>, %arg2: memref<2000x1xf32, #tpu.memory_space<vmem>>, %arg3: memref<2000x64xf32, #tpu.memory_space<vmem>>, %arg4: memref<2000x40xf32, #tpu.memory_space<vmem>>) attributes {dimension_semantics = [#tpu.dimension_semantics<arbitrary>], iteration_bounds = array<i64: 5>, scalar_prefetch = 0 : i64, scratch_operands = 0 : i64, tpu.core_type = #tpu.core_type<tc>, window_params = [{transform_indices = @transform_0, window_bounds = array<i64: 2, 2000, 128>}, {transform_indices = @transform_1, window_bounds = array<i64: 2000, 1>}, {transform_indices = @transform_2, window_bounds = array<i64: 2000, 64>}, {transform_indices = @transform_3, window_bounds = array<i64: 2000, 40>}]} {
    %get3A = arith.constant 0 : index
    %get3A_0 = arith.constant 0 : index
    %get3A_1 = arith.constant 0 : index
    %get3A_2 = vector.load %arg1[%get3A, %get3A_0, %get3A_1] : memref<2x2000x128xf32, #tpu.memory_space<vmem>>, vector<1x2000x64xf32>
    %get3A_3 = vector.shape_cast %get3A_2 : vector<1x2000x64xf32> to vector<2000x64xf32>
    %get3A_4 = arith.constant 1 : index
    %get3A_5 = arith.constant 0 : index
    %get3A_6 = arith.constant 0 : index
    %get3A_7 = vector.load %arg1[%get3A_4, %get3A_5, %get3A_6] : memref<2x2000x128xf32, #tpu.memory_space<vmem>>, vector<1x2000x64xf32>
    %get3A_8 = vector.shape_cast %get3A_7 : vector<1x2000x64xf32> to vector<2000x64xf32>
    %add3A = arith.addf %get3A_3, %get3A_8 : vector<2000x64xf32>
    %get3A_9 = arith.constant 0 : index
    %get3A_10 = arith.constant 0 : index
    %get3A_11 = vector.load %arg2[%get3A_9, %get3A_10] : memref<2000x1xf32, #tpu.memory_space<vmem>>, vector<2000x1xf32>
    %max3A = arith.constant 1.000000e+00 : f32
    %max3A_12 = vector.broadcast %max3A : f32 to vector<2000x1xf32>
    %max3A_13 = arith.maximumf %get3A_11, %max3A_12 : vector<2000x1xf32>
    %div3A = vector.broadcast %max3A_13 : vector<2000x1xf32> to vector<2000x64xf32>
    %div3A_14 = arith.divf %add3A, %div3A : vector<2000x64xf32>
    %get3A_15 = arith.constant 0 : index
    %get3A_16 = arith.constant 0 : index
    %get3A_17 = vector.load %arg3[%get3A_15, %get3A_16] : memref<2000x64xf32, #tpu.memory_space<vmem>>, vector<2000x64xf32>
    %add3A_18 = arith.addf %div3A_14, %get3A_17 : vector<2000x64xf32>
    %iota3A = tpu.iota {dimensions = array<i32: 1>} : vector<2000x64xi32>
    %lt3A = arith.constant 40 : i32
    %lt3A_19 = vector.broadcast %lt3A : i32 to vector<2000x64xi32>
    %lt3A_20 = arith.cmpi slt, %iota3A, %lt3A_19 : vector<2000x64xi32>
    %jit3A = arith.constant -3.000000e+38 : f32
    %broadcast_in_dim3A = vector.broadcast %jit3A : f32 to vector<2000x64xf32>
    %select_n3A = arith.select %lt3A_20, %add3A_18, %broadcast_in_dim3A : vector<2000x64xi1>, vector<2000x64xf32>
    %reduce_max3A = arith.constant dense<0xFF800000> : vector<2000xf32>
    %reduce_max3A_21 = vector.multi_reduction <maximumf>, %select_n3A, %reduce_max3A [1] : vector<2000x64xf32> to vector<2000xf32>
    %broadcast_in_dim3A_22 = vector.shape_cast %reduce_max3A_21 : vector<2000xf32> to vector<2000x1xf32>
    %sub3A = vector.broadcast %broadcast_in_dim3A_22 : vector<2000x1xf32> to vector<2000x64xf32>
    %sub3A_23 = arith.subf %add3A_18, %sub3A : vector<2000x64xf32>
    %exp3A = math.exp %sub3A_23 : vector<2000x64xf32>
    %jit3A_24 = arith.constant 0.000000e+00 : f32
    %broadcast_in_dim3A_25 = vector.broadcast %jit3A_24 : f32 to vector<2000x64xf32>
    %select_n3A_26 = arith.select %lt3A_20, %exp3A, %broadcast_in_dim3A_25 : vector<2000x64xi1>, vector<2000x64xf32>
    %reduce_sum3A = arith.constant dense<0.000000e+00> : vector<2000xf32>
    %reduce_sum3A_27 = vector.multi_reduction <add>, %select_n3A_26, %reduce_sum3A [1] : vector<2000x64xf32> to vector<2000xf32>
    %broadcast_in_dim3A_28 = vector.shape_cast %reduce_sum3A_27 : vector<2000xf32> to vector<2000x1xf32>
    %log3A = math.log %broadcast_in_dim3A_28 : vector<2000x1xf32>
    %sub3A_29 = vector.broadcast %broadcast_in_dim3A_22 : vector<2000x1xf32> to vector<2000x64xf32>
    %sub3A_30 = arith.subf %add3A_18, %sub3A_29 : vector<2000x64xf32>
    %sub3A_31 = vector.broadcast %log3A : vector<2000x1xf32> to vector<2000x64xf32>
    %sub3A_32 = arith.subf %sub3A_30, %sub3A_31 : vector<2000x64xf32>
    %slice3A = vector.extract_strided_slice %sub3A_32 {offsets = [0, 0], sizes = [2000, 40], strides = [1, 1]} : vector<2000x64xf32> to vector<2000x40xf32>
    %swap3A = arith.constant 0 : index
    %swap3A_33 = arith.constant 0 : index
    %swap3A_34 = vector.load %arg4[%swap3A, %swap3A_33] : memref<2000x40xf32, #tpu.memory_space<vmem>>, vector<2000x40xf32>
    tpu.vector_store %arg4[%swap3A, %swap3A_33], %slice3A {strides = array<i32>} : memref<2000x40xf32, #tpu.memory_space<vmem>>, vector<2000x40xf32>,
    return
  }
  func.func @transform_0(%arg0: i32) -> (i32, i32, i32) {
    %c0_i32 = arith.constant 0 : i32
    %c0_i32_0 = arith.constant 0 : i32
    %c0_i32_1 = arith.constant 0 : i32
    return %c0_i32, %arg0, %c0_i32_0 : i32, i32, i32
  }
  func.func @transform_1(%arg0: i32) -> (i32, i32) {
    %c0_i32 = arith.constant 0 : i32
    %c0_i32_0 = arith.constant 0 : i32
    return %arg0, %c0_i32 : i32, i32
  }
  func.func @transform_2(%arg0: i32) -> (i32, i32) {
    %c0_i32 = arith.constant 0 : i32
    %c0_i32_0 = arith.constant 0 : i32
    return %arg0, %c0_i32 : i32, i32
  }
  func.func @transform_3(%arg0: i32) -> (i32, i32) {
    %c0_i32 = arith.constant 0 : i32
    %c0_i32_0 = arith.constant 0 : i32
    return %arg0, %c0_i32 : i32, i32
  }
}

</mosaic_0001>

<sc_bundles>
// kernel: kernel.6.cloned.1.call-start
scs
__scs_entry_jumppad:
0x0: {  	(pc) =	sbr.rel $0x88, $3  }
0x1: {  	(tag) =	ssettag $0x0;
	lr =	simm.s32 $0x1  }
0x2: {  	[smem:$0x3F97] =	sst lr;
	_ =	strace $0xD0000000  }
0x3: {  	_ = 	snop  }
0x4: {  	_ = 	snop  }
0x5: {  	_ = 	snop  }
0x6: {  	_ = 	snop  }
0x7: {  	_ = 	snop  }
__scs_overlays_trampoline_lowered:
0x8: {  	[smem:$0x3FA6] =	sst s0  }
0x9: {  	[smem:$0x3FA7] =	sst s1  }
0xa: {  	[smem:$0x3FA8] =	sst s2  }
0xb: {  	[smem:$0x3FA9] =	sst s3  }
0xc: {  	[smem:$0x3FAA] =	sst s4  }
0xd: {  	[smem:$0x3FAB] =	sst s5  }
0xe: {  	[smem:$0x3FAC] =	sst s6  }
0xf: {  	[smem:$0x3FAD] =	sst s7  }
0x10: {  	[smem:$0x3FAE] =	sst s8  }
0x11: {  	[smem:$0x3FAF] =	sst s9;
	s0 =	simm.s32 @!p0 $0x0  }
0x12: {  	s1 =	sld [smem:$0x3F95];
	s0 =	simm.s32 @p0 $0x1  }
0x13: {  	[smem:$0x3FB0] =	sst s0;
	s0 =	simm.s32 @!p1 $0x0  }
0x14: {  	s2 =	sld [smem:$0x3F94];
	s0 =	simm.s32 @p1 $0x1  }
0x15: {  	[smem:$0x3FB1] =	sst s0;
	s0 =	simm.s32 @!p2 $0x0  }
0x16: {  	s3 =	sld [smem:$0x3FDB];
	s0 =	simm.s32 @p2 $0x1  }
0x17: {  	s4 =	simm.s32 $0x1BF5;
	[smem:$0x3FB3] =	sst s0  }
0x18: {  	s0 =	sld [smem:$0x3F96];
	_ =	swait.ge [sflag:s4], $0x0  }
0x19: {  	s7 =	sld [smem:$0x3F97]  }
0x1a: {  	s8 =	sadd.s32 $0xFFFFE003, lr  }
0x1b: {  	s9 =	sadd.s32 $0xFFFFFEF7, lr;
	s5 =	simm.s32 $0xFFFFFFFF;
	p2 =	slt.u32 s8, $0xFFFFF086  }
0x1c: {  	p1 =	slt.u32 s9, $0xF7A;
	s5 =	simm.s32 @!p2 $0x0  }
0x1d: {  	s5 =	simm.s32 @p1 $0x1;
	p0 =	seq.s32 s7, s2  }
0x1e: {  	s7 =	smul.u32 @!p0 $0xF7A, s2;
	p2 =	seq.s32 @!p0 s5, $0x0  }
0x1f: {  	s9 =	smul.u32 $0xF7A, s1;
	s8 =	simm.s32 @!p0 $0x1BF5;
	p2 =	por !p2, p0  }
0x20: {  	[sflag:s8] =	ssyncset.s32 @!p0 $0xFFFFF086;
	s6 =	sadd.s32 @!p0 s3, s7;
	s7 =	simm.s32 @!p0 $0x108  }
0x21: {  	s3 =	sadd.s32 s3, s9;
	s6 =	sadd.s32 @!p0 $0x88, s6;
	s7 =	simm.s32 @p2 $0x1082  }
0x22: {  	[simem:s7], [sflag:s8] =	dma.local @!p0 [hbm:s6], $0xF7A  }
0x23: {  	s9 =	sor.u32 $0xD0000000, s2;
	s6 =	simm.s32 $0x108;
	_ =	swait.ge @!p0 [sflag:s8], $0x0  }
0x24: {  	s3 =	sadd.s32 $0x88, s3;
	s6 =	simm.s32 @!p1 $0x1082;
	[sflag:s4] =	ssyncset.s32 $0xFFFFF086  }
0x25: {  	[simem:s6], [sflag:s4] =	dma.local [hbm:s3], $0xF7A  }
0x26: {  	[smem:$0x3F97] =	sst s1;
	(tag) =	ssettag s2;
	_ =	strace s9  }
0x27: {  	s1 =	sld [smem:$0x3FA7]  }
0x28: {  	s2 =	sld [smem:$0x3FA8]  }
0x29: {  	s4 =	sld [smem:$0x3FAA]  }
0x2a: {  	p0 =	seq.s32 s5, $0x0;
	s5 =	sld [smem:$0x3FAB]  }
0x2b: {  	s6 =	sld [smem:$0x3FAC]  }
0x2c: {  	s7 =	sld [smem:$0x3FAD]  }
0x2d: {  	s3 =	simm.s32 $0x108;
	s8 =	sld [smem:$0x3FAE]  }
0x2e: {  	s3 =	simm.s32 @!p0 $0x1082;
	s9 =	sld [smem:$0x3FAF]  }
0x2f: {  	lr =	sadd.s32 s0, s3;
	s0 =	sld [smem:$0x3FA6]  }
0x30: {  	s3 =	sld [smem:$0x3FA9]  }
0x31: {  	[smem:$0x3FB2] =	sst s10  }
0x32: {  	s10 =	sld [smem:$0x3FB0];
	_ =	sdelay $0x3  }
0x33: {  	p0 =	seq.s32 s10, $0x1;
	s10 =	sld [smem:$0x3FB2];
	_ =	sdelay $0x3  }
0x34: {  	[smem:$0x3FB2] =	sst s10  }
0x35: {  	s10 =	sld [smem:$0x3FB1];
	_ =	sdelay $0x3  }
0x36: {  	p1 =	seq.s32 s10, $0x1;
	s10 =	sld [smem:$0x3FB2];
	_ =	sdelay $0x3  }
0x37: {  	[smem:$0x3FB2] =	sst s10  }
0x38: {  	s10 =	sld [smem:$0x3FB3]  }
0x39: {  	_ = 	snop;
	(pc) =	sbr.ind lr, $3  }
0x3a: {  	_ = 	snop  }
0x3b: {  	_ = 	snop  }
0x3c: {  	p2 =	seq.s32 s10, $0x1;
	s10 =	sld [smem:$0x3FB2]  }
0x3d: {  	_ =	shalt  }
0x3e: {  	_ =	shalt  }
0x3f: {  	_ =	shalt  }
0x40: {  	_ =	shalt  }
0x41: {  	_ =	shalt  }
0x42: {  	_ =	shalt  }
0x43: {  	_ =	shalt  }
0x44: {  	_ =	shalt  }
0x45: {  	_ =	shalt  }
0x46: {  	_ =	shalt  }
0x47: {  	_ =	shalt  }
0x48: {  	_ =	shalt  }
0x49: {  	_ =	shalt  }
0x4a: {  	_ =	shalt  }
0x4b: {  	_ =	shalt  }
0x4c: {  	_ =	shalt  }
0x4d: {  	_ =	shalt  }
0x4e: {  	_ =	shalt  }
0x4f: {  	_ =	shalt  }
0x50: {  	_ =	shalt  }
0x51: {  	_ =	shalt  }
0x52: {  	_ =	shalt  }
0x53: {  	_ =	shalt  }
0x54: {  	_ =	shalt  }
0x55: {  	_ =	shalt  }
0x56: {  	_ =	shalt  }
0x57: {  	_ =	shalt  }
0x58: {  	_ =	shalt  }
0x59: {  	_ =	shalt  }
0x5a: {  	_ =	shalt  }
0x5b: {  	_ =	shalt  }
0x5c: {  	_ =	shalt  }
0x5d: {  	_ =	shalt  }
0x5e: {  	_ =	shalt  }
0x5f: {  	_ =	shalt  }
0x60: {  	_ =	shalt  }
0x61: {  	_ =	shalt  }
0x62: {  	_ =	shalt  }
0x63: {  	_ =	shalt  }
0x64: {  	_ =	shalt  }
0x65: {  	_ =	shalt  }
0x66: {  	_ =	shalt  }
0x67: {  	_ =	shalt  }
0x68: {  	_ =	shalt  }
0x69: {  	_ =	shalt  }
0x6a: {  	_ =	shalt  }
0x6b: {  	_ =	shalt  }
0x6c: {  	_ =	shalt  }
0x6d: {  	_ =	shalt  }
0x6e: {  	_ =	shalt  }
0x6f: {  	_ =	shalt  }
0x70: {  	_ =	shalt  }
0x71: {  	_ =	shalt  }
0x72: {  	_ =	shalt  }
0x73: {  	_ =	shalt  }
0x74: {  	_ =	shalt  }
0x75: {  	_ =	shalt  }
0x76: {  	_ =	shalt  }
0x77: {  	_ =	shalt  }
0x78: {  	_ =	shalt  }
0x79: {  	_ =	shalt  }
0x7a: {  	_ =	shalt  }
0x7b: {  	_ =	shalt  }
0x7c: {  	_ =	shalt  }
0x7d: {  	_ =	shalt  }
0x7e: {  	_ =	shalt  }
0x7f: {  	_ =	shalt  }
0x80: {  	_ =	shalt  }
0x81: {  	_ =	shalt  }
0x82: {  	_ =	shalt  }
0x83: {  	_ =	shalt  }
0x84: {  	_ =	shalt  }
0x85: {  	_ =	shalt  }
0x86: {  	_ =	shalt  }
0x87: {  	_ =	shalt  }
.Lfunc_end0:
.L_simem_size_0:
called_computation_lowered:
.L_overlay_start_0:
0x88: {  	s2 =	sld [smem:$0x3FD9]  }
0x89: {  	s3 =	sld [smem:$0x3FFE];
	_ =	sdelay $0x1  }
0x8a: {  	s1 =	srdreg.scid  }
0x8b: {  	s0 =	sand.u32 $0x1, s1  }
0x8c: {  	s17 =	sshll.u32 s0, $0xA;
	s2 =	sadd.s32 s3, s2  }
0x8d: {  	s2 =	sadd.s32 s2, s17  }
0x8e: {  	[smem:$0x3FBE] =	sst s2  }
0x8f: {  	_ = 	snop  }
0x90: {  	s2 =	sld [smem:$0x3FC9]  }
0x91: {  	s18 =	sld [smem:$0x3FD0];
	(tm) =	ssettm $0x1  }
0x92: {  	s4 =	sld [smem:$0x3FFB];
	_ =	sdelay $0x3  }
0x93: {  	_ =	strace s4  }
0x94: {  	s4 =	sld [smem:$0x3FFC];
	_ =	sdelay $0x3  }
0x95: {  	_ =	strace s4  }
0x96: {  	s4 =	sld [smem:$0x3FFD];
	_ =	sdelay $0x3  }
0x97: {  	_ =	strace s4  }
0x98: {  	_ =	strace $0x8FFFFFFF  }
0x99: {  	s19 =	sld [smem:$0x3FDB];
	_ =	sdelay $0x1  }
0x9a: {  	s5 =	simm.s32 $_scs_section_size  }
0x9b: {  	s6 =	simm.s32 $_size__tile_overlayer_lowered;
	s7 =	simm.s32 $_tile_overlayer_lowered  }
0x9c: {  	s22 =	simm.s32 $0x1BFF;
	s21 =	sshll.u32 s7, $0x1;
	s4 =	sadd.s32 s5, s19  }
0x9d: {  	s8 =	simm.s32 $0x0;
	s20 =	sshll.u32 s6, $0x1;
	s6 =	sadd.s32 s21, s4  }
0x9e: {  	[timem:s8], [sflag:s22] =	dma.local [hbm:s6], s20  }
0x9f: {  	_ =	swait.ge [sflag:s22], s20  }
0xa0: {  	s5 =	ssub.s32 $0x0, s20;
	[sflag:s22] =	ssyncset.done $0x0  }
0xa1: {  	[sflag:s22] =	ssyncadd.s32 s5;
	_ =	sdelay $0x1  }
0xa2: {  	s23 =	simm.s32 $0x1B8B  }
0xa3: {  	_ =	swait.ge [sflag:s23], $0x1  }
0xa4: {  	[sflag:s23] =	ssyncset.done $0x0  }
0xa5: {  	s25 =	simm.s32 $0x1B8E;
	s24 =	sld [smem:$0x3FFE];
	[sflag:s23] =	ssyncadd.s32 $0xFFFFFFFF  }
0xa6: {  	s26 =	simm.s32 $execute0_lowered;
	[smem:$0x3FD2] =	sst s25  }
0xa7: {  	s6 =	sshll.u32 s26, $0x1;
	_ =	strace $0x80000046;
	[dreg:$0x1] =	wrdreg $0xFFFFFFFF  }
0xa8: {  	s28 =	simm.s32 $_size_execute0_lowered;
	s4 =	sadd.s32 s4, s6;
	[dreg:$0x0] =	wrdreg $0x0  }
0xa9: {  	s6 =	sshll.u32 s28, $0x1;
	[dreg:$0x2] =	wrdreg s4  }
0xaa: {  	[dreg:$0x3] =	wrdreg s6  }
0xab: {  	[dreg:$0x4] =	wrdreg $0xC0  }
0xac: {  	_ =	task [dreg:s8], $0x5FFFF  }
0xad: {  	[dreg:$0x1] =	wrdreg $0xFFFFFFFF  }
0xae: {  	[dreg:$0x0] =	wrdreg $0x60  }
0xaf: {  	[dreg:$0x2] =	wrdreg s2  }
0xb0: {  	[dreg:$0x3] =	wrdreg s24  }
0xb1: {  	[dreg:$0x4] =	wrdreg s18  }
0xb2: {  	[dreg:$0x5] =	wrdreg $0xA7000  }
0xb3: {  	[dreg:$0x6] =	wrdreg $0x1DF800  }
0xb4: {  	[dreg:$0x7] =	wrdreg $0x9  }
0xb5: {  	_ =	task.clear_ibuf [dreg:s8], $0x8FFFF;
	_ =	strace $0x90000046  }
0xb6: {  	s29 =	simm.s32 $0x9;
	_ =	strace $0x80000048  }
0xb7: {  	_ =	swait.ge [sflag:s29], $0x1  }
0xb8: {  	[sflag:s29] =	ssyncadd.s32 $0xFFFFFFFF  }
0xb9: {  	_ =	strace $0x90000048  }
0xba: {  	_ =	sfence  }
0xbb: {  	s30 =	sld [smem:$0x0];
	_ =	sdelay $0x2  }
0xbc: {  	s31 =	sshll.u32 s1, $0xD;
	s1 =	sshrl.u32 s1, $0x2  }
0xbd: {  	s3 =	sand.u32 $0x4000, s31;
	s1 =	sadd.s32 s1, s30  }
0xbe: {  	s0 =	sor.u32 s3, s0;
	s1 =	sshll.u32 s1, $0x11  }
0xbf: {  	s0 =	sor.u32 s1, s0  }
0xc0: {  	s0 =	sadd.s32 $0x8F2B, s0  }
0xc1: {  	[sflag:s0] =	ssyncadd.remote.s32 $0x1  }
0xc2: {  	_ =	sfence.sel $0xFFFF  }
0xc3: {  	[dreg:$0x0] =	wrdreg $0xFFFFFFFF;
	(pc) =	sbr.abs _section_cstart, $3  }
0xc4: {  	[dreg:$0x1] =	wrdreg $0xFFFFFFFF  }
0xc5: {  	_ =	task.clear_ibuf [dreg:s8], $0x2FFFF;
	_ =	strace $0x9FFFFFFF  }
0xc6: {  	(tm) =	ssettm $0x7FFFFFFF  }
0xc7: {  	_ =	shalt  }
tec
execute0_lowered:
.L_overlay_start_1:
0x0: {  	(tag) =	ssettag $0x1  }
0x1: {  	s1 =	rddreg [dreg:$0x0]  }
0x2: {  	s0 =	rddreg [dreg:$0x1]  }
0x3: {  	s6 =	rddreg [dreg:$0x2]  }
0x4: {  	s3 =	rddreg [dreg:$0x3]  }
0x5: {  	s4 =	rddreg [dreg:$0x4]  }
0x6: {  	s5 =	simm.s32 $0x0;
	s18 =	srdreg.scid;
	s16 =	stileid.u32  }
0x7: {  	s24 =	simm.s32 $0x5;
	[smem:$0x7FF] =	sst s5;
	s15 =	sadd.s32 $0xE00, s0  }
0x8: {  	s2 =	sadd.s32 $0xB400, s0;
	s17 =	sadd.s32 $0xAE00, s0;
	s7 =	sadd.s32 $0xAC00, s0  }
0x9: {  	s11 =	sadd.s32 $0x33000, s0;
	s8 =	sshll.u32 s16, $0x1;
	s10 =	smul.u32 $0x280, s16  }
0xa: {  	p0 =	seq.s32 s16, $0xF;
	_ =	strace $0x80000047;
	[dreg:$0x7] =	wrdreg s2  }
0xb: {  	s0 =	sadd.s32 $0x32600, s0;
	s14 =	smul.u32 $0x4E20, s16;
	[dreg:$0x8] =	wrdreg s17  }
0xc: {  	s26 =	smul.u32 $0x14000, s16;
	s29 =	sadd.s32 $0x2580, s4;
	[dreg:$0x9] =	wrdreg s7  }
0xd: {  	s2 =	sand.u32 $0x1, s18;
	s24 =	simm.s32 @!p0 $0x8;
	[dreg:$0x6] =	wrdreg s15  }
0xe: {  	[smem:$0x7FD] =	sst s29;
	s19 =	ssub.s32 $0x2, s2;
	s20 =	smul.u32 $0x2710, s2  }
0xf: {  	s8 =	sor.u32 s2, s8;
	s25 =	sadd.s32 s10, s4;
	s2 =	smul.u32 $0x138800, s2  }
0x10: {  	[dreg:$0xa] =	wrdreg s24;
	s9 =	sshrl.u32 s19, $0x1;
	s8 =	smul.u32 $0x2710, s8  }
0x11: {  	[dreg:$0xb] =	wrdreg s25;
	s7 =	ssub.s32 s19, s9;
	s10 =	sadd.s32 s10, s20  }
0x12: {  	s23 =	sshrl.u32 s20, $0x3;
	s9 =	sadd.s32 s20, s14;
	s2 =	sadd.s32 s26, s2  }
0x13: {  	s14 =	smul.u32 $0x50000, s16;
	s8 =	sshrl.u32 s8, $0x3;
	s10 =	sshrl.u32 s10, $0x3  }
0x14: {  	[dreg:$0x11] =	wrdreg s2;
	s16 =	sadd.s32 $0x230, s9;
	s17 =	smax.u32 s7, $0x1  }
0x15: {  	s20 =	sadd.s32 $0x1E0, s9;
	s12 =	sadd.s32 s15, s8;
	s21 =	sadd.s32 s6, s8  }
0x16: {  	s22 =	sadd.s32 $0xA, s8;
	s10 =	sadd.s32 s0, s10;
	[dreg:$0x17] =	wrdreg s17  }
0x17: {  	s0 =	sadd.s32 s0, s23;
	s30 =	sadd.s32 $0x14, s8;
	[dreg:$0xc] =	wrdreg s12  }
0x18: {  	s18 =	sshrl.u32 s14, $0x2;
	s14 =	simm.s32 $0x400;
	[dreg:$0xd] =	wrdreg s21  }
0x19: {  	s17 =	simm.s32 $0x200;
	s13 =	sadd.s32 s15, s22;
	[dreg:$0xf] =	wrdreg s10  }
0x1a: {  	s12 =	sadd.s32 s6, s22;
	s31 =	sadd.s32 s15, s30;
	s10 =	sadd.s32 $0x1E, s8  }
0x1b: {  	s0 =	sadd.s32 $0x4B0, s0;
	s28 =	sadd.s32 s18, s3;
	[dreg:$0xe] =	wrdreg s13  }
0x1c: {  	s21 =	sshrl.u32 s20, $0x3;
	s22 =	sadd.s32 $0x190, s9;
	[dreg:$0x10] =	wrdreg s12  }
0x1d: {  	s18 =	simm.s32 $0x1;
	s20 =	simm.s32 $0x50;
	[dreg:$0x12] =	wrdreg s31  }
0x1e: {  	s8 =	simm.s32 $0xB;
	s12 =	sadd.s32 s6, s30;
	[dreg:$0x16] =	wrdreg s0  }
0x1f: {  	s13 =	sadd.s32 s15, s10;
	s2 =	sadd.s32 s6, s10;
	[dreg:$0x18] =	wrdreg s28  }
0x20: {  	s0 =	sshrl.u32 s16, $0x3;
	s23 =	sadd.s32 s21, s6;
	[dreg:$0x13] =	wrdreg s12  }
0x21: {  	s31 =	sadd.s32 $0x140, s9;
	s9 =	simm.s32 $0x5;
	[dreg:$0x14] =	wrdreg s13  }
0x22: {  	s16 =	simm.s32 $0xA400;
	s10 =	simm.s32 $0x9;
	[dreg:$0x15] =	wrdreg s2  }
0x23: {  	s19 =	sadd.s32 s0, s6;
	s0 =	sadd.s32 s0, s15;
	[dreg:$0x1b] =	wrdreg s23  }
0x24: {  	s2 =	sshrl.u32 s22, $0x3;
	[dreg:$0x1f] =	wrdreg s31;
	s22 =	simm.s32 $0x280  }
0x25: {  	s13 =	simm.s32 $0x4;
	s12 =	simm.s32 $0x6;
	[dreg:$0x19] =	wrdreg s19  }
0x26: {  	s23 =	simm.s32 $0xA;
	[dreg:$0x1a] =	wrdreg s0;
	s0 =	sadd.s32 s21, s15  }
0x27: {  	s26 =	sadd.s32 s2, s6;
	s30 =	sadd.s32 s2, s15;
	[dreg:$0x1c] =	wrdreg s0  }
0x28: {  	s15 =	simm.s32 $0xD;
	s21 =	simm.s32 $0x180;
	[dreg:$0x1d] =	wrdreg s26  }
0x29: {  	s6 =	simm.s32 $0x0;
	[dreg:$0x1e] =	wrdreg s30;
	s26 =	simm.s32 $0xC  }
.LBB2_1:
0x2a: {  	[smem:$0x7FC] =	sst s6  }
0x2b: {  	s0 =	rddreg [dreg:$0x7]  }
0x2c: {  	[tilespmem:s14], [sflag:$0xD] =	stream.linear.gather [hbm4b:s0+s5], $0x2800, $0x38;
	[tilespmem:$0x1E1F8] =	vst v63  }
0x2d: {  	_ =	swait.ge [sflag:s15], $0x2800  }
0x2e: {  	[sflag:s15] =	ssyncset.done $0x0  }
0x2f: {  	s30 =	rddreg [dreg:$0x9];
	[sflag:s15] =	ssyncadd.s32 $0xFFFFD800  }
0x30: {  	[tilespmem:s16], [sflag:$0xD] =	stream.linear.gather [hbm4b:s30+s5], $0x80, $0x38;
	[tilespmem:$0x1E1F8] =	vst v63  }
0x31: {  	_ =	swait.ge [sflag:s15], $0x80  }
0x32: {  	[sflag:s15] =	ssyncset.done $0x0  }
0x33: {  	s2 =	simm.s32 $0xA480;
	s31 =	rddreg [dreg:$0x8];
	[sflag:s15] =	ssyncadd.s32 $0xFFFFFF80  }
0x34: {  	[tilespmem:s2], [sflag:$0xD] =	stream.linear.gather [hbm4b:s31+s5], $0x280, $0x38;
	[tilespmem:$0x1E1F8] =	vst v63  }
0x35: {  	p1 =	sne.s32 s24, $0x1;
	_ =	swait.ge [sflag:s15], $0x280  }
.Ltmp0:
0x36: {  	[sflag:s15] =	ssyncset.done $0x0;
	(pc) =	sbr.rel @!p1 .LBB2_3-.Ltmp0, $4  }
0x37: {  	[sflag:s15] =	ssyncadd.s32 $0xFFFFFD80  }
0x38: {  	[spmem:s28] =	stream.linear.scatter [tilespmem:s14], [sflag:$0xD], $0x2800, $0x38;
	[tilespmem:$0x1E1F8] =	vst v63  }
0x39: {  	_ =	swait.ge [sflag:s15], $0x2800  }
0x3a: {  	s19 =	smov.u32 s28;
	s2 =	sadd.s32 $0xFFFFFFFF, s24;
	[sflag:s15] =	ssyncset.done $0x0  }
.LBB2_2:
0x3b: {  	p2 =	sne.s32 s2, $0x1;
	[sflag:s15] =	ssyncadd.s32 $0xFFFFD800;
	s19 =	sadd.s32 $0x2800, s19  }
.Ltmp1:
0x3c: {  	s2 =	sadd.s32 $0xFFFFFFFF, s2;
	(pc) =	sbr.rel @p2 .LBB2_2-.Ltmp1, $4  }
0x3d: {  	_ = 	snop  }
0x3e: {  	[spmem:s19] =	stream.linear.scatter [tilespmem:s14], [sflag:$0xD], $0x2800, $0x38;
	[tilespmem:$0x1E1F8] =	vst v63  }
0x3f: {  	_ =	swait.ge [sflag:s15], $0x2800  }
0x40: {  	[sflag:s15] =	ssyncset.done $0x0  }
.LBB2_3:
0x41: {  	[sflag:s15] =	ssyncadd.s32 $0xFFFFD800;
	s2 =	simm.s32 @p0 $0xA480  }
0x42: {  	[spmem:s29] =	stream.linear.scatter @p0 [tilespmem:s2], [sflag:$0xD], $0x190, $0x38;
	[tilespmem:$0x1E1F8] =	vst v63  }
0x43: {  	s2 =	simm.s32 @p0 $0xD  }
0x44: {  	_ =	swait.ge @p0 [sflag:s2], $0x190  }
0x45: {  	[sflag:s2] =	ssyncset.done @p0 $0x0  }
0x46: {  	[sflag:s2] =	ssyncadd.s32 @p0 $0xFFFFFE70;
	s2 =	simm.s32 @!p0 $0xA480  }
0x47: {  	[spmem:s25] =	stream.linear.scatter @!p0 [tilespmem:s2], [sflag:$0xD], $0x280, $0x38;
	[tilespmem:$0x1E1F8] =	vst v63  }
0x48: {  	s2 =	simm.s32 @!p0 $0xD  }
0x49: {  	_ =	swait.ge @!p0 [sflag:s2], $0x280  }
0x4a: {  	[sflag:s2] =	ssyncset.done @!p0 $0x0  }
0x4b: {  	[sflag:s2] =	ssyncadd.s32 @!p0 $0xFFFFFD80  }
0x4c: {  	[bflag:$0x0] =	sbarrier.arrive $0xFFFF  }
0x4d: {  	s2 =	simm.s32 $0x0;
	s0 =	rddreg [dreg:$0xc]  }
0x4e: {  	[tilespmem:s2], [sflag:$0x1] =	stream.linear.gather [hbm4b:s0+s2], $0x50, $0x38;
	[tilespmem:$0x1E1F8] =	vst v63  }
0x4f: {  	s19 =	rddreg [dreg:$0xd]  }
0x50: {  	[tilespmem:s17], [sflag:$0x1] =	stream.linear.gather [hbm4b:s19+s2], $0x50, $0x38;
	[tilespmem:$0x1E1F8] =	vst v63  }
0x51: {  	_ =	swait.ge [sflag:s18], $0x50  }
0x52: {  	[sflag:s18] =	ssyncset.done $0x0  }
0x53: {  	[sflag:s18] =	ssyncadd.s32 $0xFFFFFFB0  }
0x54: {  	_ =	swait.ge [sflag:s18], $0x50  }
0x55: {  	[sflag:s18] =	ssyncset.done $0x0  }
0x56: {  	[sflag:s18] =	ssyncadd.s32 $0xFFFFFFB0  }
0x57: {  	[tilespmem:s14], [sflag:$0x5] =	stream.indirect.gather [hbm4b:s1+s20], $0x80, s2, s20, $0xb8;
	[tilespmem:$0x1E1F8] =	vst v63  }
0x58: {  	s6 =	simm.s32 $0x80;
	s24 =	rddreg [dreg:$0xe]  }
0x59: {  	[tilespmem:s6], [sflag:$0x2] =	stream.linear.gather [hbm4b:s24+s2], $0x50, $0x38;
	[tilespmem:$0x1E1F8] =	vst v63  }
0x5a: {  	s28 =	simm.s32 $0x2;
	s25 =	rddreg [dreg:$0x10]  }
0x5b: {  	[tilespmem:s22], [sflag:$0x2] =	stream.linear.gather [hbm4b:s25+s2], $0x50, $0x38;
	[tilespmem:$0x1E1F8] =	vst v63  }
0x5c: {  	_ =	swait.ge [sflag:s28], $0x50  }
0x5d: {  	[sflag:s28] =	ssyncset.done $0x0  }
0x5e: {  	[sflag:s28] =	ssyncadd.s32 $0xFFFFFFB0  }
0x5f: {  	_ =	swait.ge [sflag:s28], $0x50  }
0x60: {  	[sflag:s28] =	ssyncset.done $0x0  }
0x61: {  	s29 =	simm.s32 $0x2C00;
	[sflag:s28] =	ssyncadd.s32 $0xFFFFFFB0  }
0x62: {  	[tilespmem:s29], [sflag:$0x6] =	stream.indirect.gather [hbm4b:s1+s20], $0x80, s6, s20, $0xb8;
	[tilespmem:$0x1E1F8] =	vst v63  }
0x63: {  	s31 =	simm.s32 $0x100;
	s30 =	rddreg [dreg:$0x12]  }
0x64: {  	[tilespmem:s31], [sflag:$0x3] =	stream.linear.gather [hbm4b:s30+s2], $0x50, $0x38;
	[tilespmem:$0x1E1F8] =	vst v63  }
0x65: {  	s7 =	simm.s32 $0x300;
	s24 =	simm.s32 $0x3;
	s19 =	rddreg [dreg:$0x13]  }
0x66: {  	[tilespmem:s7], [sflag:$0x3] =	stream.linear.gather [hbm4b:s19+s2], $0x50, $0x38;
	[tilespmem:$0x1E1F8] =	vst v63  }
0x67: {  	_ =	swait.ge [sflag:s24], $0x50  }
0x68: {  	[sflag:s24] =	ssyncset.done $0x0  }
0x69: {  	[sflag:s24] =	ssyncadd.s32 $0xFFFFFFB0  }
0x6a: {  	_ =	swait.ge [sflag:s24], $0x50  }
0x6b: {  	[sflag:s24] =	ssyncset.done $0x0  }
0x6c: {  	s25 =	simm.s32 $0x5400;
	[sflag:s24] =	ssyncadd.s32 $0xFFFFFFB0  }
0x6d: {  	[tilespmem:s25], [sflag:$0x7] =	stream.indirect.gather [hbm4b:s1+s20], $0x80, s31, s20, $0xb8;
	[tilespmem:$0x1E1F8] =	vst v63  }
0x6e: {  	s28 =	rddreg [dreg:$0x14]  }
0x6f: {  	[tilespmem:s21], [sflag:$0x4] =	stream.linear.gather [hbm4b:s28+s2], $0x50, $0x38;
	[tilespmem:$0x1E1F8] =	vst v63  }
0x70: {  	s30 =	simm.s32 $0x380;
	s29 =	rddreg [dreg:$0x15]  }
0x71: {  	[tilespmem:s30], [sflag:$0x4] =	stream.linear.gather [hbm4b:s29+s2], $0x50, $0x38;
	[tilespmem:$0x1E1F8] =	vst v63  }
0x72: {  	_ =	swait.ge [sflag:s13], $0x50  }
0x73: {  	[sflag:s13] =	ssyncset.done $0x0  }
0x74: {  	[sflag:s13] =	ssyncadd.s32 $0xFFFFFFB0  }
0x75: {  	_ =	swait.ge [sflag:s13], $0x50  }
0x76: {  	[sflag:s13] =	ssyncset.done $0x0  }
0x77: {  	s31 =	simm.s32 $0x7C00;
	s25 =	rddreg [dreg:$0x1f];
	[sflag:s13] =	ssyncadd.s32 $0xFFFFFFB0  }
0x78: {  	[tilespmem:s31], [sflag:$0x8] =	stream.indirect.gather [hbm4b:s1+s20], $0x80, s21, s20, $0xb8;
	[tilespmem:$0x1E1F8] =	vst v63  }
.LBB2_4:
0x79: {  	_ =	swait.ge [sflag:s9], $0x2800  }
0x7a: {  	[sflag:s9] =	ssyncset.done $0x0  }
0x7b: {  	[sflag:s9] =	ssyncadd.s32 $0xFFFFD800  }
0x7c: {  	[spmem:s3] =	stream.indirect.scatter.add.f32 [tilespmem:s14], [sflag:$0x9], $0x80, s17, s20, $0xb8;
	[tilespmem:$0x1E1F8] =	vst v63  }
0x7d: {  	_ = 	snop  }
0x7e: {  	[spmem:s4] =	stream.indirect.scatter.add.f32 [tilespmem:s16], [sflag:$0x9], $0x1, s17, s20, $0xb8;
	[tilespmem:$0x1E1F8] =	vst v63  }
0x7f: {  	_ =	swait.ge [sflag:s10], $0x2800  }
0x80: {  	[sflag:s10] =	ssyncset.done $0x0  }
0x81: {  	[sflag:s10] =	ssyncadd.s32 $0xFFFFD800  }
0x82: {  	_ =	swait.ge [sflag:s10], $0x50  }
0x83: {  	s19 =	sshrl.u32 s25, $0x3;
	[sflag:s10] =	ssyncset.done $0x0;
	s0 =	rddreg [dreg:$0x6]  }
0x84: {  	[sflag:s10] =	ssyncadd.s32 $0xFFFFFFB0;
	s24 =	sadd.s32 s0, s19  }
0x85: {  	[tilespmem:s5], [sflag:$0x1] =	stream.linear.gather [hbm4b:s24+s5], $0x50, $0x38;
	[tilespmem:$0x1E1F8] =	vst v63  }
0x86: {  	s30 =	rddreg [dreg:$0x2]  }
0x87: {  	s19 =	sadd.s32 s30, s19  }
0x88: {  	[tilespmem:s17], [sflag:$0x1] =	stream.linear.gather [hbm4b:s19+s5], $0x50, $0x38;
	[tilespmem:$0x1E1F8] =	vst v63  }
0x89: {  	_ =	swait.ge [sflag:s12], $0x2800  }
0x8a: {  	[sflag:s12] =	ssyncset.done $0x0  }
0x8b: {  	s31 =	simm.s32 $0x2C00;
	[sflag:s12] =	ssyncadd.s32 $0xFFFFD800  }
0x8c: {  	[spmem:s3] =	stream.indirect.scatter.add.f32 [tilespmem:s31], [sflag:$0xA], $0x80, s22, s20, $0xb8;
	[tilespmem:$0x1E1F8] =	vst v63  }
0x8d: {  	_ = 	snop  }
0x8e: {  	[spmem:s4] =	stream.indirect.scatter.add.f32 [tilespmem:s16], [sflag:$0xA], $0x1, s22, s20, $0xb8;
	[tilespmem:$0x1E1F8] =	vst v63  }
0x8f: {  	_ =	swait.ge [sflag:s18], $0x50  }
0x90: {  	[sflag:s18] =	ssyncset.done $0x0  }
0x91: {  	[sflag:s18] =	ssyncadd.s32 $0xFFFFFFB0  }
0x92: {  	_ =	swait.ge [sflag:s18], $0x50  }
0x93: {  	[sflag:s18] =	ssyncset.done $0x0  }
0x94: {  	[sflag:s18] =	ssyncadd.s32 $0xFFFFFFB0  }
0x95: {  	[tilespmem:s14], [sflag:$0x5] =	stream.indirect.gather [hbm4b:s1+s20], $0x80, s5, s20, $0xb8;
	[tilespmem:$0x1E1F8] =	vst v63  }
0x96: {  	_ =	swait.ge [sflag:s23], $0x2800  }
0x97: {  	[sflag:s23] =	ssyncset.done $0x0  }
0x98: {  	[sflag:s23] =	ssyncadd.s32 $0xFFFFD800  }
0x99: {  	_ =	swait.ge [sflag:s23], $0x50  }
0x9a: {  	p2 =	seq.s32 s2, $0x4B0;
	[sflag:s23] =	ssyncset.done $0x0  }
0x9b: {  	s19 =	simm.s32 @p2 $0x7;
	[sflag:s23] =	ssyncadd.s32 $0xFFFFFFB0  }
0x9c: {  	_ =	swait.ge @p2 [sflag:s19], $0x2800  }
0x9d: {  	s6 =	simm.s32 @p2 $0x5400;
	[sflag:s19] =	ssyncset.done @p2 $0x0  }
0x9e: {  	s24 =	simm.s32 @p2 $0x300;
	[sflag:s19] =	ssyncadd.s32 @p2 $0xFFFFD800;
	s19 =	simm.s32 @p2 $0x50  }
0x9f: {  	[spmem:s3] =	stream.indirect.scatter.add.f32 @p2 [tilespmem:s6], [sflag:$0xB], $0x80, s24, s19, $0xb8;
	[tilespmem:$0x1E1F8] =	vst v63  }
0xa0: {  	s28 =	simm.s32 @!p2 $0x0;
	s0 =	rddreg [dreg:$0x1e];
	s6 =	simm.s32 @p2 $0xA400  }
0xa1: {  	[spmem:s4] =	stream.indirect.scatter.add.f32 @p2 [tilespmem:s6], [sflag:$0xB], $0x1, s24, s19, $0xb8;
	[tilespmem:$0x1E1F8] =	vst v63  }
0xa2: {  	s29 =	simm.s32 @!p2 $0x80;
	s24 =	sadd.s32 @!p2 s2, s0;
	s0 =	rddreg [dreg:$0x1d]  }
0xa3: {  	[tilespmem:s29], [sflag:$0x2] =	stream.linear.gather @!p2 [hbm4b:s24+s28], $0x50, $0x38;
	[tilespmem:$0x1E1F8] =	vst v63  }
0xa4: {  	s30 =	simm.s32 @!p2 $0x280;
	s24 =	sadd.s32 @!p2 s2, s0  }
0xa5: {  	[tilespmem:s30], [sflag:$0x2] =	stream.linear.gather @!p2 [hbm4b:s24+s28], $0x50, $0x38;
	[tilespmem:$0x1E1F8] =	vst v63  }
0xa6: {  	s24 =	simm.s32 @!p2 $0x7  }
0xa7: {  	_ =	swait.ge @!p2 [sflag:s24], $0x2800  }
0xa8: {  	s31 =	simm.s32 @!p2 $0x5400;
	[sflag:s24] =	ssyncset.done @!p2 $0x0  }
0xa9: {  	s30 =	simm.s32 @!p2 $0x300;
	[sflag:s24] =	ssyncadd.s32 @!p2 $0xFFFFD800;
	s24 =	simm.s32 @!p2 $0x50  }
0xaa: {  	[spmem:s3] =	stream.indirect.scatter.add.f32 @!p2 [tilespmem:s31], [sflag:$0xB], $0x80, s30, s24, $0xb8;
	[tilespmem:$0x1E1F8] =	vst v63  }
0xab: {  	s7 =	simm.s32 @!p2 $0x2;
	s0 =	simm.s32 @!p2 $0xA400  }
0xac: {  	[spmem:s4] =	stream.indirect.scatter.add.f32 @!p2 [tilespmem:s0], [sflag:$0xB], $0x1, s30, s24, $0xb8;
	[tilespmem:$0x1E1F8] =	vst v63  }
0xad: {  	_ =	swait.ge @!p2 [sflag:s7], $0x50  }
0xae: {  	[sflag:s7] =	ssyncset.done @!p2 $0x0  }
0xaf: {  	[sflag:s7] =	ssyncadd.s32 @!p2 $0xFFFFFFB0  }
0xb0: {  	_ =	swait.ge @!p2 [sflag:s7], $0x50  }
0xb1: {  	[sflag:s7] =	ssyncset.done @!p2 $0x0  }
0xb2: {  	[sflag:s7] =	ssyncadd.s32 @!p2 $0xFFFFFFB0;
	s7 =	simm.s32 @!p2 $0x2C00  }
0xb3: {  	[tilespmem:s7], [sflag:$0x6] =	stream.indirect.gather @!p2 [hbm4b:s1+s24], $0x80, s29, s24, $0xb8;
	[tilespmem:$0x1E1F8] =	vst v63  }
0xb4: {  	_ =	swait.ge [sflag:s8], $0x2800  }
0xb5: {  	[sflag:s8] =	ssyncset.done $0x0  }
0xb6: {  	[sflag:s8] =	ssyncadd.s32 $0xFFFFD800  }
0xb7: {  	_ =	swait.ge [sflag:s8], $0x50  }
0xb8: {  	[sflag:s8] =	ssyncset.done $0x0  }
0xb9: {  	s7 =	simm.s32 @p2 $0x8;
	[sflag:s8] =	ssyncadd.s32 $0xFFFFFFB0  }
0xba: {  	_ =	swait.ge @p2 [sflag:s7], $0x2800  }
0xbb: {  	[sflag:s7] =	ssyncset.done @p2 $0x0  }
0xbc: {  	s29 =	simm.s32 @p2 $0x7C00;
	[sflag:s7] =	ssyncadd.s32 @p2 $0xFFFFD800;
	s7 =	simm.s32 @p2 $0x380  }
0xbd: {  	[spmem:s3] =	stream.indirect.scatter.add.f32 @p2 [tilespmem:s29], [sflag:$0xC], $0x80, s7, s19, $0xb8;
	[tilespmem:$0x1E1F8] =	vst v63  }
0xbe: {  	_ = 	snop  }
0xbf: {  	[spmem:s4] =	stream.indirect.scatter.add.f32 @p2 [tilespmem:s6], [sflag:$0xC], $0x1, s7, s19, $0xb8;
	[tilespmem:$0x1E1F8] =	vst v63  }
0xc0: {  	s6 =	rddreg [dreg:$0x1c]  }
0xc1: {  	s7 =	simm.s32 @!p2 $0x100;
	s6 =	sadd.s32 @!p2 s2, s6  }
0xc2: {  	[tilespmem:s7], [sflag:$0x3] =	stream.linear.gather @!p2 [hbm4b:s6+s28], $0x50, $0x38;
	[tilespmem:$0x1E1F8] =	vst v63  }
0xc3: {  	s6 =	rddreg [dreg:$0x1b]  }
0xc4: {  	s6 =	sadd.s32 @!p2 s2, s6  }
0xc5: {  	[tilespmem:s30], [sflag:$0x3] =	stream.linear.gather @!p2 [hbm4b:s6+s28], $0x50, $0x38;
	[tilespmem:$0x1E1F8] =	vst v63  }
0xc6: {  	s6 =	simm.s32 @!p2 $0x8  }
0xc7: {  	_ =	swait.ge @!p2 [sflag:s6], $0x2800  }
0xc8: {  	[sflag:s6] =	ssyncset.done @!p2 $0x0  }
0xc9: {  	s19 =	simm.s32 @!p2 $0x7C00;
	[sflag:s6] =	ssyncadd.s32 @!p2 $0xFFFFD800;
	s6 =	simm.s32 @!p2 $0x380  }
0xca: {  	[spmem:s3] =	stream.indirect.scatter.add.f32 @!p2 [tilespmem:s19], [sflag:$0xC], $0x80, s6, s24, $0xb8;
	[tilespmem:$0x1E1F8] =	vst v63  }
0xcb: {  	_ = 	snop  }
0xcc: {  	[spmem:s4] =	stream.indirect.scatter.add.f32 @!p2 [tilespmem:s0], [sflag:$0xC], $0x1, s6, s24, $0xb8;
	[tilespmem:$0x1E1F8] =	vst v63  }
0xcd: {  	s0 =	simm.s32 @!p2 $0x3  }
0xce: {  	_ =	swait.ge @!p2 [sflag:s0], $0x50  }
0xcf: {  	[sflag:s0] =	ssyncset.done @!p2 $0x0  }
0xd0: {  	[sflag:s0] =	ssyncadd.s32 @!p2 $0xFFFFFFB0  }
0xd1: {  	_ =	swait.ge @!p2 [sflag:s0], $0x50  }
0xd2: {  	[sflag:s0] =	ssyncset.done @!p2 $0x0  }
0xd3: {  	[sflag:s0] =	ssyncadd.s32 @!p2 $0xFFFFFFB0  }
0xd4: {  	[tilespmem:s31], [sflag:$0x7] =	stream.indirect.gather @!p2 [hbm4b:s1+s24], $0x80, s7, s24, $0xb8;
	[tilespmem:$0x1E1F8] =	vst v63  }
0xd5: {  	_ =	swait.ge [sflag:s26], $0x2800  }
.Ltmp2:
0xd6: {  	[sflag:s26] =	ssyncset.done $0x0;
	(pc) =	sbr.rel @p2 .LBB2_6-.Ltmp2, $4  }
0xd7: {  	[sflag:s26] =	ssyncadd.s32 $0xFFFFD800  }
0xd8: {  	_ =	swait.ge [sflag:s26], $0x50  }
0xd9: {  	[sflag:s26] =	ssyncset.done $0x0  }
0xda: {  	[sflag:s26] =	ssyncadd.s32 $0xFFFFFFB0  }
0xdb: {  	s0 =	rddreg [dreg:$0x1a]  }
0xdc: {  	s30 =	rddreg [dreg:$0x19];
	s0 =	sadd.s32 s2, s0  }
0xdd: {  	[tilespmem:s21], [sflag:$0x4] =	stream.linear.gather [hbm4b:s0+s5], $0x50, $0x38;
	[tilespmem:$0x1E1F8] =	vst v63  }
0xde: {  	s6 =	simm.s32 $0x380;
	s0 =	sadd.s32 s2, s30  }
0xdf: {  	[tilespmem:s6], [sflag:$0x4] =	stream.linear.gather [hbm4b:s0+s5], $0x50, $0x38;
	[tilespmem:$0x1E1F8] =	vst v63  }
0xe0: {  	_ =	swait.ge [sflag:s13], $0x50  }
0xe1: {  	[sflag:s13] =	ssyncset.done $0x0  }
.Ltmp3:
0xe2: {  	[sflag:s13] =	ssyncadd.s32 $0xFFFFFFB0;
	(pc) =	sbr.rel .LBB2_4-.Ltmp3, $4  }
0xe3: {  	_ =	swait.ge [sflag:s13], $0x50  }
0xe4: {  	s31 =	simm.s32 $0x7C00;
	[sflag:s13] =	ssyncset.done $0x0  }
0xe5: {  	s25 =	sadd.s32 $0x140, s25;
	s2 =	sadd.s32 $0x28, s2;
	[sflag:s13] =	ssyncadd.s32 $0xFFFFFFB0  }
0xe6: {  	[tilespmem:s31], [sflag:$0x8] =	stream.indirect.gather [hbm4b:s1+s20], $0x80, s21, s20, $0xb8;
	[tilespmem:$0x1E1F8] =	vst v63  }
.LBB2_6:
0xe7: {  	_ =	swait.ge [sflag:s9], $0x2800  }
0xe8: {  	[sflag:s9] =	ssyncset.done $0x0  }
0xe9: {  	[sflag:s9] =	ssyncadd.s32 $0xFFFFD800  }
0xea: {  	[spmem:s3] =	stream.indirect.scatter.add.f32 [tilespmem:s14], [sflag:$0x9], $0x80, s17, s20, $0xb8;
	[tilespmem:$0x1E1F8] =	vst v63  }
0xeb: {  	_ = 	snop  }
0xec: {  	[spmem:s4] =	stream.indirect.scatter.add.f32 [tilespmem:s16], [sflag:$0x9], $0x1, s17, s20, $0xb8;
	[tilespmem:$0x1E1F8] =	vst v63  }
0xed: {  	_ =	swait.ge [sflag:s10], $0x2800  }
0xee: {  	[sflag:s10] =	ssyncset.done $0x0  }
0xef: {  	[sflag:s10] =	ssyncadd.s32 $0xFFFFD800  }
0xf0: {  	_ =	swait.ge [sflag:s10], $0x50  }
0xf1: {  	[sflag:s10] =	ssyncset.done $0x0  }
0xf2: {  	[sflag:s10] =	ssyncadd.s32 $0xFFFFFFB0  }
0xf3: {  	[bflag:$0x0] =	sbarrier.arrive $0xFFFF  }
0xf4: {  	s28 =	rddreg [dreg:$0x18]  }
0xf5: {  	[tilespmem:s14], [sflag:$0xD] =	stream.linear.gather [spmem:s28], $0x2800, $0x38;
	[tilespmem:$0x1E1F8] =	vst v63  }
0xf6: {  	_ =	swait.ge [sflag:s15], $0x2800  }
0xf7: {  	s25 =	rddreg [dreg:$0x11]  }
0xf8: {  	[sflag:s15] =	ssyncset.done $0x0;
	s0 =	sshrl.u32 s25, $0x3  }
.Ltmp4:
0xf9: {  	[sflag:s15] =	ssyncadd.s32 $0xFFFFD800;
	s0 =	sadd.s32 s11, s0;
	(pc) =	sbr.rel @!p1 .LBB2_8-.Ltmp4, $4  }
0xfa: {  	[hbm4b:s0+s5] =	stream.linear.scatter [tilespmem:s14], [sflag:$0xD], $0x2800, $0x38;
	[tilespmem:$0x1E1F8] =	vst v63  }
0xfb: {  	_ =	swait.ge [sflag:s15], $0x2800  }
0xfc: {  	s19 =	smov.u32 s28;
	s24 =	rddreg [dreg:$0xa]  }
0xfd: {  	[sflag:s15] =	ssyncset.done $0x0;
	s29 =	sld [smem:$0x7FD];
	s2 =	sadd.s32 $0xFFFFFFFF, s24  }
.LBB2_7:
0xfe: {  	[sflag:s15] =	ssyncadd.s32 $0xFFFFD800;
	s25 =	sadd.s32 $0x2800, s25;
	s19 =	sadd.s32 $0x2800, s19  }
0xff: {  	[tilespmem:s14], [sflag:$0xD] =	stream.linear.gather [spmem:s19], $0x2800, $0x38;
	[tilespmem:$0x1E1F8] =	vst v63  }
0x100: {  	p1 =	sne.s32 s2, $0x1;
	s2 =	sadd.s32 $0xFFFFFFFF, s2;
	_ =	swait.ge [sflag:s15], $0x2800  }
.Ltmp5:
0x101: {  	s0 =	sshrl.u32 s25, $0x3;
	[sflag:s15] =	ssyncset.done $0x0;
	(pc) =	sbr.rel @p1 .LBB2_7-.Ltmp5, $4  }
0x102: {  	s0 =	sadd.s32 s11, s0;
	[sflag:s15] =	ssyncadd.s32 $0xFFFFD800  }
0x103: {  	[hbm4b:s0+s5] =	stream.linear.scatter [tilespmem:s14], [sflag:$0xD], $0x2800, $0x38;
	[tilespmem:$0x1E1F8] =	vst v63  }
0x104: {  	_ =	swait.ge [sflag:s15], $0x2800  }
0x105: {  	[sflag:s15] =	ssyncset.done $0x0  }
.LBB2_8:
0x106: {  	_ = 	snop  }
0x107: {  	[sflag:s15] =	ssyncadd.s32 $0xFFFFD800;
	s0 =	simm.s32 @p0 $0xA480;
	s2 =	simm.s32 @p0 $0xD  }
0x108: {  	[tilespmem:s0], [sflag:$0xD] =	stream.linear.gather @p0 [spmem:s29], $0x190, $0x38;
	[tilespmem:$0x1E1F8] =	vst v63  }
0x109: {  	_ =	swait.ge @p0 [sflag:s2], $0x190  }
0x10a: {  	[sflag:s2] =	ssyncset.done @p0 $0x0  }
0x10b: {  	s6 =	simm.s32 @p0 $0x0;
	s7 =	rddreg [dreg:$0x16];
	[sflag:s2] =	ssyncadd.s32 @p0 $0xFFFFFE70  }
0x10c: {  	[hbm4b:s7+s6] =	stream.linear.scatter @p0 [tilespmem:s0], [sflag:$0xD], $0x190, $0x38;
	[tilespmem:$0x1E1F8] =	vst v63  }
0x10d: {  	_ =	swait.ge @p0 [sflag:s2], $0x190  }
0x10e: {  	s0 =	simm.s32 @!p0 $0xA480;
	[sflag:s2] =	ssyncset.done @p0 $0x0  }
0x10f: {  	s25 =	rddreg [dreg:$0xb];
	[sflag:s2] =	ssyncadd.s32 @p0 $0xFFFFFE70;
	s2 =	simm.s32 @!p0 $0xD  }
0x110: {  	[tilespmem:s0], [sflag:$0xD] =	stream.linear.gather @!p0 [spmem:s25], $0x280, $0x38;
	[tilespmem:$0x1E1F8] =	vst v63  }
0x111: {  	_ =	swait.ge @!p0 [sflag:s2], $0x280  }
0x112: {  	[sflag:s2] =	ssyncset.done @!p0 $0x0  }
0x113: {  	s6 =	simm.s32 @!p0 $0x0;
	s7 =	rddreg [dreg:$0xf];
	[sflag:s2] =	ssyncadd.s32 @!p0 $0xFFFFFD80  }
0x114: {  	[hbm4b:s7+s6] =	stream.linear.scatter @!p0 [tilespmem:s0], [sflag:$0xD], $0x280, $0x38;
	[tilespmem:$0x1E1F8] =	vst v63  }
0x115: {  	_ =	swait.ge @!p0 [sflag:s2], $0x280  }
0x116: {  	s30 =	sld [smem:$0x7FC];
	_ =	sdelay $0x2  }
0x117: {  	s31 =	rddreg [dreg:$0x17];
	s6 =	sadd.s32 $0x1, s30  }
0x118: {  	p1 =	sne.s32 s6, s31  }
.Ltmp6:
0x119: {  	_ = 	snop;
	(pc) =	sbr.rel @p1 .LBB2_1-.Ltmp6, $3  }
0x11a: {  	_ =	sdelay $0x1  }
0x11b: {  	[sflag:s2] =	ssyncset.done @!p0 $0x0  }
0x11c: {  	[sflag:s2] =	ssyncadd.s32 @!p0 $0xFFFFFD80  }
0x11d: {  	_ =	sfence.sel $0x180000  }
0x11e: {  	[bflag:$0x0] =	sbarrier.arrive $0xFFFF  }
0x11f: {  	_ =	strace $0x90000047  }
0x120: {  	s0 =	stileid.u32;
	[bflag:$0x2] =	sbarrier.arrive $0xFFFF  }
0x121: {  	p0 =	sne.s32 s0, $0x0;
	s0 =	rddreg [dreg:$0x5]  }
0x122: {  	s0 =	sadd.s32 @!p0 $0x100000, s0  }
0x123: {  	[sflag:s0] =	ssyncadd.tile.s32 @!p0 $0x1;
	_ =	shalt  }
.Lfunc_end2:
_tile_overlayer_lowered:
.L_overlay_start_2:
0x124: {  	(tag) =	ssettag $0x2  }
0x125: {  	s0 =	rddreg [dreg:$0x0];
	s2 =	stileid.u32  }
0x126: {  	s1 =	rddreg [dreg:$0x1];
	p0 =	sne.s32 s2, $0x0  }
0x127: {  	s3 =	rddreg [dreg:$0x2];
	[bflag:$0x3] =	sbarrier.arrive $0xFFFF;
	s2 =	simm.s32 @!p0 $0x1C0D  }
0x128: {  	[timem:s3], [sflag:s2] =	dma.local @!p0 [hbm:s0], s1  }
0x129: {  	s0 =	simm.s32 @!p0 $0xD  }
0x12a: {  	_ =	swait.ge @!p0 [sflag:s0], s1  }
0x12b: {  	s1 =	ssub.s32 @!p0 $0x0, s1;
	[sflag:s0] =	ssyncset.done @!p0 $0x0  }
0x12c: {  	[sflag:s0] =	ssyncadd.s32 @!p0 s1  }
0x12d: {  	[bflag:$0x3] =	sbarrier.arrive $0xFFFF  }
0x12e: {  	_ =	shalt  }

// kernel: kernel.9.cloned.1.call-start
scs
__scs_entry_jumppad:
0x0: {  	(pc) =	sbr.rel $0x88, $3  }
0x1: {  	(tag) =	ssettag $0x0;
	lr =	simm.s32 $0x1  }
0x2: {  	[smem:$0x3F97] =	sst lr;
	_ =	strace $0xD0000000  }
0x3: {  	_ = 	snop  }
0x4: {  	_ = 	snop  }
0x5: {  	_ = 	snop  }
0x6: {  	_ = 	snop  }
0x7: {  	_ = 	snop  }
__scs_overlays_trampoline_lowered:
0x8: {  	[smem:$0x3FA6] =	sst s0  }
0x9: {  	[smem:$0x3FA7] =	sst s1  }
0xa: {  	[smem:$0x3FA8] =	sst s2  }
0xb: {  	[smem:$0x3FA9] =	sst s3  }
0xc: {  	[smem:$0x3FAA] =	sst s4  }
0xd: {  	[smem:$0x3FAB] =	sst s5  }
0xe: {  	[smem:$0x3FAC] =	sst s6  }
0xf: {  	[smem:$0x3FAD] =	sst s7  }
0x10: {  	[smem:$0x3FAE] =	sst s8  }
0x11: {  	[smem:$0x3FAF] =	sst s9;
	s0 =	simm.s32 @!p0 $0x0  }
0x12: {  	s1 =	sld [smem:$0x3F95];
	s0 =	simm.s32 @p0 $0x1  }
0x13: {  	[smem:$0x3FB0] =	sst s0;
	s0 =	simm.s32 @!p1 $0x0  }
0x14: {  	s2 =	sld [smem:$0x3F94];
	s0 =	simm.s32 @p1 $0x1  }
0x15: {  	[smem:$0x3FB1] =	sst s0;
	s0 =	simm.s32 @!p2 $0x0  }
0x16: {  	s3 =	sld [smem:$0x3FDB];
	s0 =	simm.s32 @p2 $0x1  }
0x17: {  	s4 =	simm.s32 $0x1BF5;
	[smem:$0x3FB3] =	sst s0  }
0x18: {  	s0 =	sld [smem:$0x3F96];
	_ =	swait.ge [sflag:s4], $0x0  }
0x19: {  	s7 =	sld [smem:$0x3F97]  }
0x1a: {  	s8 =	sadd.s32 $0xFFFFE003, lr  }
0x1b: {  	s9 =	sadd.s32 $0xFFFFFEF7, lr;
	s5 =	simm.s32 $0xFFFFFFFF;
	p2 =	slt.u32 s8, $0xFFFFF086  }
0x1c: {  	p1 =	slt.u32 s9, $0xF7A;
	s5 =	simm.s32 @!p2 $0x0  }
0x1d: {  	s5 =	simm.s32 @p1 $0x1;
	p0 =	seq.s32 s7, s2  }
0x1e: {  	s7 =	smul.u32 @!p0 $0xF7A, s2;
	p2 =	seq.s32 @!p0 s5, $0x0  }
0x1f: {  	s9 =	smul.u32 $0xF7A, s1;
	s8 =	simm.s32 @!p0 $0x1BF5;
	p2 =	por !p2, p0  }
0x20: {  	[sflag:s8] =	ssyncset.s32 @!p0 $0xFFFFF086;
	s6 =	sadd.s32 @!p0 s3, s7;
	s7 =	simm.s32 @!p0 $0x108  }
0x21: {  	s3 =	sadd.s32 s3, s9;
	s6 =	sadd.s32 @!p0 $0x88, s6;
	s7 =	simm.s32 @p2 $0x1082  }
0x22: {  	[simem:s7], [sflag:s8] =	dma.local @!p0 [hbm:s6], $0xF7A  }
0x23: {  	s9 =	sor.u32 $0xD0000000, s2;
	s6 =	simm.s32 $0x108;
	_ =	swait.ge @!p0 [sflag:s8], $0x0  }
0x24: {  	s3 =	sadd.s32 $0x88, s3;
	s6 =	simm.s32 @!p1 $0x1082;
	[sflag:s4] =	ssyncset.s32 $0xFFFFF086  }
0x25: {  	[simem:s6], [sflag:s4] =	dma.local [hbm:s3], $0xF7A  }
0x26: {  	[smem:$0x3F97] =	sst s1;
	(tag) =	ssettag s2;
	_ =	strace s9  }
0x27: {  	s1 =	sld [smem:$0x3FA7]  }
0x28: {  	s2 =	sld [smem:$0x3FA8]  }
0x29: {  	s4 =	sld [smem:$0x3FAA]  }
0x2a: {  	p0 =	seq.s32 s5, $0x0;
	s5 =	sld [smem:$0x3FAB]  }
0x2b: {  	s6 =	sld [smem:$0x3FAC]  }
0x2c: {  	s7 =	sld [smem:$0x3FAD]  }
0x2d: {  	s3 =	simm.s32 $0x108;
	s8 =	sld [smem:$0x3FAE]  }
0x2e: {  	s3 =	simm.s32 @!p0 $0x1082;
	s9 =	sld [smem:$0x3FAF]  }
0x2f: {  	lr =	sadd.s32 s0, s3;
	s0 =	sld [smem:$0x3FA6]  }
0x30: {  	s3 =	sld [smem:$0x3FA9]  }
0x31: {  	[smem:$0x3FB2] =	sst s10  }
0x32: {  	s10 =	sld [smem:$0x3FB0];
	_ =	sdelay $0x3  }
0x33: {  	p0 =	seq.s32 s10, $0x1;
	s10 =	sld [smem:$0x3FB2];
	_ =	sdelay $0x3  }
0x34: {  	[smem:$0x3FB2] =	sst s10  }
0x35: {  	s10 =	sld [smem:$0x3FB1];
	_ =	sdelay $0x3  }
0x36: {  	p1 =	seq.s32 s10, $0x1;
	s10 =	sld [smem:$0x3FB2];
	_ =	sdelay $0x3  }
0x37: {  	[smem:$0x3FB2] =	sst s10  }
0x38: {  	s10 =	sld [smem:$0x3FB3]  }
0x39: {  	_ = 	snop;
	(pc) =	sbr.ind lr, $3  }
0x3a: {  	_ = 	snop  }
0x3b: {  	_ = 	snop  }
0x3c: {  	p2 =	seq.s32 s10, $0x1;
	s10 =	sld [smem:$0x3FB2]  }
0x3d: {  	_ =	shalt  }
0x3e: {  	_ =	shalt  }
0x3f: {  	_ =	shalt  }
0x40: {  	_ =	shalt  }
0x41: {  	_ =	shalt  }
0x42: {  	_ =	shalt  }
0x43: {  	_ =	shalt  }
0x44: {  	_ =	shalt  }
0x45: {  	_ =	shalt  }
0x46: {  	_ =	shalt  }
0x47: {  	_ =	shalt  }
0x48: {  	_ =	shalt  }
0x49: {  	_ =	shalt  }
0x4a: {  	_ =	shalt  }
0x4b: {  	_ =	shalt  }
0x4c: {  	_ =	shalt  }
0x4d: {  	_ =	shalt  }
0x4e: {  	_ =	shalt  }
0x4f: {  	_ =	shalt  }
0x50: {  	_ =	shalt  }
0x51: {  	_ =	shalt  }
0x52: {  	_ =	shalt  }
0x53: {  	_ =	shalt  }
0x54: {  	_ =	shalt  }
0x55: {  	_ =	shalt  }
0x56: {  	_ =	shalt  }
0x57: {  	_ =	shalt  }
0x58: {  	_ =	shalt  }
0x59: {  	_ =	shalt  }
0x5a: {  	_ =	shalt  }
0x5b: {  	_ =	shalt  }
0x5c: {  	_ =	shalt  }
0x5d: {  	_ =	shalt  }
0x5e: {  	_ =	shalt  }
0x5f: {  	_ =	shalt  }
0x60: {  	_ =	shalt  }
0x61: {  	_ =	shalt  }
0x62: {  	_ =	shalt  }
0x63: {  	_ =	shalt  }
0x64: {  	_ =	shalt  }
0x65: {  	_ =	shalt  }
0x66: {  	_ =	shalt  }
0x67: {  	_ =	shalt  }
0x68: {  	_ =	shalt  }
0x69: {  	_ =	shalt  }
0x6a: {  	_ =	shalt  }
0x6b: {  	_ =	shalt  }
0x6c: {  	_ =	shalt  }
0x6d: {  	_ =	shalt  }
0x6e: {  	_ =	shalt  }
0x6f: {  	_ =	shalt  }
0x70: {  	_ =	shalt  }
0x71: {  	_ =	shalt  }
0x72: {  	_ =	shalt  }
0x73: {  	_ =	shalt  }
0x74: {  	_ =	shalt  }
0x75: {  	_ =	shalt  }
0x76: {  	_ =	shalt  }
0x77: {  	_ =	shalt  }
0x78: {  	_ =	shalt  }
0x79: {  	_ =	shalt  }
0x7a: {  	_ =	shalt  }
0x7b: {  	_ =	shalt  }
0x7c: {  	_ =	shalt  }
0x7d: {  	_ =	shalt  }
0x7e: {  	_ =	shalt  }
0x7f: {  	_ =	shalt  }
0x80: {  	_ =	shalt  }
0x81: {  	_ =	shalt  }
0x82: {  	_ =	shalt  }
0x83: {  	_ =	shalt  }
0x84: {  	_ =	shalt  }
0x85: {  	_ =	shalt  }
0x86: {  	_ =	shalt  }
0x87: {  	_ =	shalt  }
.Lfunc_end0:
.L_simem_size_0:
called_computation.1_lowered:
.L_overlay_start_0:
0x88: {  	s2 =	sld [smem:$0x3FD9]  }
0x89: {  	s3 =	sld [smem:$0x3FFE];
	_ =	sdelay $0x1  }
0x8a: {  	s1 =	srdreg.scid  }
0x8b: {  	s0 =	sand.u32 $0x1, s1  }
0x8c: {  	s17 =	sshll.u32 s0, $0xA;
	s2 =	sadd.s32 s3, s2  }
0x8d: {  	s2 =	sadd.s32 s2, s17  }
0x8e: {  	[smem:$0x3FBE] =	sst s2  }
0x8f: {  	_ = 	snop  }
0x90: {  	s2 =	sld [smem:$0x3FD0];
	(tm) =	ssettm $0x1  }
0x91: {  	s18 =	sld [smem:$0x3FFB];
	_ =	sdelay $0x3  }
0x92: {  	_ =	strace s18  }
0x93: {  	s3 =	sld [smem:$0x3FFC];
	_ =	sdelay $0x3  }
0x94: {  	_ =	strace s3  }
0x95: {  	s3 =	sld [smem:$0x3FFD];
	_ =	sdelay $0x3  }
0x96: {  	_ =	strace s3  }
0x97: {  	_ =	strace $0x8FFFFFFF  }
0x98: {  	s19 =	sld [smem:$0x3FDB];
	_ =	sdelay $0x1  }
0x99: {  	s4 =	simm.s32 $_scs_section_size  }
0x9a: {  	s5 =	simm.s32 $_size__tile_overlayer_lowered;
	s6 =	simm.s32 $_tile_overlayer_lowered  }
0x9b: {  	s22 =	simm.s32 $0x1BFF;
	s21 =	sshll.u32 s6, $0x1;
	s3 =	sadd.s32 s4, s19  }
0x9c: {  	s7 =	simm.s32 $0x0;
	s20 =	sshll.u32 s5, $0x1;
	s5 =	sadd.s32 s21, s3  }
0x9d: {  	[timem:s7], [sflag:s22] =	dma.local [hbm:s5], s20  }
0x9e: {  	_ =	swait.ge [sflag:s22], s20  }
0x9f: {  	s4 =	ssub.s32 $0x0, s20;
	[sflag:s22] =	ssyncset.done $0x0  }
0xa0: {  	[sflag:s22] =	ssyncadd.s32 s4;
	_ =	sdelay $0x1  }
0xa1: {  	s23 =	simm.s32 $0x1B8B  }
0xa2: {  	_ =	swait.ge [sflag:s23], $0x1  }
0xa3: {  	[sflag:s23] =	ssyncset.done $0x0  }
0xa4: {  	s25 =	simm.s32 $0x1B8E;
	s24 =	sld [smem:$0x3FFE];
	[sflag:s23] =	ssyncadd.s32 $0xFFFFFFFF  }
0xa5: {  	s26 =	simm.s32 $execute0_lowered;
	[smem:$0x3FD2] =	sst s25  }
0xa6: {  	s5 =	sshll.u32 s26, $0x1;
	_ =	strace $0x80000049;
	[dreg:$0x1] =	wrdreg $0xFFFFFFFF  }
0xa7: {  	s28 =	simm.s32 $_size_execute0_lowered;
	s3 =	sadd.s32 s3, s5;
	[dreg:$0x0] =	wrdreg $0x0  }
0xa8: {  	s5 =	sshll.u32 s28, $0x1;
	[dreg:$0x2] =	wrdreg s3  }
0xa9: {  	[dreg:$0x3] =	wrdreg s5  }
0xaa: {  	[dreg:$0x4] =	wrdreg $0xC0  }
0xab: {  	_ =	task [dreg:s7], $0x5FFFF  }
0xac: {  	[dreg:$0x1] =	wrdreg $0xFFFFFFFF  }
0xad: {  	[dreg:$0x0] =	wrdreg $0x60  }
0xae: {  	[dreg:$0x2] =	wrdreg s24  }
0xaf: {  	[dreg:$0x3] =	wrdreg s2  }
0xb0: {  	[dreg:$0x4] =	wrdreg $0xA4000  }
0xb1: {  	[dreg:$0x5] =	wrdreg $0x9  }
0xb2: {  	_ =	task.clear_ibuf [dreg:s7], $0x6FFFF;
	_ =	strace $0x90000049  }
0xb3: {  	s29 =	simm.s32 $0x9;
	_ =	strace $0x8000004B  }
0xb4: {  	_ =	swait.ge [sflag:s29], $0x1  }
0xb5: {  	[sflag:s29] =	ssyncadd.s32 $0xFFFFFFFF  }
0xb6: {  	_ =	strace $0x9000004B  }
0xb7: {  	_ =	sfence  }
0xb8: {  	s30 =	sld [smem:$0x0];
	_ =	sdelay $0x2  }
0xb9: {  	s31 =	sshll.u32 s1, $0xD;
	s1 =	sshrl.u32 s1, $0x2  }
0xba: {  	s3 =	sand.u32 $0x4000, s31;
	s1 =	sadd.s32 s1, s30  }
0xbb: {  	s0 =	sor.u32 s3, s0;
	s1 =	sshll.u32 s1, $0x11  }
0xbc: {  	s0 =	sor.u32 s1, s0  }
0xbd: {  	s0 =	sadd.s32 $0x8F2B, s0  }
0xbe: {  	[sflag:s0] =	ssyncadd.remote.s32 $0x1  }
0xbf: {  	_ =	sfence.sel $0xFFFF  }
0xc0: {  	[dreg:$0x0] =	wrdreg $0xFFFFFFFF;
	(pc) =	sbr.abs _section_cstart, $3  }
0xc1: {  	[dreg:$0x1] =	wrdreg $0xFFFFFFFF  }
0xc2: {  	_ =	task.clear_ibuf [dreg:s7], $0x2FFFF;
	_ =	strace $0x9FFFFFFF  }
0xc3: {  	(tm) =	ssettm $0x7FFFFFFF  }
tec
execute0_lowered:
.L_overlay_start_1:
0x0: {  	(tag) =	ssettag $0x1  }
0x1: {  	s0 =	rddreg [dreg:$0x0]  }
0x2: {  	s10 =	rddreg [dreg:$0x1]  }
0x3: {  	s2 =	rddreg [dreg:$0x2]  }
0x4: {  	s4 =	simm.s32 $0x0;
	s1 =	srdreg.scid;
	s11 =	stileid.u32  }
0x5: {  	s7 =	simm.s32 $0x5;
	s29 =	simm.s32 $0x5;
	s30 =	simm.s32 $0x400  }
0x6: {  	s31 =	simm.s32 $0xD;
	s28 =	simm.s32 $0x380;
	[smem:$0x7FF] =	sst s4  }
0x7: {  	s5 =	sadd.s32 $0x32600, s0;
	s1 =	sand.u32 $0x1, s1;
	s3 =	sshll.u32 s11, $0x1  }
0x8: {  	s12 =	sadd.s32 $0xE00, s0;
	s6 =	sadd.s32 $0xB400, s0;
	s8 =	sadd.s32 $0x59800, s0  }
0x9: {  	p0 =	seq.s32 s11, $0xF;
	s18 =	smul.u32 $0x14000, s11;
	_ =	strace $0x8000004A  }
0xa: {  	[dreg:$0x5] =	wrdreg s6;
	s3 =	sor.u32 s1, s3;
	s9 =	smul.u32 $0x2710, s1  }
0xb: {  	s20 =	ssub.s32 $0x2, s1;
	s7 =	simm.s32 @!p0 $0x8;
	s1 =	smul.u32 $0x138800, s1  }
0xc: {  	[dreg:$0x4] =	wrdreg s12;
	s3 =	smul.u32 $0x2710, s3;
	s21 =	sshrl.u32 s20, $0x1  }
0xd: {  	[dreg:$0x6] =	wrdreg s7;
	s0 =	ssub.s32 s20, s21;
	s1 =	sadd.s32 s18, s1  }
0xe: {  	s3 =	sshrl.u32 s3, $0x3;
	s0 =	smax.u32 s0, $0x1;
	[dreg:$0x12] =	wrdreg s1  }
0xf: {  	s26 =	smul.u32 $0x4E20, s11;
	s22 =	sadd.s32 s12, s3;
	[dreg:$0xf] =	wrdreg s0  }
0x10: {  	s23 =	sadd.s32 s10, s3;
	s24 =	sadd.s32 $0xA, s3;
	[dreg:$0x7] =	wrdreg s22  }
0x11: {  	s16 =	smul.u32 $0x50000, s11;
	[dreg:$0x8] =	wrdreg s23;
	s25 =	sadd.s32 s12, s24  }
0x12: {  	s14 =	sadd.s32 $0x14, s3;
	s6 =	sadd.s32 s10, s24;
	[dreg:$0x9] =	wrdreg s25  }
0x13: {  	s11 =	simm.s32 $0x0;
	s13 =	sadd.s32 s12, s14;
	[dreg:$0xa] =	wrdreg s6  }
0x14: {  	s3 =	sadd.s32 $0x1E, s3;
	s7 =	sadd.s32 s10, s14;
	[dreg:$0xb] =	wrdreg s13  }
0x15: {  	s18 =	simm.s32 $0x180;
	s15 =	sadd.s32 s12, s3;
	[dreg:$0xc] =	wrdreg s7  }
0x16: {  	s1 =	simm.s32 $0x6;
	s3 =	sadd.s32 s10, s3;
	[dreg:$0xd] =	wrdreg s15  }
0x17: {  	s14 =	simm.s32 $0x2C00;
	[dreg:$0xe] =	wrdreg s3;
	s6 =	sadd.s32 s9, s26  }
0x18: {  	s3 =	sshrl.u32 s16, $0x2;
	s7 =	simm.s32 $0x50;
	s13 =	simm.s32 $0x280  }
0x19: {  	s15 =	simm.s32 $0x300;
	s16 =	simm.s32 $0x3;
	s9 =	simm.s32 $0x7C00  }
0x1a: {  	s17 =	sadd.s32 $0x230, s6;
	s3 =	sadd.s32 s3, s2;
	s20 =	sadd.s32 $0x1E0, s6  }
0x1b: {  	s21 =	sadd.s32 $0x190, s6;
	s26 =	sadd.s32 $0x140, s6;
	s6 =	simm.s32 $0xA  }
0x1c: {  	s0 =	sshrl.u32 s17, $0x3;
	[dreg:$0x10] =	wrdreg s3;
	s3 =	sshrl.u32 s20, $0x3  }
0x1d: {  	s22 =	sshrl.u32 s21, $0x3;
	[dreg:$0x18] =	wrdreg s26;
	s19 =	sadd.s32 s0, s10  }
0x1e: {  	s17 =	simm.s32 $0x5400;
	s0 =	sadd.s32 s0, s12;
	[dreg:$0x11] =	wrdreg s19  }
0x1f: {  	s21 =	simm.s32 $0x4;
	s23 =	sadd.s32 s3, s10;
	[dreg:$0x13] =	wrdreg s0  }
0x20: {  	s20 =	simm.s32 $0x7;
	s24 =	sadd.s32 s3, s12;
	[dreg:$0x14] =	wrdreg s23  }
0x21: {  	s25 =	sadd.s32 s22, s10;
	s3 =	simm.s32 $0x1;
	[dreg:$0x15] =	wrdreg s24  }
0x22: {  	[dreg:$0x16] =	wrdreg s25;
	s0 =	sadd.s32 s22, s12;
	s12 =	simm.s32 $0x2  }
0x23: {  	s19 =	simm.s32 $0x9;
	s22 =	simm.s32 $0xB;
	s23 =	simm.s32 $0x8  }
0x24: {  	s24 =	simm.s32 $0xC;
	[dreg:$0x17] =	wrdreg s0;
	s0 =	simm.s32 $0x200  }
.LBB2_1:
0x25: {  	[dreg:$0x19] =	wrdreg s11  }
0x26: {  	s10 =	rddreg [dreg:$0x5]  }
0x27: {  	[tilespmem:s30], [sflag:$0xD] =	stream.linear.gather [hbm4b:s10+s4], $0x2800, $0x38;
	[tilespmem:$0x1DC80] =	vst v63  }
0x28: {  	_ =	swait.ge [sflag:s31], $0x2800  }
0x29: {  	s26 =	rddreg [dreg:$0x6]  }
0x2a: {  	p0 =	sne.s32 s26, $0x1  }
.Ltmp0:
0x2b: {  	[sflag:s31] =	ssyncset.done $0x0;
	(pc) =	sbr.rel @!p0 .LBB2_3-.Ltmp0, $4  }
0x2c: {  	s25 =	rddreg [dreg:$0x10];
	[sflag:s31] =	ssyncadd.s32 $0xFFFFD800  }
0x2d: {  	[spmem:s25] =	stream.linear.scatter [tilespmem:s30], [sflag:$0xD], $0x2800, $0x38;
	[tilespmem:$0x1DC80] =	vst v63  }
0x2e: {  	_ =	swait.ge [sflag:s31], $0x2800  }
0x2f: {  	s10 =	sadd.s32 $0xFFFFFFFF, s26;
	[sflag:s31] =	ssyncset.done $0x0  }
.LBB2_2:
0x30: {  	p1 =	sne.s32 s10, $0x1;
	[sflag:s31] =	ssyncadd.s32 $0xFFFFD800;
	s25 =	sadd.s32 $0x2800, s25  }
.Ltmp1:
0x31: {  	s10 =	sadd.s32 $0xFFFFFFFF, s10;
	(pc) =	sbr.rel @p1 .LBB2_2-.Ltmp1, $4  }
0x32: {  	_ = 	snop  }
0x33: {  	[spmem:s25] =	stream.linear.scatter [tilespmem:s30], [sflag:$0xD], $0x2800, $0x38;
	[tilespmem:$0x1DC80] =	vst v63  }
0x34: {  	_ =	swait.ge [sflag:s31], $0x2800  }
0x35: {  	[sflag:s31] =	ssyncset.done $0x0  }
.LBB2_3:
0x36: {  	[sflag:s31] =	ssyncadd.s32 $0xFFFFD800  }
0x37: {  	[bflag:$0x0] =	sbarrier.arrive $0xFFFF  }
0x38: {  	s25 =	simm.s32 $0x0;
	s10 =	rddreg [dreg:$0x7]  }
0x39: {  	[tilespmem:s25], [sflag:$0x1] =	stream.linear.gather [hbm4b:s10+s25], $0x50, $0x38;
	[tilespmem:$0x1DC80] =	vst v63  }
0x3a: {  	s11 =	rddreg [dreg:$0x8]  }
0x3b: {  	[tilespmem:s0], [sflag:$0x1] =	stream.linear.gather [hbm4b:s11+s25], $0x50, $0x38;
	[tilespmem:$0x1DC80] =	vst v63  }
0x3c: {  	_ =	swait.ge [sflag:s3], $0x50  }
0x3d: {  	[sflag:s3] =	ssyncset.done $0x0  }
0x3e: {  	[sflag:s3] =	ssyncadd.s32 $0xFFFFFFB0  }
0x3f: {  	_ =	swait.ge [sflag:s3], $0x50  }
0x40: {  	[sflag:s3] =	ssyncset.done $0x0  }
0x41: {  	[sflag:s3] =	ssyncadd.s32 $0xFFFFFFB0  }
0x42: {  	[tilespmem:s30], [sflag:$0x5] =	stream.indirect.gather [hbm4b:s5+s7], $0x80, s25, s7, $0xb8;
	[tilespmem:$0x1DC80] =	vst v63  }
0x43: {  	s11 =	simm.s32 $0x80;
	s26 =	rddreg [dreg:$0x9]  }
0x44: {  	[tilespmem:s11], [sflag:$0x2] =	stream.linear.gather [hbm4b:s26+s25], $0x50, $0x38;
	[tilespmem:$0x1DC80] =	vst v63  }
0x45: {  	s26 =	rddreg [dreg:$0xa]  }
0x46: {  	[tilespmem:s13], [sflag:$0x2] =	stream.linear.gather [hbm4b:s26+s25], $0x50, $0x38;
	[tilespmem:$0x1DC80] =	vst v63  }
0x47: {  	_ =	swait.ge [sflag:s12], $0x50  }
0x48: {  	[sflag:s12] =	ssyncset.done $0x0  }
0x49: {  	[sflag:s12] =	ssyncadd.s32 $0xFFFFFFB0  }
0x4a: {  	_ =	swait.ge [sflag:s12], $0x50  }
0x4b: {  	[sflag:s12] =	ssyncset.done $0x0  }
0x4c: {  	[sflag:s12] =	ssyncadd.s32 $0xFFFFFFB0  }
0x4d: {  	[tilespmem:s14], [sflag:$0x6] =	stream.indirect.gather [hbm4b:s5+s7], $0x80, s11, s7, $0xb8;
	[tilespmem:$0x1DC80] =	vst v63  }
0x4e: {  	s26 =	simm.s32 $0x100;
	s14 =	rddreg [dreg:$0xb]  }
0x4f: {  	[tilespmem:s26], [sflag:$0x3] =	stream.linear.gather [hbm4b:s14+s25], $0x50, $0x38;
	[tilespmem:$0x1DC80] =	vst v63  }
0x50: {  	s13 =	rddreg [dreg:$0xc]  }
0x51: {  	[tilespmem:s15], [sflag:$0x3] =	stream.linear.gather [hbm4b:s13+s25], $0x50, $0x38;
	[tilespmem:$0x1DC80] =	vst v63  }
0x52: {  	_ =	swait.ge [sflag:s16], $0x50  }
0x53: {  	[sflag:s16] =	ssyncset.done $0x0  }
0x54: {  	[sflag:s16] =	ssyncadd.s32 $0xFFFFFFB0  }
0x55: {  	_ =	swait.ge [sflag:s16], $0x50  }
0x56: {  	[sflag:s16] =	ssyncset.done $0x0  }
0x57: {  	[sflag:s16] =	ssyncadd.s32 $0xFFFFFFB0  }
0x58: {  	[tilespmem:s17], [sflag:$0x7] =	stream.indirect.gather [hbm4b:s5+s7], $0x80, s26, s7, $0xb8;
	[tilespmem:$0x1DC80] =	vst v63  }
0x59: {  	s14 =	rddreg [dreg:$0xd]  }
0x5a: {  	[tilespmem:s18], [sflag:$0x4] =	stream.linear.gather [hbm4b:s14+s25], $0x50, $0x38;
	[tilespmem:$0x1DC80] =	vst v63  }
0x5b: {  	s26 =	rddreg [dreg:$0xe]  }
0x5c: {  	[tilespmem:s28], [sflag:$0x4] =	stream.linear.gather [hbm4b:s26+s25], $0x50, $0x38;
	[tilespmem:$0x1DC80] =	vst v63  }
0x5d: {  	_ =	swait.ge [sflag:s21], $0x50  }
0x5e: {  	[sflag:s21] =	ssyncset.done $0x0  }
0x5f: {  	[sflag:s21] =	ssyncadd.s32 $0xFFFFFFB0  }
0x60: {  	_ =	swait.ge [sflag:s21], $0x50  }
0x61: {  	s13 =	simm.s32 $0x280;
	[sflag:s21] =	ssyncset.done $0x0  }
0x62: {  	s14 =	simm.s32 $0x2C00;
	s26 =	rddreg [dreg:$0x18];
	[sflag:s21] =	ssyncadd.s32 $0xFFFFFFB0  }
0x63: {  	[tilespmem:s9], [sflag:$0x8] =	stream.indirect.gather [hbm4b:s5+s7], $0x80, s18, s7, $0xb8;
	[tilespmem:$0x1DC80] =	vst v63  }
.LBB2_4:
0x64: {  	_ =	swait.ge [sflag:s29], $0x2800  }
0x65: {  	[sflag:s29] =	ssyncset.done $0x0  }
0x66: {  	[sflag:s29] =	ssyncadd.s32 $0xFFFFD800  }
0x67: {  	[spmem:s2] =	stream.indirect.scatter.add.f32 [tilespmem:s30], [sflag:$0x9], $0x80, s0, s7, $0xb8;
	[tilespmem:$0x1DC80] =	vst v63  }
0x68: {  	_ =	swait.ge [sflag:s19], $0x2800  }
0x69: {  	s10 =	sshrl.u32 s26, $0x3;
	[sflag:s19] =	ssyncset.done $0x0;
	s11 =	rddreg [dreg:$0x4]  }
0x6a: {  	[sflag:s19] =	ssyncadd.s32 $0xFFFFD800;
	s11 =	sadd.s32 s11, s10  }
0x6b: {  	[tilespmem:s4], [sflag:$0x1] =	stream.linear.gather [hbm4b:s11+s4], $0x50, $0x38;
	[tilespmem:$0x1DC80] =	vst v63  }
0x6c: {  	s11 =	rddreg [dreg:$0x1]  }
0x6d: {  	s10 =	sadd.s32 s11, s10  }
0x6e: {  	[tilespmem:s0], [sflag:$0x1] =	stream.linear.gather [hbm4b:s10+s4], $0x50, $0x38;
	[tilespmem:$0x1DC80] =	vst v63  }
0x6f: {  	_ =	swait.ge [sflag:s1], $0x2800  }
0x70: {  	[sflag:s1] =	ssyncset.done $0x0  }
0x71: {  	[sflag:s1] =	ssyncadd.s32 $0xFFFFD800  }
0x72: {  	[spmem:s2] =	stream.indirect.scatter.add.f32 [tilespmem:s14], [sflag:$0xA], $0x80, s13, s7, $0xb8;
	[tilespmem:$0x1DC80] =	vst v63  }
0x73: {  	_ =	swait.ge [sflag:s3], $0x50  }
0x74: {  	[sflag:s3] =	ssyncset.done $0x0  }
0x75: {  	[sflag:s3] =	ssyncadd.s32 $0xFFFFFFB0  }
0x76: {  	_ =	swait.ge [sflag:s3], $0x50  }
0x77: {  	p1 =	seq.s32 s25, $0x4B0;
	[sflag:s3] =	ssyncset.done $0x0  }
.Ltmp2:
0x78: {  	[sflag:s3] =	ssyncadd.s32 $0xFFFFFFB0;
	(pc) =	sbr.rel @p1 .LBB2_6-.Ltmp2, $4  }
0x79: {  	[tilespmem:s30], [sflag:$0x5] =	stream.indirect.gather [hbm4b:s5+s7], $0x80, s4, s7, $0xb8;
	[tilespmem:$0x1DC80] =	vst v63  }
0x7a: {  	_ =	swait.ge [sflag:s6], $0x2800  }
0x7b: {  	[sflag:s6] =	ssyncset.done $0x0  }
0x7c: {  	[sflag:s6] =	ssyncadd.s32 $0xFFFFD800  }
0x7d: {  	s10 =	rddreg [dreg:$0x17]  }
0x7e: {  	s11 =	simm.s32 $0x80;
	s10 =	sadd.s32 s25, s10  }
0x7f: {  	[tilespmem:s11], [sflag:$0x2] =	stream.linear.gather [hbm4b:s10+s4], $0x50, $0x38;
	[tilespmem:$0x1DC80] =	vst v63  }
0x80: {  	s10 =	rddreg [dreg:$0x16]  }
0x81: {  	s10 =	sadd.s32 s25, s10  }
0x82: {  	[tilespmem:s13], [sflag:$0x2] =	stream.linear.gather [hbm4b:s10+s4], $0x50, $0x38;
	[tilespmem:$0x1DC80] =	vst v63  }
0x83: {  	_ =	swait.ge [sflag:s20], $0x2800  }
0x84: {  	[sflag:s20] =	ssyncset.done $0x0  }
0x85: {  	[sflag:s20] =	ssyncadd.s32 $0xFFFFD800  }
0x86: {  	[spmem:s2] =	stream.indirect.scatter.add.f32 [tilespmem:s17], [sflag:$0xB], $0x80, s15, s7, $0xb8;
	[tilespmem:$0x1DC80] =	vst v63  }
0x87: {  	_ =	swait.ge [sflag:s12], $0x50  }
0x88: {  	[sflag:s12] =	ssyncset.done $0x0  }
0x89: {  	[sflag:s12] =	ssyncadd.s32 $0xFFFFFFB0  }
0x8a: {  	_ =	swait.ge [sflag:s12], $0x50  }
0x8b: {  	[sflag:s12] =	ssyncset.done $0x0  }
0x8c: {  	[sflag:s12] =	ssyncadd.s32 $0xFFFFFFB0  }
0x8d: {  	[tilespmem:s14], [sflag:$0x6] =	stream.indirect.gather [hbm4b:s5+s7], $0x80, s11, s7, $0xb8;
	[tilespmem:$0x1DC80] =	vst v63  }
0x8e: {  	_ =	swait.ge [sflag:s22], $0x2800  }
0x8f: {  	[sflag:s22] =	ssyncset.done $0x0;
	s11 =	rddreg [dreg:$0x15]  }
0x90: {  	[sflag:s22] =	ssyncadd.s32 $0xFFFFD800;
	s10 =	sadd.s32 s25, s11;
	s11 =	simm.s32 $0x100  }
0x91: {  	[tilespmem:s11], [sflag:$0x3] =	stream.linear.gather [hbm4b:s10+s4], $0x50, $0x38;
	[tilespmem:$0x1DC80] =	vst v63  }
0x92: {  	s10 =	rddreg [dreg:$0x14]  }
0x93: {  	s10 =	sadd.s32 s25, s10  }
0x94: {  	[tilespmem:s15], [sflag:$0x3] =	stream.linear.gather [hbm4b:s10+s4], $0x50, $0x38;
	[tilespmem:$0x1DC80] =	vst v63  }
0x95: {  	_ =	swait.ge [sflag:s23], $0x2800  }
0x96: {  	[sflag:s23] =	ssyncset.done $0x0  }
0x97: {  	[sflag:s23] =	ssyncadd.s32 $0xFFFFD800  }
0x98: {  	[spmem:s2] =	stream.indirect.scatter.add.f32 [tilespmem:s9], [sflag:$0xC], $0x80, s28, s7, $0xb8;
	[tilespmem:$0x1DC80] =	vst v63  }
0x99: {  	_ =	swait.ge [sflag:s16], $0x50  }
0x9a: {  	[sflag:s16] =	ssyncset.done $0x0  }
0x9b: {  	[sflag:s16] =	ssyncadd.s32 $0xFFFFFFB0  }
0x9c: {  	_ =	swait.ge [sflag:s16], $0x50  }
0x9d: {  	[sflag:s16] =	ssyncset.done $0x0  }
0x9e: {  	[sflag:s16] =	ssyncadd.s32 $0xFFFFFFB0  }
0x9f: {  	[tilespmem:s17], [sflag:$0x7] =	stream.indirect.gather [hbm4b:s5+s7], $0x80, s11, s7, $0xb8;
	[tilespmem:$0x1DC80] =	vst v63  }
0xa0: {  	_ =	swait.ge [sflag:s24], $0x2800  }
0xa1: {  	[sflag:s24] =	ssyncset.done $0x0;
	s11 =	rddreg [dreg:$0x13]  }
0xa2: {  	[sflag:s24] =	ssyncadd.s32 $0xFFFFD800;
	s10 =	sadd.s32 s25, s11;
	s11 =	rddreg [dreg:$0x11]  }
0xa3: {  	[tilespmem:s18], [sflag:$0x4] =	stream.linear.gather [hbm4b:s10+s4], $0x50, $0x38;
	[tilespmem:$0x1DC80] =	vst v63  }
0xa4: {  	s10 =	sadd.s32 s25, s11  }
0xa5: {  	[tilespmem:s28], [sflag:$0x4] =	stream.linear.gather [hbm4b:s10+s4], $0x50, $0x38;
	[tilespmem:$0x1DC80] =	vst v63  }
0xa6: {  	_ =	swait.ge [sflag:s21], $0x50  }
0xa7: {  	[sflag:s21] =	ssyncset.done $0x0  }
.Ltmp3:
0xa8: {  	[sflag:s21] =	ssyncadd.s32 $0xFFFFFFB0;
	(pc) =	sbr.rel .LBB2_4-.Ltmp3, $4  }
0xa9: {  	_ =	swait.ge [sflag:s21], $0x50  }
0xaa: {  	[sflag:s21] =	ssyncset.done $0x0  }
0xab: {  	s26 =	sadd.s32 $0x140, s26;
	s25 =	sadd.s32 $0x28, s25;
	[sflag:s21] =	ssyncadd.s32 $0xFFFFFFB0  }
0xac: {  	[tilespmem:s9], [sflag:$0x8] =	stream.indirect.gather [hbm4b:s5+s7], $0x80, s18, s7, $0xb8;
	[tilespmem:$0x1DC80] =	vst v63  }
.LBB2_6:
0xad: {  	_ =	swait.ge [sflag:s20], $0x2800  }
0xae: {  	[sflag:s20] =	ssyncset.done $0x0  }
0xaf: {  	[sflag:s20] =	ssyncadd.s32 $0xFFFFD800  }
0xb0: {  	[spmem:s2] =	stream.indirect.scatter.add.f32 [tilespmem:s17], [sflag:$0xB], $0x80, s15, s7, $0xb8;
	[tilespmem:$0x1DC80] =	vst v63  }
0xb1: {  	_ =	swait.ge [sflag:s22], $0x2800  }
0xb2: {  	[sflag:s22] =	ssyncset.done $0x0  }
0xb3: {  	[sflag:s22] =	ssyncadd.s32 $0xFFFFD800  }
0xb4: {  	_ =	swait.ge [sflag:s23], $0x2800  }
0xb5: {  	[sflag:s23] =	ssyncset.done $0x0  }
0xb6: {  	[sflag:s23] =	ssyncadd.s32 $0xFFFFD800  }
0xb7: {  	[spmem:s2] =	stream.indirect.scatter.add.f32 [tilespmem:s9], [sflag:$0xC], $0x80, s28, s7, $0xb8;
	[tilespmem:$0x1DC80] =	vst v63  }
0xb8: {  	_ =	swait.ge [sflag:s24], $0x2800  }
0xb9: {  	[sflag:s24] =	ssyncset.done $0x0  }
0xba: {  	[sflag:s24] =	ssyncadd.s32 $0xFFFFD800  }
0xbb: {  	_ =	swait.ge [sflag:s29], $0x2800  }
0xbc: {  	[sflag:s29] =	ssyncset.done $0x0  }
0xbd: {  	[sflag:s29] =	ssyncadd.s32 $0xFFFFD800  }
0xbe: {  	[spmem:s2] =	stream.indirect.scatter.add.f32 [tilespmem:s30], [sflag:$0x9], $0x80, s0, s7, $0xb8;
	[tilespmem:$0x1DC80] =	vst v63  }
0xbf: {  	_ =	swait.ge [sflag:s19], $0x2800  }
0xc0: {  	[sflag:s19] =	ssyncset.done $0x0  }
0xc1: {  	[sflag:s19] =	ssyncadd.s32 $0xFFFFD800  }
0xc2: {  	[bflag:$0x0] =	sbarrier.arrive $0xFFFF  }
0xc3: {  	s11 =	rddreg [dreg:$0x10]  }
0xc4: {  	[tilespmem:s30], [sflag:$0xD] =	stream.linear.gather [spmem:s11], $0x2800, $0x38;
	[tilespmem:$0x1DC80] =	vst v63  }
0xc5: {  	_ =	swait.ge [sflag:s31], $0x2800  }
0xc6: {  	s26 =	rddreg [dreg:$0x12]  }
0xc7: {  	[sflag:s31] =	ssyncset.done $0x0;
	s10 =	sshrl.u32 s26, $0x3  }
.Ltmp4:
0xc8: {  	[sflag:s31] =	ssyncadd.s32 $0xFFFFD800;
	s10 =	sadd.s32 s8, s10;
	(pc) =	sbr.rel @!p0 .LBB2_8-.Ltmp4, $4  }
0xc9: {  	[hbm4b:s10+s4] =	stream.linear.scatter [tilespmem:s30], [sflag:$0xD], $0x2800, $0x38;
	[tilespmem:$0x1DC80] =	vst v63  }
0xca: {  	_ =	swait.ge [sflag:s31], $0x2800  }
0xcb: {  	s25 =	rddreg [dreg:$0x6]  }
0xcc: {  	s10 =	smov.u32 s11;
	[sflag:s31] =	ssyncset.done $0x0;
	s25 =	sadd.s32 $0xFFFFFFFF, s25  }
.LBB2_7:
0xcd: {  	[sflag:s31] =	ssyncadd.s32 $0xFFFFD800;
	s26 =	sadd.s32 $0x2800, s26;
	s10 =	sadd.s32 $0x2800, s10  }
0xce: {  	[tilespmem:s30], [sflag:$0xD] =	stream.linear.gather [spmem:s10], $0x2800, $0x38;
	[tilespmem:$0x1DC80] =	vst v63  }
0xcf: {  	p0 =	sne.s32 s25, $0x1;
	s25 =	sadd.s32 $0xFFFFFFFF, s25;
	_ =	swait.ge [sflag:s31], $0x2800  }
.Ltmp5:
0xd0: {  	s11 =	sshrl.u32 s26, $0x3;
	[sflag:s31] =	ssyncset.done $0x0;
	(pc) =	sbr.rel @p0 .LBB2_7-.Ltmp5, $4  }
0xd1: {  	s11 =	sadd.s32 s8, s11;
	[sflag:s31] =	ssyncadd.s32 $0xFFFFD800  }
0xd2: {  	[hbm4b:s11+s4] =	stream.linear.scatter [tilespmem:s30], [sflag:$0xD], $0x2800, $0x38;
	[tilespmem:$0x1DC80] =	vst v63  }
0xd3: {  	_ =	swait.ge [sflag:s31], $0x2800  }
0xd4: {  	[sflag:s31] =	ssyncset.done $0x0  }
.LBB2_8:
0xd5: {  	s11 =	rddreg [dreg:$0x19]  }
0xd6: {  	s10 =	rddreg [dreg:$0xf];
	s11 =	sadd.s32 $0x1, s11  }
0xd7: {  	p0 =	sne.s32 s11, s10  }
.Ltmp6:
0xd8: {  	_ = 	snop;
	(pc) =	sbr.rel @p0 .LBB2_1-.Ltmp6, $2  }
0xd9: {  	_ =	sdelay $0x2  }
0xda: {  	[sflag:s31] =	ssyncadd.s32 $0xFFFFD800;
	s13 =	simm.s32 $0x280;
	s14 =	simm.s32 $0x2C00  }
0xdb: {  	_ =	sfence.sel $0x180000  }
0xdc: {  	[bflag:$0x0] =	sbarrier.arrive $0xFFFF  }
0xdd: {  	_ =	strace $0x9000004A  }
0xde: {  	s0 =	stileid.u32;
	[bflag:$0x2] =	sbarrier.arrive $0xFFFF  }
0xdf: {  	p0 =	sne.s32 s0, $0x0;
	s0 =	rddreg [dreg:$0x3]  }
0xe0: {  	s0 =	sadd.s32 @!p0 $0x100000, s0  }
0xe1: {  	[sflag:s0] =	ssyncadd.tile.s32 @!p0 $0x1;
	_ =	shalt  }
.Lfunc_end2:
_tile_overlayer_lowered:
.L_overlay_start_2:
0xe2: {  	(tag) =	ssettag $0x2  }
0xe3: {  	s0 =	rddreg [dreg:$0x0];
	s2 =	stileid.u32  }
0xe4: {  	s1 =	rddreg [dreg:$0x1];
	p0 =	sne.s32 s2, $0x0  }
0xe5: {  	s3 =	rddreg [dreg:$0x2];
	[bflag:$0x3] =	sbarrier.arrive $0xFFFF;
	s2 =	simm.s32 @!p0 $0x1C0D  }
0xe6: {  	[timem:s3], [sflag:s2] =	dma.local @!p0 [hbm:s0], s1  }
0xe7: {  	s0 =	simm.s32 @!p0 $0xD  }
0xe8: {  	_ =	swait.ge @!p0 [sflag:s0], s1  }
0xe9: {  	s1 =	ssub.s32 @!p0 $0x0, s1;
	[sflag:s0] =	ssyncset.done @!p0 $0x0  }
0xea: {  	[sflag:s0] =	ssyncadd.s32 @!p0 s1  }
0xeb: {  	[bflag:$0x3] =	sbarrier.arrive $0xFFFF  }
0xec: {  	_ =	shalt  }

</sc_bundles>
